<compile_context>
chip_gen: v7x
topology: tpu7x:2x2x1
jax: 0.10.2.dev20260603
libtpu: 0.0.44.dev20260713+nightly
codegen_flags: <defaults>
</compile_context>

<pallas_src>
import functools

import jax
import jax.numpy as jnp
from jax import lax
from jax.experimental import pallas as pl
from jax.experimental.pallas import tpu as pltpu
from jax.experimental.pallas import tpu_sc as plsc

N_VARS = 1000000
X_LEN = 2 + 2 * N_VARS
N0 = 1000000
N1 = 500000
F = 8
EPS = 1e-15

NC, NS, L = 2, 16, 16
NW = NC * NS

C1 = 4000
NCHUNK1 = N0 // C1
C2 = 4000
NCHUNK2 = N1 // C2

_mesh = plsc.VectorSubcoreMesh(
    core_axis_name="c", subcore_axis_name="s", num_cores=NC, num_subcores=NS)


def _wid():
    return lax.axis_index("s") * NC + lax.axis_index("c")


@functools.partial(
    pl.kernel,
    out_type=jax.ShapeDtypeStruct((N0,), jnp.float32),
    mesh=_mesh,
    compiler_params=pltpu.CompilerParams(needs_layout_passes=False),
    scratch_types=[
        pltpu.VMEM((C1 * F,), jnp.int32),
        pltpu.VMEM((C1 * F,), jnp.float32),
        pltpu.VMEM((C1,), jnp.float32),
        pltpu.SemaphoreType.DMA,
    ],
)
def _sum_layer_sc(x_hbm, ptrs_hbm, h0_hbm, idx_v, g_v, out_v, sem):
    wid = _wid()
    lane = lax.iota(jnp.int32, L)

    def do_chunk(i):
        pltpu.sync_copy(ptrs_hbm.at[pl.ds(i * C1 * F, C1 * F)], idx_v)
        pltpu.async_copy(x_hbm.at[idx_v], g_v, sem).wait()

        def grp(t, _):
            b = t * (L * F)
            acc = plsc.load_gather(g_v, [b + lane * F])
            for j in range(1, F):
                acc = acc + plsc.load_gather(g_v, [b + lane * F + j])
            out_v[pl.ds(t * L, L)] = acc
            return 0

        lax.fori_loop(0, C1 // L, grp, 0)
        pltpu.sync_copy(out_v, h0_hbm.at[pl.ds(i * C1, C1)])

    for k in range(-(-NCHUNK1 // NW)):
        i = wid + k * NW
        if (k + 1) * NW <= NCHUNK1:
            do_chunk(i)
        else:
            @pl.when(i < NCHUNK1)
            def _():
                do_chunk(i)


@functools.partial(
    pl.kernel,
    out_type=(jax.ShapeDtypeStruct((N1,), jnp.float32),
              jax.ShapeDtypeStruct((N1,), jnp.float32)),
    mesh=_mesh,
    compiler_params=pltpu.CompilerParams(needs_layout_passes=False),
    scratch_types=[
        pltpu.VMEM((C2 * F,), jnp.int32),
        pltpu.VMEM((C2 * F,), jnp.float32),
        pltpu.VMEM((C2,), jnp.float32),
        pltpu.VMEM((C2,), jnp.float32),
        pltpu.SemaphoreType.DMA,
    ],
)
def _logsum_layer_sc(h0_hbm, ptrs_hbm, m_hbm, s_hbm, idx_v, g_v, m_v, s_v, sem):
    wid = _wid()
    lane = lax.iota(jnp.int32, L)

    def do_chunk(i):
        pltpu.sync_copy(ptrs_hbm.at[pl.ds(i * C2 * F, C2 * F)], idx_v)
        pltpu.async_copy(h0_hbm.at[idx_v], g_v, sem).wait()

        def grp(t, _):
            b = t * (L * F)
            g = [plsc.load_gather(g_v, [b + lane * F + j]) for j in range(F)]
            m = g[0]
            for j in range(1, F):
                m = jnp.maximum(m, g[j])
            s = jnp.exp(g[0] - m)
            for j in range(1, F):
                s = s + jnp.exp(g[j] - m)
            m_v[pl.ds(t * L, L)] = m
            s_v[pl.ds(t * L, L)] = s
            return 0

        lax.fori_loop(0, C2 // L, grp, 0)
        pltpu.sync_copy(m_v, m_hbm.at[pl.ds(i * C2, C2)])
        pltpu.sync_copy(s_v, s_hbm.at[pl.ds(i * C2, C2)])

    for k in range(-(-NCHUNK2 // NW)):
        i = wid + k * NW
        if (k + 1) * NW <= NCHUNK2:
            do_chunk(i)
        else:
            @pl.when(i < NCHUNK2)
            def _():
                do_chunk(i)


def _log_finish_body(m_ref, s_ref, o_ref):
    o_ref[...] = jnp.log(s_ref[...] + EPS) + m_ref[...]


_N1P = 524288


def _log_finish_tc(m, s):
    pad = _N1P - N1
    m2 = jnp.concatenate([m, jnp.zeros((pad,), jnp.float32)]).reshape(4096, 128)
    s2 = jnp.concatenate([s, jnp.ones((pad,), jnp.float32)]).reshape(4096, 128)
    out = pl.pallas_call(
        _log_finish_body,
        out_shape=jax.ShapeDtypeStruct((4096, 128), jnp.float32),
        grid=(8,),
        in_specs=[pl.BlockSpec((512, 128), lambda i: (i, 0)),
                  pl.BlockSpec((512, 128), lambda i: (i, 0))],
        out_specs=pl.BlockSpec((512, 128), lambda i: (i, 0)),
    )(m2, s2)
    return out.reshape(-1)[:N1]


def kernel(weights, neg_weights, ptrs0, seg0, ptrs1, seg1):
    interleaved = jnp.stack([weights, neg_weights], axis=1).reshape(-1)
    consts = jnp.array([-jnp.inf, 0.0], dtype=jnp.float32)
    x = jnp.concatenate([consts, interleaved])

    h0 = _sum_layer_sc(x, ptrs0.astype(jnp.int32))
    m, s = _logsum_layer_sc(h0, ptrs1.astype(jnp.int32))
    return _log_finish_tc(m, s)

# --- scband reference (transcript-rebuilt; emitter-appended) ---
"""Pipeline reference for scband-knowledge-module-31696858644646 (READ-ONLY COPY).

The authoritative reference and input builder live on the scoring server;
editing this copy changes nothing except your own understanding.
"""

import jax, jax.numpy as jnp
import numpy as np

N_VARS = 1000000
X0_LEN = 2 + 2 * N_VARS  # 2000002
E0, N0, F0 = 8000000, 1000000, 8
E1, N1, F1 = 4000000, 500000, 8
EPS = 1e-15


def _structure():
    # Deterministic circuit structure (equivalent to init-time pointers/csrs buffers).
    # csr offsets are arange(0, E+1, fanin); unroll_csr(csr) == repeat(arange(N), fanin).
    rng = np.random.default_rng(0)
    ptrs0 = rng.integers(1, X0_LEN, size=E0).astype(np.int64)  # avoid index 0 (-inf constant)
    seg0 = np.repeat(np.arange(N0, dtype=np.int64), F0)
    ptrs1 = rng.integers(0, N0, size=E1).astype(np.int64)
    seg1 = np.repeat(np.arange(N1, dtype=np.int64), F1)
    return (jnp.asarray(ptrs0), jnp.asarray(seg0), jnp.asarray(ptrs1), jnp.asarray(seg1))


def setup_inputs(seed: int = 0) -> dict:
    key = jax.random.key(seed)
    k1, k2 = jax.random.split(key)
    weights = jax.random.normal(k1, (N_VARS,), dtype=jnp.float32)
    neg_weights = jax.random.normal(k2, (N_VARS,), dtype=jnp.float32)
    ptrs0, seg0, ptrs1, seg1 = _structure()
    return {"weights": weights, "neg_weights": neg_weights,
            "ptrs0": ptrs0, "seg0": seg0, "ptrs1": ptrs1, "seg1": seg1}


def _encode_input_log(pos, neg):
    # torch.stack([pos, neg], dim=1).flatten() interleaves pos/neg; prepend [-inf, 0]
    result = jnp.stack([pos, neg], axis=1).reshape(-1)
    constants = jnp.array([-jnp.inf, 0.0], dtype=jnp.float32)
    return jnp.concatenate([constants, result])


def _sum_layer(x, ptrs, seg, n_out):
    # SumLayer: scatter_add of gathered x (log-domain product)
    return jax.ops.segment_sum(x[ptrs], seg, num_segments=n_out)


def _logsum_layer(x, ptrs, seg, n_out, epsilon=1e-15):
    # LogSumLayer: numerically-stable segment logsumexp with detached max
    g = x[ptrs]
    m = jax.lax.stop_gradient(jax.ops.segment_max(g, seg, num_segments=n_out))
    z = g - m[seg]
    z = jnp.nan_to_num(z, nan=0.0, posinf=jnp.inf, neginf=-jnp.inf)
    e = jnp.exp(z)
    s = jax.ops.segment_sum(e, seg, num_segments=n_out) + epsilon
    return jnp.log(s) + m


def reference(weights, neg_weights, ptrs0, seg0, ptrs1, seg1):
    x = _encode_input_log(weights, neg_weights)
    h0 = _sum_layer(x, ptrs0, seg0, N0)       # layer 0: prod_layer (SumLayer in log semiring)
    out = _logsum_layer(h0, ptrs1, seg1, N1)  # layer 1: sum_layer (LogSumLayer)
    return out

if __name__ == "__main__":
    import jax
    _d = setup_inputs()
    print(jax.jit(kernel)(*tuple(_d.values())))

</pallas_src>

<mosaic_0001>
#map = affine_map<(d0, d1) -> (0)>
module attributes {stable_mosaic.version = 14 : i64} {
  func.func @_logsum_layer_sc(%arg0: i32, %arg1: i32, %arg2: memref<1000000xf32, #tpu.memory_space<hbm>>, %arg3: memref<4000000xi32, #tpu.memory_space<hbm>>, %arg4: memref<500000xf32, #tpu.memory_space<hbm>>, %arg5: memref<500000xf32, #tpu.memory_space<hbm>>, %arg6: memref<32000xi32, #tpu.memory_space<vmem>>, %arg7: memref<32000xf32, #tpu.memory_space<vmem>>, %arg8: memref<4000xf32, #tpu.memory_space<vmem>>, %arg9: memref<4000xf32, #tpu.memory_space<vmem>>, %arg10: memref<!tpu.dma_semaphore, #tpu.memory_space<semaphore_mem>>) attributes {dimension_semantics = [#tpu.dimension_semantics<core_parallel>, #tpu.dimension_semantics<subcore_parallel>], iteration_bounds = array<i64: 2, 16>, scalar_prefetch = 0 : i64, scratch_operands = 5 : i64, tpu.core_type = #tpu.core_type<sc_vector_subcore>, window_params = [{transform_indices = #map}, {transform_indices = #map}, {transform_indices = #map}, {transform_indices = #map}]} {
    %mul3A = arith.constant 2 : i32
    %mul3A_0 = arith.muli %arg1, %mul3A : i32
    %add3A = arith.addi %mul3A_0, %arg0 : i32
    %iota3A = tpu.iota {dimensions = array<i32: 0>} : vector<16xi32>
    %add3A_1 = arith.constant 0 : i32
    %add3A_2 = arith.addi %add3A, %add3A_1 : i32
    %mul3A_3 = arith.constant 4000 : i32
    %mul3A_4 = arith.muli %add3A_2, %mul3A_3 : i32
    %mul3A_5 = arith.constant 8 : i32
    %mul3A_6 = arith.muli %mul3A_4, %mul3A_5 : i32
    "tpu.region"() ({
      %run_scoped3A = tpu.sem_alloc : memref<!tpu.dma_semaphore, #tpu.memory_space<semaphore_mem>>
      %dma_start3A_65 = tpu.memref_slice %arg3[%mul3A_6] : memref<4000000xi32, #tpu.memory_space<hbm>> -> memref<32000xi32, #tpu.memory_space<hbm>>
      %dma_start3A_66 = tpu.memref_slice %arg3[%mul3A_6] : memref<4000000xi32, #tpu.memory_space<hbm>> -> memref<32000xi32, #tpu.memory_space<hbm>>
      tpu.enqueue_dma source(%dma_start3A_66 : memref<32000xi32, #tpu.memory_space<hbm>>) target(%arg6 : memref<32000xi32, #tpu.memory_space<vmem>>) target_semaphore(%run_scoped3A : memref<!tpu.dma_semaphore, #tpu.memory_space<semaphore_mem>>)
      %dma_wait3A_67 = tpu.memref_slice %arg3[%mul3A_6] : memref<4000000xi32, #tpu.memory_space<hbm>> -> memref<32000xi32, #tpu.memory_space<hbm>>
      %dma_wait3A_68 = tpu.memref_slice %arg3[%mul3A_6] : memref<4000000xi32, #tpu.memory_space<hbm>> -> memref<32000xi32, #tpu.memory_space<hbm>>
      tpu.wait_dma2 semaphore(%run_scoped3A : memref<!tpu.dma_semaphore, #tpu.memory_space<semaphore_mem>>) src(%dma_wait3A_68 : memref<32000xi32, #tpu.memory_space<hbm>>) dst(%arg6 : memref<32000xi32, #tpu.memory_space<vmem>>)
      tpu.yield
    }) : () -> ()
    %dma_start3A = arith.constant 0 : i32
    %dma_start3A_7 = tpu.memref_slice %arg2[%dma_start3A] : memref<1000000xf32, #tpu.memory_space<hbm>> -> memref<1000000xf32, #tpu.memory_space<hbm>>
    tpu.enqueue_indirect_dma source(%dma_start3A_7 : memref<1000000xf32, #tpu.memory_space<hbm>>) target(%arg7 : memref<32000xf32, #tpu.memory_space<vmem>>) offsets(%arg6 : memref<32000xi32, #tpu.memory_space<vmem>>) semaphore(%arg10 : memref<!tpu.dma_semaphore, #tpu.memory_space<semaphore_mem>>)
    %dma_wait3A = arith.constant 0 : i32
    %dma_wait3A_8 = tpu.memref_slice %arg2[%dma_wait3A] : memref<1000000xf32, #tpu.memory_space<hbm>> -> memref<1000000xf32, #tpu.memory_space<hbm>>
    tpu.wait_indirect_dma semaphore(%arg10 : memref<!tpu.dma_semaphore, #tpu.memory_space<semaphore_mem>>) src(%dma_wait3A_8 : memref<1000000xf32, #tpu.memory_space<hbm>>) dst(%arg7 : memref<32000xf32, #tpu.memory_space<vmem>>)
    %scan3A = arith.constant 0 : i32
    %scan3A_9 = arith.constant 0 : i32
    %scan3A_10 = arith.constant 250 : i32
    %scan3A_11 = arith.addi %scan3A_9, %scan3A_10 : i32
    %scan3A_12 = arith.constant 1 : i32
    %scan3A_13 = scf.for %scan3A_65 = %scan3A_9 to %scan3A_11 step %scan3A_12 iter_args(%scan3A_66 = %scan3A) -> (i32)  : i32 {
      %mul3A_67 = arith.constant 128 : i32
      %mul3A_68 = arith.muli %scan3A_65, %mul3A_67 : i32
      %mul3A_69 = arith.constant 8 : i32
      %mul3A_70 = vector.broadcast %mul3A_69 : i32 to vector<16xi32>
      %mul3A_71 = arith.muli %iota3A, %mul3A_70 : vector<16xi32>
      %add3A_72 = vector.broadcast %mul3A_68 : i32 to vector<16xi32>
      %add3A_73 = arith.addi %add3A_72, %mul3A_71 : vector<16xi32>
      %add3A_74 = arith.constant 0 : i32
      %add3A_75 = vector.broadcast %add3A_74 : i32 to vector<16xi32>
      %add3A_76 = arith.addi %add3A_73, %add3A_75 : vector<16xi32>
      %gather3A = tpu.vector_load_idx %arg7[%add3A_76] : memref<32000xf32, #tpu.memory_space<vmem>>[vector<16xi32>], vector<16xf32>,
      %mul3A_77 = arith.constant 8 : i32
      %mul3A_78 = vector.broadcast %mul3A_77 : i32 to vector<16xi32>
      %mul3A_79 = arith.muli %iota3A, %mul3A_78 : vector<16xi32>
      %add3A_80 = vector.broadcast %mul3A_68 : i32 to vector<16xi32>
      %add3A_81 = arith.addi %add3A_80, %mul3A_79 : vector<16xi32>
      %add3A_82 = arith.constant 1 : i32
      %add3A_83 = vector.broadcast %add3A_82 : i32 to vector<16xi32>
      %add3A_84 = arith.addi %add3A_81, %add3A_83 : vector<16xi32>
      %gather3A_85 = tpu.vector_load_idx %arg7[%add3A_84] : memref<32000xf32, #tpu.memory_space<vmem>>[vector<16xi32>], vector<16xf32>,
      %mul3A_86 = arith.constant 8 : i32
      %mul3A_87 = vector.broadcast %mul3A_86 : i32 to vector<16xi32>
      %mul3A_88 = arith.muli %iota3A, %mul3A_87 : vector<16xi32>
      %add3A_89 = vector.broadcast %mul3A_68 : i32 to vector<16xi32>
      %add3A_90 = arith.addi %add3A_89, %mul3A_88 : vector<16xi32>
      %add3A_91 = arith.constant 2 : i32
      %add3A_92 = vector.broadcast %add3A_91 : i32 to vector<16xi32>
      %add3A_93 = arith.addi %add3A_90, %add3A_92 : vector<16xi32>
      %gather3A_94 = tpu.vector_load_idx %arg7[%add3A_93] : memref<32000xf32, #tpu.memory_space<vmem>>[vector<16xi32>], vector<16xf32>,
      %mul3A_95 = arith.constant 8 : i32
      %mul3A_96 = vector.broadcast %mul3A_95 : i32 to vector<16xi32>
      %mul3A_97 = arith.muli %iota3A, %mul3A_96 : vector<16xi32>
      %add3A_98 = vector.broadcast %mul3A_68 : i32 to vector<16xi32>
      %add3A_99 = arith.addi %add3A_98, %mul3A_97 : vector<16xi32>
      %add3A_100 = arith.constant 3 : i32
      %add3A_101 = vector.broadcast %add3A_100 : i32 to vector<16xi32>
      %add3A_102 = arith.addi %add3A_99, %add3A_101 : vector<16xi32>
      %gather3A_103 = tpu.vector_load_idx %arg7[%add3A_102] : memref<32000xf32, #tpu.memory_space<vmem>>[vector<16xi32>], vector<16xf32>,
      %mul3A_104 = arith.constant 8 : i32
      %mul3A_105 = vector.broadcast %mul3A_104 : i32 to vector<16xi32>
      %mul3A_106 = arith.muli %iota3A, %mul3A_105 : vector<16xi32>
      %add3A_107 = vector.broadcast %mul3A_68 : i32 to vector<16xi32>
      %add3A_108 = arith.addi %add3A_107, %mul3A_106 : vector<16xi32>
      %add3A_109 = arith.constant 4 : i32
      %add3A_110 = vector.broadcast %add3A_109 : i32 to vector<16xi32>
      %add3A_111 = arith.addi %add3A_108, %add3A_110 : vector<16xi32>
      %gather3A_112 = tpu.vector_load_idx %arg7[%add3A_111] : memref<32000xf32, #tpu.memory_space<vmem>>[vector<16xi32>], vector<16xf32>,
      %mul3A_113 = arith.constant 8 : i32
      %mul3A_114 = vector.broadcast %mul3A_113 : i32 to vector<16xi32>
      %mul3A_115 = arith.muli %iota3A, %mul3A_114 : vector<16xi32>
      %add3A_116 = vector.broadcast %mul3A_68 : i32 to vector<16xi32>
      %add3A_117 = arith.addi %add3A_116, %mul3A_115 : vector<16xi32>
      %add3A_118 = arith.constant 5 : i32
      %add3A_119 = vector.broadcast %add3A_118 : i32 to vector<16xi32>
      %add3A_120 = arith.addi %add3A_117, %add3A_119 : vector<16xi32>
      %gather3A_121 = tpu.vector_load_idx %arg7[%add3A_120] : memref<32000xf32, #tpu.memory_space<vmem>>[vector<16xi32>], vector<16xf32>,
      %mul3A_122 = arith.constant 8 : i32
      %mul3A_123 = vector.broadcast %mul3A_122 : i32 to vector<16xi32>
      %mul3A_124 = arith.muli %iota3A, %mul3A_123 : vector<16xi32>
      %add3A_125 = vector.broadcast %mul3A_68 : i32 to vector<16xi32>
      %add3A_126 = arith.addi %add3A_125, %mul3A_124 : vector<16xi32>
      %add3A_127 = arith.constant 6 : i32
      %add3A_128 = vector.broadcast %add3A_127 : i32 to vector<16xi32>
      %add3A_129 = arith.addi %add3A_126, %add3A_128 : vector<16xi32>
      %gather3A_130 = tpu.vector_load_idx %arg7[%add3A_129] : memref<32000xf32, #tpu.memory_space<vmem>>[vector<16xi32>], vector<16xf32>,
      %mul3A_131 = arith.constant 8 : i32
      %mul3A_132 = vector.broadcast %mul3A_131 : i32 to vector<16xi32>
      %mul3A_133 = arith.muli %iota3A, %mul3A_132 : vector<16xi32>
      %add3A_134 = vector.broadcast %mul3A_68 : i32 to vector<16xi32>
      %add3A_135 = arith.addi %add3A_134, %mul3A_133 : vector<16xi32>
      %add3A_136 = arith.constant 7 : i32
      %add3A_137 = vector.broadcast %add3A_136 : i32 to vector<16xi32>
      %add3A_138 = arith.addi %add3A_135, %add3A_137 : vector<16xi32>
      %gather3A_139 = tpu.vector_load_idx %arg7[%add3A_138] : memref<32000xf32, #tpu.memory_space<vmem>>[vector<16xi32>], vector<16xf32>,
      %max3A = arith.maximumf %gather3A, %gather3A_85 : vector<16xf32>
      %max3A_140 = arith.maximumf %max3A, %gather3A_94 : vector<16xf32>
      %max3A_141 = arith.maximumf %max3A_140, %gather3A_103 : vector<16xf32>
      %max3A_142 = arith.maximumf %max3A_141, %gather3A_112 : vector<16xf32>
      %max3A_143 = arith.maximumf %max3A_142, %gather3A_121 : vector<16xf32>
      %max3A_144 = arith.maximumf %max3A_143, %gather3A_130 : vector<16xf32>
      %max3A_145 = arith.maximumf %max3A_144, %gather3A_139 : vector<16xf32>
      %sub3A = arith.subf %gather3A, %max3A_145 : vector<16xf32>
      %exp3A = math.exp %sub3A : vector<16xf32>
      %sub3A_146 = arith.subf %gather3A_85, %max3A_145 : vector<16xf32>
      %exp3A_147 = math.exp %sub3A_146 : vector<16xf32>
      %add3A_148 = arith.addf %exp3A, %exp3A_147 : vector<16xf32>
      %sub3A_149 = arith.subf %gather3A_94, %max3A_145 : vector<16xf32>
      %exp3A_150 = math.exp %sub3A_149 : vector<16xf32>
      %add3A_151 = arith.addf %add3A_148, %exp3A_150 : vector<16xf32>
      %sub3A_152 = arith.subf %gather3A_103, %max3A_145 : vector<16xf32>
      %exp3A_153 = math.exp %sub3A_152 : vector<16xf32>
      %add3A_154 = arith.addf %add3A_151, %exp3A_153 : vector<16xf32>
      %sub3A_155 = arith.subf %gather3A_112, %max3A_145 : vector<16xf32>
      %exp3A_156 = math.exp %sub3A_155 : vector<16xf32>
      %add3A_157 = arith.addf %add3A_154, %exp3A_156 : vector<16xf32>
      %sub3A_158 = arith.subf %gather3A_121, %max3A_145 : vector<16xf32>
      %exp3A_159 = math.exp %sub3A_158 : vector<16xf32>
      %add3A_160 = arith.addf %add3A_157, %exp3A_159 : vector<16xf32>
      %sub3A_161 = arith.subf %gather3A_130, %max3A_145 : vector<16xf32>
      %exp3A_162 = math.exp %sub3A_161 : vector<16xf32>
      %add3A_163 = arith.addf %add3A_160, %exp3A_162 : vector<16xf32>
      %sub3A_164 = arith.subf %gather3A_139, %max3A_145 : vector<16xf32>
      %exp3A_165 = math.exp %sub3A_164 : vector<16xf32>
      %add3A_166 = arith.addf %add3A_163, %exp3A_165 : vector<16xf32>
      %mul3A_167 = arith.constant 16 : i32
      %mul3A_168 = arith.muli %scan3A_65, %mul3A_167 : i32
      %swap3A = arith.index_cast %mul3A_168 : i32 to index
      %swap3A_169 = tpu.vector_load %arg8[%swap3A] {strides = array<i32>} : memref<4000xf32, #tpu.memory_space<vmem>>, vector<16xf32>,
      tpu.vector_store %arg8[%swap3A], %max3A_145 {strides = array<i32>} : memref<4000xf32, #tpu.memory_space<vmem>>, vector<16xf32>,
      %mul3A_170 = arith.constant 16 : i32
      %mul3A_171 = arith.muli %scan3A_65, %mul3A_170 : i32
      %swap3A_172 = arith.index_cast %mul3A_171 : i32 to index
      %swap3A_173 = tpu.vector_load %arg9[%swap3A_172] {strides = array<i32>} : memref<4000xf32, #tpu.memory_space<vmem>>, vector<16xf32>,
      tpu.vector_store %arg9[%swap3A_172], %add3A_166 {strides = array<i32>} : memref<4000xf32, #tpu.memory_space<vmem>>, vector<16xf32>,
      %scan3A_174 = arith.constant 0 : i32
      scf.yield %scan3A_174 : i32
    }
    %scan3A_14 = arith.constant 250 : i32
    %mul3A_15 = arith.constant 4000 : i32
    %mul3A_16 = arith.muli %add3A_2, %mul3A_15 : i32
    "tpu.region"() ({
      %run_scoped3A = tpu.sem_alloc : memref<!tpu.dma_semaphore, #tpu.memory_space<semaphore_mem>>
      %dma_start3A_65 = tpu.memref_slice %arg4[%mul3A_16] : memref<500000xf32, #tpu.memory_space<hbm>> -> memref<4000xf32, #tpu.memory_space<hbm>>
      %dma_start3A_66 = tpu.memref_slice %arg4[%mul3A_16] : memref<500000xf32, #tpu.memory_space<hbm>> -> memref<4000xf32, #tpu.memory_space<hbm>>
      tpu.enqueue_dma source(%arg8 : memref<4000xf32, #tpu.memory_space<vmem>>) target(%dma_start3A_66 : memref<4000xf32, #tpu.memory_space<hbm>>) target_semaphore(%run_scoped3A : memref<!tpu.dma_semaphore, #tpu.memory_space<semaphore_mem>>)
      %dma_wait3A_67 = tpu.memref_slice %arg4[%mul3A_16] : memref<500000xf32, #tpu.memory_space<hbm>> -> memref<4000xf32, #tpu.memory_space<hbm>>
      %dma_wait3A_68 = tpu.memref_slice %arg4[%mul3A_16] : memref<500000xf32, #tpu.memory_space<hbm>> -> memref<4000xf32, #tpu.memory_space<hbm>>
      tpu.wait_dma2 semaphore(%run_scoped3A : memref<!tpu.dma_semaphore, #tpu.memory_space<semaphore_mem>>) src(%arg8 : memref<4000xf32, #tpu.memory_space<vmem>>) dst(%dma_wait3A_68 : memref<4000xf32, #tpu.memory_space<hbm>>)
      tpu.yield
    }) : () -> ()
    %mul3A_17 = arith.constant 4000 : i32
    %mul3A_18 = arith.muli %add3A_2, %mul3A_17 : i32
    "tpu.region"() ({
      %run_scoped3A = tpu.sem_alloc : memref<!tpu.dma_semaphore, #tpu.memory_space<semaphore_mem>>
      %dma_start3A_65 = tpu.memref_slice %arg5[%mul3A_18] : memref<500000xf32, #tpu.memory_space<hbm>> -> memref<4000xf32, #tpu.memory_space<hbm>>
      %dma_start3A_66 = tpu.memref_slice %arg5[%mul3A_18] : memref<500000xf32, #tpu.memory_space<hbm>> -> memref<4000xf32, #tpu.memory_space<hbm>>
      tpu.enqueue_dma source(%arg9 : memref<4000xf32, #tpu.memory_space<vmem>>) target(%dma_start3A_66 : memref<4000xf32, #tpu.memory_space<hbm>>) target_semaphore(%run_scoped3A : memref<!tpu.dma_semaphore, #tpu.memory_space<semaphore_mem>>)
      %dma_wait3A_67 = tpu.memref_slice %arg5[%mul3A_18] : memref<500000xf32, #tpu.memory_space<hbm>> -> memref<4000xf32, #tpu.memory_space<hbm>>
      %dma_wait3A_68 = tpu.memref_slice %arg5[%mul3A_18] : memref<500000xf32, #tpu.memory_space<hbm>> -> memref<4000xf32, #tpu.memory_space<hbm>>
      tpu.wait_dma2 semaphore(%run_scoped3A : memref<!tpu.dma_semaphore, #tpu.memory_space<semaphore_mem>>) src(%arg9 : memref<4000xf32, #tpu.memory_space<vmem>>) dst(%dma_wait3A_68 : memref<4000xf32, #tpu.memory_space<hbm>>)
      tpu.yield
    }) : () -> ()
    %add3A_19 = arith.constant 32 : i32
    %add3A_20 = arith.addi %add3A, %add3A_19 : i32
    %mul3A_21 = arith.constant 4000 : i32
    %mul3A_22 = arith.muli %add3A_20, %mul3A_21 : i32
    %mul3A_23 = arith.constant 8 : i32
    %mul3A_24 = arith.muli %mul3A_22, %mul3A_23 : i32
    "tpu.region"() ({
      %run_scoped3A = tpu.sem_alloc : memref<!tpu.dma_semaphore, #tpu.memory_space<semaphore_mem>>
      %dma_start3A_65 = tpu.memref_slice %arg3[%mul3A_24] : memref<4000000xi32, #tpu.memory_space<hbm>> -> memref<32000xi32, #tpu.memory_space<hbm>>
      %dma_start3A_66 = tpu.memref_slice %arg3[%mul3A_24] : memref<4000000xi32, #tpu.memory_space<hbm>> -> memref<32000xi32, #tpu.memory_space<hbm>>
      tpu.enqueue_dma source(%dma_start3A_66 : memref<32000xi32, #tpu.memory_space<hbm>>) target(%arg6 : memref<32000xi32, #tpu.memory_space<vmem>>) target_semaphore(%run_scoped3A : memref<!tpu.dma_semaphore, #tpu.memory_space<semaphore_mem>>)
      %dma_wait3A_67 = tpu.memref_slice %arg3[%mul3A_24] : memref<4000000xi32, #tpu.memory_space<hbm>> -> memref<32000xi32, #tpu.memory_space<hbm>>
      %dma_wait3A_68 = tpu.memref_slice %arg3[%mul3A_24] : memref<4000000xi32, #tpu.memory_space<hbm>> -> memref<32000xi32, #tpu.memory_space<hbm>>
      tpu.wait_dma2 semaphore(%run_scoped3A : memref<!tpu.dma_semaphore, #tpu.memory_space<semaphore_mem>>) src(%dma_wait3A_68 : memref<32000xi32, #tpu.memory_space<hbm>>) dst(%arg6 : memref<32000xi32, #tpu.memory_space<vmem>>)
      tpu.yield
    }) : () -> ()
    %dma_start3A_25 = arith.constant 0 : i32
    %dma_start3A_26 = tpu.memref_slice %arg2[%dma_start3A_25] : memref<1000000xf32, #tpu.memory_space<hbm>> -> memref<1000000xf32, #tpu.memory_space<hbm>>
    tpu.enqueue_indirect_dma source(%dma_start3A_26 : memref<1000000xf32, #tpu.memory_space<hbm>>) target(%arg7 : memref<32000xf32, #tpu.memory_space<vmem>>) offsets(%arg6 : memref<32000xi32, #tpu.memory_space<vmem>>) semaphore(%arg10 : memref<!tpu.dma_semaphore, #tpu.memory_space<semaphore_mem>>)
    %dma_wait3A_27 = arith.constant 0 : i32
    %dma_wait3A_28 = tpu.memref_slice %arg2[%dma_wait3A_27] : memref<1000000xf32, #tpu.memory_space<hbm>> -> memref<1000000xf32, #tpu.memory_space<hbm>>
    tpu.wait_indirect_dma semaphore(%arg10 : memref<!tpu.dma_semaphore, #tpu.memory_space<semaphore_mem>>) src(%dma_wait3A_28 : memref<1000000xf32, #tpu.memory_space<hbm>>) dst(%arg7 : memref<32000xf32, #tpu.memory_space<vmem>>)
    %scan3A_29 = arith.constant 0 : i32
    %scan3A_30 = arith.constant 0 : i32
    %scan3A_31 = arith.constant 250 : i32
    %scan3A_32 = arith.addi %scan3A_30, %scan3A_31 : i32
    %scan3A_33 = arith.constant 1 : i32
    %scan3A_34 = scf.for %scan3A_65 = %scan3A_30 to %scan3A_32 step %scan3A_33 iter_args(%scan3A_66 = %scan3A_29) -> (i32)  : i32 {
      %mul3A_67 = arith.constant 128 : i32
      %mul3A_68 = arith.muli %scan3A_65, %mul3A_67 : i32
      %mul3A_69 = arith.constant 8 : i32
      %mul3A_70 = vector.broadcast %mul3A_69 : i32 to vector<16xi32>
      %mul3A_71 = arith.muli %iota3A, %mul3A_70 : vector<16xi32>
      %add3A_72 = vector.broadcast %mul3A_68 : i32 to vector<16xi32>
      %add3A_73 = arith.addi %add3A_72, %mul3A_71 : vector<16xi32>
      %add3A_74 = arith.constant 0 : i32
      %add3A_75 = vector.broadcast %add3A_74 : i32 to vector<16xi32>
      %add3A_76 = arith.addi %add3A_73, %add3A_75 : vector<16xi32>
      %gather3A = tpu.vector_load_idx %arg7[%add3A_76] : memref<32000xf32, #tpu.memory_space<vmem>>[vector<16xi32>], vector<16xf32>,
      %mul3A_77 = arith.constant 8 : i32
      %mul3A_78 = vector.broadcast %mul3A_77 : i32 to vector<16xi32>
      %mul3A_79 = arith.muli %iota3A, %mul3A_78 : vector<16xi32>
      %add3A_80 = vector.broadcast %mul3A_68 : i32 to vector<16xi32>
      %add3A_81 = arith.addi %add3A_80, %mul3A_79 : vector<16xi32>
      %add3A_82 = arith.constant 1 : i32
      %add3A_83 = vector.broadcast %add3A_82 : i32 to vector<16xi32>
      %add3A_84 = arith.addi %add3A_81, %add3A_83 : vector<16xi32>
      %gather3A_85 = tpu.vector_load_idx %arg7[%add3A_84] : memref<32000xf32, #tpu.memory_space<vmem>>[vector<16xi32>], vector<16xf32>,
      %mul3A_86 = arith.constant 8 : i32
      %mul3A_87 = vector.broadcast %mul3A_86 : i32 to vector<16xi32>
      %mul3A_88 = arith.muli %iota3A, %mul3A_87 : vector<16xi32>
      %add3A_89 = vector.broadcast %mul3A_68 : i32 to vector<16xi32>
      %add3A_90 = arith.addi %add3A_89, %mul3A_88 : vector<16xi32>
      %add3A_91 = arith.constant 2 : i32
      %add3A_92 = vector.broadcast %add3A_91 : i32 to vector<16xi32>
      %add3A_93 = arith.addi %add3A_90, %add3A_92 : vector<16xi32>
      %gather3A_94 = tpu.vector_load_idx %arg7[%add3A_93] : memref<32000xf32, #tpu.memory_space<vmem>>[vector<16xi32>], vector<16xf32>,
      %mul3A_95 = arith.constant 8 : i32
      %mul3A_96 = vector.broadcast %mul3A_95 : i32 to vector<16xi32>
      %mul3A_97 = arith.muli %iota3A, %mul3A_96 : vector<16xi32>
      %add3A_98 = vector.broadcast %mul3A_68 : i32 to vector<16xi32>
      %add3A_99 = arith.addi %add3A_98, %mul3A_97 : vector<16xi32>
      %add3A_100 = arith.constant 3 : i32
      %add3A_101 = vector.broadcast %add3A_100 : i32 to vector<16xi32>
      %add3A_102 = arith.addi %add3A_99, %add3A_101 : vector<16xi32>
      %gather3A_103 = tpu.vector_load_idx %arg7[%add3A_102] : memref<32000xf32, #tpu.memory_space<vmem>>[vector<16xi32>], vector<16xf32>,
      %mul3A_104 = arith.constant 8 : i32
      %mul3A_105 = vector.broadcast %mul3A_104 : i32 to vector<16xi32>
      %mul3A_106 = arith.muli %iota3A, %mul3A_105 : vector<16xi32>
      %add3A_107 = vector.broadcast %mul3A_68 : i32 to vector<16xi32>
      %add3A_108 = arith.addi %add3A_107, %mul3A_106 : vector<16xi32>
      %add3A_109 = arith.constant 4 : i32
      %add3A_110 = vector.broadcast %add3A_109 : i32 to vector<16xi32>
      %add3A_111 = arith.addi %add3A_108, %add3A_110 : vector<16xi32>
      %gather3A_112 = tpu.vector_load_idx %arg7[%add3A_111] : memref<32000xf32, #tpu.memory_space<vmem>>[vector<16xi32>], vector<16xf32>,
      %mul3A_113 = arith.constant 8 : i32
      %mul3A_114 = vector.broadcast %mul3A_113 : i32 to vector<16xi32>
      %mul3A_115 = arith.muli %iota3A, %mul3A_114 : vector<16xi32>
      %add3A_116 = vector.broadcast %mul3A_68 : i32 to vector<16xi32>
      %add3A_117 = arith.addi %add3A_116, %mul3A_115 : vector<16xi32>
      %add3A_118 = arith.constant 5 : i32
      %add3A_119 = vector.broadcast %add3A_118 : i32 to vector<16xi32>
      %add3A_120 = arith.addi %add3A_117, %add3A_119 : vector<16xi32>
      %gather3A_121 = tpu.vector_load_idx %arg7[%add3A_120] : memref<32000xf32, #tpu.memory_space<vmem>>[vector<16xi32>], vector<16xf32>,
      %mul3A_122 = arith.constant 8 : i32
      %mul3A_123 = vector.broadcast %mul3A_122 : i32 to vector<16xi32>
      %mul3A_124 = arith.muli %iota3A, %mul3A_123 : vector<16xi32>
      %add3A_125 = vector.broadcast %mul3A_68 : i32 to vector<16xi32>
      %add3A_126 = arith.addi %add3A_125, %mul3A_124 : vector<16xi32>
      %add3A_127 = arith.constant 6 : i32
      %add3A_128 = vector.broadcast %add3A_127 : i32 to vector<16xi32>
      %add3A_129 = arith.addi %add3A_126, %add3A_128 : vector<16xi32>
      %gather3A_130 = tpu.vector_load_idx %arg7[%add3A_129] : memref<32000xf32, #tpu.memory_space<vmem>>[vector<16xi32>], vector<16xf32>,
      %mul3A_131 = arith.constant 8 : i32
      %mul3A_132 = vector.broadcast %mul3A_131 : i32 to vector<16xi32>
      %mul3A_133 = arith.muli %iota3A, %mul3A_132 : vector<16xi32>
      %add3A_134 = vector.broadcast %mul3A_68 : i32 to vector<16xi32>
      %add3A_135 = arith.addi %add3A_134, %mul3A_133 : vector<16xi32>
      %add3A_136 = arith.constant 7 : i32
      %add3A_137 = vector.broadcast %add3A_136 : i32 to vector<16xi32>
      %add3A_138 = arith.addi %add3A_135, %add3A_137 : vector<16xi32>
      %gather3A_139 = tpu.vector_load_idx %arg7[%add3A_138] : memref<32000xf32, #tpu.memory_space<vmem>>[vector<16xi32>], vector<16xf32>,
      %max3A = arith.maximumf %gather3A, %gather3A_85 : vector<16xf32>
      %max3A_140 = arith.maximumf %max3A, %gather3A_94 : vector<16xf32>
      %max3A_141 = arith.maximumf %max3A_140, %gather3A_103 : vector<16xf32>
      %max3A_142 = arith.maximumf %max3A_141, %gather3A_112 : vector<16xf32>
      %max3A_143 = arith.maximumf %max3A_142, %gather3A_121 : vector<16xf32>
      %max3A_144 = arith.maximumf %max3A_143, %gather3A_130 : vector<16xf32>
      %max3A_145 = arith.maximumf %max3A_144, %gather3A_139 : vector<16xf32>
      %sub3A = arith.subf %gather3A, %max3A_145 : vector<16xf32>
      %exp3A = math.exp %sub3A : vector<16xf32>
      %sub3A_146 = arith.subf %gather3A_85, %max3A_145 : vector<16xf32>
      %exp3A_147 = math.exp %sub3A_146 : vector<16xf32>
      %add3A_148 = arith.addf %exp3A, %exp3A_147 : vector<16xf32>
      %sub3A_149 = arith.subf %gather3A_94, %max3A_145 : vector<16xf32>
      %exp3A_150 = math.exp %sub3A_149 : vector<16xf32>
      %add3A_151 = arith.addf %add3A_148, %exp3A_150 : vector<16xf32>
      %sub3A_152 = arith.subf %gather3A_103, %max3A_145 : vector<16xf32>
      %exp3A_153 = math.exp %sub3A_152 : vector<16xf32>
      %add3A_154 = arith.addf %add3A_151, %exp3A_153 : vector<16xf32>
      %sub3A_155 = arith.subf %gather3A_112, %max3A_145 : vector<16xf32>
      %exp3A_156 = math.exp %sub3A_155 : vector<16xf32>
      %add3A_157 = arith.addf %add3A_154, %exp3A_156 : vector<16xf32>
      %sub3A_158 = arith.subf %gather3A_121, %max3A_145 : vector<16xf32>
      %exp3A_159 = math.exp %sub3A_158 : vector<16xf32>
      %add3A_160 = arith.addf %add3A_157, %exp3A_159 : vector<16xf32>
      %sub3A_161 = arith.subf %gather3A_130, %max3A_145 : vector<16xf32>
      %exp3A_162 = math.exp %sub3A_161 : vector<16xf32>
      %add3A_163 = arith.addf %add3A_160, %exp3A_162 : vector<16xf32>
      %sub3A_164 = arith.subf %gather3A_139, %max3A_145 : vector<16xf32>
      %exp3A_165 = math.exp %sub3A_164 : vector<16xf32>
      %add3A_166 = arith.addf %add3A_163, %exp3A_165 : vector<16xf32>
      %mul3A_167 = arith.constant 16 : i32
      %mul3A_168 = arith.muli %scan3A_65, %mul3A_167 : i32
      %swap3A = arith.index_cast %mul3A_168 : i32 to index
      %swap3A_169 = tpu.vector_load %arg8[%swap3A] {strides = array<i32>} : memref<4000xf32, #tpu.memory_space<vmem>>, vector<16xf32>,
      tpu.vector_store %arg8[%swap3A], %max3A_145 {strides = array<i32>} : memref<4000xf32, #tpu.memory_space<vmem>>, vector<16xf32>,
      %mul3A_170 = arith.constant 16 : i32
      %mul3A_171 = arith.muli %scan3A_65, %mul3A_170 : i32
      %swap3A_172 = arith.index_cast %mul3A_171 : i32 to index
      %swap3A_173 = tpu.vector_load %arg9[%swap3A_172] {strides = array<i32>} : memref<4000xf32, #tpu.memory_space<vmem>>, vector<16xf32>,
      tpu.vector_store %arg9[%swap3A_172], %add3A_166 {strides = array<i32>} : memref<4000xf32, #tpu.memory_space<vmem>>, vector<16xf32>,
      %scan3A_174 = arith.constant 0 : i32
      scf.yield %scan3A_174 : i32
    }
    %scan3A_35 = arith.constant 250 : i32
    %mul3A_36 = arith.constant 4000 : i32
    %mul3A_37 = arith.muli %add3A_20, %mul3A_36 : i32
    "tpu.region"() ({
      %run_scoped3A = tpu.sem_alloc : memref<!tpu.dma_semaphore, #tpu.memory_space<semaphore_mem>>
      %dma_start3A_65 = tpu.memref_slice %arg4[%mul3A_37] : memref<500000xf32, #tpu.memory_space<hbm>> -> memref<4000xf32, #tpu.memory_space<hbm>>
      %dma_start3A_66 = tpu.memref_slice %arg4[%mul3A_37] : memref<500000xf32, #tpu.memory_space<hbm>> -> memref<4000xf32, #tpu.memory_space<hbm>>
      tpu.enqueue_dma source(%arg8 : memref<4000xf32, #tpu.memory_space<vmem>>) target(%dma_start3A_66 : memref<4000xf32, #tpu.memory_space<hbm>>) target_semaphore(%run_scoped3A : memref<!tpu.dma_semaphore, #tpu.memory_space<semaphore_mem>>)
      %dma_wait3A_67 = tpu.memref_slice %arg4[%mul3A_37] : memref<500000xf32, #tpu.memory_space<hbm>> -> memref<4000xf32, #tpu.memory_space<hbm>>
      %dma_wait3A_68 = tpu.memref_slice %arg4[%mul3A_37] : memref<500000xf32, #tpu.memory_space<hbm>> -> memref<4000xf32, #tpu.memory_space<hbm>>
      tpu.wait_dma2 semaphore(%run_scoped3A : memref<!tpu.dma_semaphore, #tpu.memory_space<semaphore_mem>>) src(%arg8 : memref<4000xf32, #tpu.memory_space<vmem>>) dst(%dma_wait3A_68 : memref<4000xf32, #tpu.memory_space<hbm>>)
      tpu.yield
    }) : () -> ()
    %mul3A_38 = arith.constant 4000 : i32
    %mul3A_39 = arith.muli %add3A_20, %mul3A_38 : i32
    "tpu.region"() ({
      %run_scoped3A = tpu.sem_alloc : memref<!tpu.dma_semaphore, #tpu.memory_space<semaphore_mem>>
      %dma_start3A_65 = tpu.memref_slice %arg5[%mul3A_39] : memref<500000xf32, #tpu.memory_space<hbm>> -> memref<4000xf32, #tpu.memory_space<hbm>>
      %dma_start3A_66 = tpu.memref_slice %arg5[%mul3A_39] : memref<500000xf32, #tpu.memory_space<hbm>> -> memref<4000xf32, #tpu.memory_space<hbm>>
      tpu.enqueue_dma source(%arg9 : memref<4000xf32, #tpu.memory_space<vmem>>) target(%dma_start3A_66 : memref<4000xf32, #tpu.memory_space<hbm>>) target_semaphore(%run_scoped3A : memref<!tpu.dma_semaphore, #tpu.memory_space<semaphore_mem>>)
      %dma_wait3A_67 = tpu.memref_slice %arg5[%mul3A_39] : memref<500000xf32, #tpu.memory_space<hbm>> -> memref<4000xf32, #tpu.memory_space<hbm>>
      %dma_wait3A_68 = tpu.memref_slice %arg5[%mul3A_39] : memref<500000xf32, #tpu.memory_space<hbm>> -> memref<4000xf32, #tpu.memory_space<hbm>>
      tpu.wait_dma2 semaphore(%run_scoped3A : memref<!tpu.dma_semaphore, #tpu.memory_space<semaphore_mem>>) src(%arg9 : memref<4000xf32, #tpu.memory_space<vmem>>) dst(%dma_wait3A_68 : memref<4000xf32, #tpu.memory_space<hbm>>)
      tpu.yield
    }) : () -> ()
    %add3A_40 = arith.constant 64 : i32
    %add3A_41 = arith.addi %add3A, %add3A_40 : i32
    %mul3A_42 = arith.constant 4000 : i32
    %mul3A_43 = arith.muli %add3A_41, %mul3A_42 : i32
    %mul3A_44 = arith.constant 8 : i32
    %mul3A_45 = arith.muli %mul3A_43, %mul3A_44 : i32
    "tpu.region"() ({
      %run_scoped3A = tpu.sem_alloc : memref<!tpu.dma_semaphore, #tpu.memory_space<semaphore_mem>>
      %dma_start3A_65 = tpu.memref_slice %arg3[%mul3A_45] : memref<4000000xi32, #tpu.memory_space<hbm>> -> memref<32000xi32, #tpu.memory_space<hbm>>
      %dma_start3A_66 = tpu.memref_slice %arg3[%mul3A_45] : memref<4000000xi32, #tpu.memory_space<hbm>> -> memref<32000xi32, #tpu.memory_space<hbm>>
      tpu.enqueue_dma source(%dma_start3A_66 : memref<32000xi32, #tpu.memory_space<hbm>>) target(%arg6 : memref<32000xi32, #tpu.memory_space<vmem>>) target_semaphore(%run_scoped3A : memref<!tpu.dma_semaphore, #tpu.memory_space<semaphore_mem>>)
      %dma_wait3A_67 = tpu.memref_slice %arg3[%mul3A_45] : memref<4000000xi32, #tpu.memory_space<hbm>> -> memref<32000xi32, #tpu.memory_space<hbm>>
      %dma_wait3A_68 = tpu.memref_slice %arg3[%mul3A_45] : memref<4000000xi32, #tpu.memory_space<hbm>> -> memref<32000xi32, #tpu.memory_space<hbm>>
      tpu.wait_dma2 semaphore(%run_scoped3A : memref<!tpu.dma_semaphore, #tpu.memory_space<semaphore_mem>>) src(%dma_wait3A_68 : memref<32000xi32, #tpu.memory_space<hbm>>) dst(%arg6 : memref<32000xi32, #tpu.memory_space<vmem>>)
      tpu.yield
    }) : () -> ()
    %dma_start3A_46 = arith.constant 0 : i32
    %dma_start3A_47 = tpu.memref_slice %arg2[%dma_start3A_46] : memref<1000000xf32, #tpu.memory_space<hbm>> -> memref<1000000xf32, #tpu.memory_space<hbm>>
    tpu.enqueue_indirect_dma source(%dma_start3A_47 : memref<1000000xf32, #tpu.memory_space<hbm>>) target(%arg7 : memref<32000xf32, #tpu.memory_space<vmem>>) offsets(%arg6 : memref<32000xi32, #tpu.memory_space<vmem>>) semaphore(%arg10 : memref<!tpu.dma_semaphore, #tpu.memory_space<semaphore_mem>>)
    %dma_wait3A_48 = arith.constant 0 : i32
    %dma_wait3A_49 = tpu.memref_slice %arg2[%dma_wait3A_48] : memref<1000000xf32, #tpu.memory_space<hbm>> -> memref<1000000xf32, #tpu.memory_space<hbm>>
    tpu.wait_indirect_dma semaphore(%arg10 : memref<!tpu.dma_semaphore, #tpu.memory_space<semaphore_mem>>) src(%dma_wait3A_49 : memref<1000000xf32, #tpu.memory_space<hbm>>) dst(%arg7 : memref<32000xf32, #tpu.memory_space<vmem>>)
    %scan3A_50 = arith.constant 0 : i32
    %scan3A_51 = arith.constant 0 : i32
    %scan3A_52 = arith.constant 250 : i32
    %scan3A_53 = arith.addi %scan3A_51, %scan3A_52 : i32
    %scan3A_54 = arith.constant 1 : i32
    %scan3A_55 = scf.for %scan3A_65 = %scan3A_51 to %scan3A_53 step %scan3A_54 iter_args(%scan3A_66 = %scan3A_50) -> (i32)  : i32 {
      %mul3A_67 = arith.constant 128 : i32
      %mul3A_68 = arith.muli %scan3A_65, %mul3A_67 : i32
      %mul3A_69 = arith.constant 8 : i32
      %mul3A_70 = vector.broadcast %mul3A_69 : i32 to vector<16xi32>
      %mul3A_71 = arith.muli %iota3A, %mul3A_70 : vector<16xi32>
      %add3A_72 = vector.broadcast %mul3A_68 : i32 to vector<16xi32>
      %add3A_73 = arith.addi %add3A_72, %mul3A_71 : vector<16xi32>
      %add3A_74 = arith.constant 0 : i32
      %add3A_75 = vector.broadcast %add3A_74 : i32 to vector<16xi32>
      %add3A_76 = arith.addi %add3A_73, %add3A_75 : vector<16xi32>
      %gather3A = tpu.vector_load_idx %arg7[%add3A_76] : memref<32000xf32, #tpu.memory_space<vmem>>[vector<16xi32>], vector<16xf32>,
      %mul3A_77 = arith.constant 8 : i32
      %mul3A_78 = vector.broadcast %mul3A_77 : i32 to vector<16xi32>
      %mul3A_79 = arith.muli %iota3A, %mul3A_78 : vector<16xi32>
      %add3A_80 = vector.broadcast %mul3A_68 : i32 to vector<16xi32>
      %add3A_81 = arith.addi %add3A_80, %mul3A_79 : vector<16xi32>
      %add3A_82 = arith.constant 1 : i32
      %add3A_83 = vector.broadcast %add3A_82 : i32 to vector<16xi32>
      %add3A_84 = arith.addi %add3A_81, %add3A_83 : vector<16xi32>
      %gather3A_85 = tpu.vector_load_idx %arg7[%add3A_84] : memref<32000xf32, #tpu.memory_space<vmem>>[vector<16xi32>], vector<16xf32>,
      %mul3A_86 = arith.constant 8 : i32
      %mul3A_87 = vector.broadcast %mul3A_86 : i32 to vector<16xi32>
      %mul3A_88 = arith.muli %iota3A, %mul3A_87 : vector<16xi32>
      %add3A_89 = vector.broadcast %mul3A_68 : i32 to vector<16xi32>
      %add3A_90 = arith.addi %add3A_89, %mul3A_88 : vector<16xi32>
      %add3A_91 = arith.constant 2 : i32
      %add3A_92 = vector.broadcast %add3A_91 : i32 to vector<16xi32>
      %add3A_93 = arith.addi %add3A_90, %add3A_92 : vector<16xi32>
      %gather3A_94 = tpu.vector_load_idx %arg7[%add3A_93] : memref<32000xf32, #tpu.memory_space<vmem>>[vector<16xi32>], vector<16xf32>,
      %mul3A_95 = arith.constant 8 : i32
      %mul3A_96 = vector.broadcast %mul3A_95 : i32 to vector<16xi32>
      %mul3A_97 = arith.muli %iota3A, %mul3A_96 : vector<16xi32>
      %add3A_98 = vector.broadcast %mul3A_68 : i32 to vector<16xi32>
      %add3A_99 = arith.addi %add3A_98, %mul3A_97 : vector<16xi32>
      %add3A_100 = arith.constant 3 : i32
      %add3A_101 = vector.broadcast %add3A_100 : i32 to vector<16xi32>
      %add3A_102 = arith.addi %add3A_99, %add3A_101 : vector<16xi32>
      %gather3A_103 = tpu.vector_load_idx %arg7[%add3A_102] : memref<32000xf32, #tpu.memory_space<vmem>>[vector<16xi32>], vector<16xf32>,
      %mul3A_104 = arith.constant 8 : i32
      %mul3A_105 = vector.broadcast %mul3A_104 : i32 to vector<16xi32>
      %mul3A_106 = arith.muli %iota3A, %mul3A_105 : vector<16xi32>
      %add3A_107 = vector.broadcast %mul3A_68 : i32 to vector<16xi32>
      %add3A_108 = arith.addi %add3A_107, %mul3A_106 : vector<16xi32>
      %add3A_109 = arith.constant 4 : i32
      %add3A_110 = vector.broadcast %add3A_109 : i32 to vector<16xi32>
      %add3A_111 = arith.addi %add3A_108, %add3A_110 : vector<16xi32>
      %gather3A_112 = tpu.vector_load_idx %arg7[%add3A_111] : memref<32000xf32, #tpu.memory_space<vmem>>[vector<16xi32>], vector<16xf32>,
      %mul3A_113 = arith.constant 8 : i32
      %mul3A_114 = vector.broadcast %mul3A_113 : i32 to vector<16xi32>
      %mul3A_115 = arith.muli %iota3A, %mul3A_114 : vector<16xi32>
      %add3A_116 = vector.broadcast %mul3A_68 : i32 to vector<16xi32>
      %add3A_117 = arith.addi %add3A_116, %mul3A_115 : vector<16xi32>
      %add3A_118 = arith.constant 5 : i32
      %add3A_119 = vector.broadcast %add3A_118 : i32 to vector<16xi32>
      %add3A_120 = arith.addi %add3A_117, %add3A_119 : vector<16xi32>
      %gather3A_121 = tpu.vector_load_idx %arg7[%add3A_120] : memref<32000xf32, #tpu.memory_space<vmem>>[vector<16xi32>], vector<16xf32>,
      %mul3A_122 = arith.constant 8 : i32
      %mul3A_123 = vector.broadcast %mul3A_122 : i32 to vector<16xi32>
      %mul3A_124 = arith.muli %iota3A, %mul3A_123 : vector<16xi32>
      %add3A_125 = vector.broadcast %mul3A_68 : i32 to vector<16xi32>
      %add3A_126 = arith.addi %add3A_125, %mul3A_124 : vector<16xi32>
      %add3A_127 = arith.constant 6 : i32
      %add3A_128 = vector.broadcast %add3A_127 : i32 to vector<16xi32>
      %add3A_129 = arith.addi %add3A_126, %add3A_128 : vector<16xi32>
      %gather3A_130 = tpu.vector_load_idx %arg7[%add3A_129] : memref<32000xf32, #tpu.memory_space<vmem>>[vector<16xi32>], vector<16xf32>,
      %mul3A_131 = arith.constant 8 : i32
      %mul3A_132 = vector.broadcast %mul3A_131 : i32 to vector<16xi32>
      %mul3A_133 = arith.muli %iota3A, %mul3A_132 : vector<16xi32>
      %add3A_134 = vector.broadcast %mul3A_68 : i32 to vector<16xi32>
      %add3A_135 = arith.addi %add3A_134, %mul3A_133 : vector<16xi32>
      %add3A_136 = arith.constant 7 : i32
      %add3A_137 = vector.broadcast %add3A_136 : i32 to vector<16xi32>
      %add3A_138 = arith.addi %add3A_135, %add3A_137 : vector<16xi32>
      %gather3A_139 = tpu.vector_load_idx %arg7[%add3A_138] : memref<32000xf32, #tpu.memory_space<vmem>>[vector<16xi32>], vector<16xf32>,
      %max3A = arith.maximumf %gather3A, %gather3A_85 : vector<16xf32>
      %max3A_140 = arith.maximumf %max3A, %gather3A_94 : vector<16xf32>
      %max3A_141 = arith.maximumf %max3A_140, %gather3A_103 : vector<16xf32>
      %max3A_142 = arith.maximumf %max3A_141, %gather3A_112 : vector<16xf32>
      %max3A_143 = arith.maximumf %max3A_142, %gather3A_121 : vector<16xf32>
      %max3A_144 = arith.maximumf %max3A_143, %gather3A_130 : vector<16xf32>
      %max3A_145 = arith.maximumf %max3A_144, %gather3A_139 : vector<16xf32>
      %sub3A = arith.subf %gather3A, %max3A_145 : vector<16xf32>
      %exp3A = math.exp %sub3A : vector<16xf32>
      %sub3A_146 = arith.subf %gather3A_85, %max3A_145 : vector<16xf32>
      %exp3A_147 = math.exp %sub3A_146 : vector<16xf32>
      %add3A_148 = arith.addf %exp3A, %exp3A_147 : vector<16xf32>
      %sub3A_149 = arith.subf %gather3A_94, %max3A_145 : vector<16xf32>
      %exp3A_150 = math.exp %sub3A_149 : vector<16xf32>
      %add3A_151 = arith.addf %add3A_148, %exp3A_150 : vector<16xf32>
      %sub3A_152 = arith.subf %gather3A_103, %max3A_145 : vector<16xf32>
      %exp3A_153 = math.exp %sub3A_152 : vector<16xf32>
      %add3A_154 = arith.addf %add3A_151, %exp3A_153 : vector<16xf32>
      %sub3A_155 = arith.subf %gather3A_112, %max3A_145 : vector<16xf32>
      %exp3A_156 = math.exp %sub3A_155 : vector<16xf32>
      %add3A_157 = arith.addf %add3A_154, %exp3A_156 : vector<16xf32>
      %sub3A_158 = arith.subf %gather3A_121, %max3A_145 : vector<16xf32>
      %exp3A_159 = math.exp %sub3A_158 : vector<16xf32>
      %add3A_160 = arith.addf %add3A_157, %exp3A_159 : vector<16xf32>
      %sub3A_161 = arith.subf %gather3A_130, %max3A_145 : vector<16xf32>
      %exp3A_162 = math.exp %sub3A_161 : vector<16xf32>
      %add3A_163 = arith.addf %add3A_160, %exp3A_162 : vector<16xf32>
      %sub3A_164 = arith.subf %gather3A_139, %max3A_145 : vector<16xf32>
      %exp3A_165 = math.exp %sub3A_164 : vector<16xf32>
      %add3A_166 = arith.addf %add3A_163, %exp3A_165 : vector<16xf32>
      %mul3A_167 = arith.constant 16 : i32
      %mul3A_168 = arith.muli %scan3A_65, %mul3A_167 : i32
      %swap3A = arith.index_cast %mul3A_168 : i32 to index
      %swap3A_169 = tpu.vector_load %arg8[%swap3A] {strides = array<i32>} : memref<4000xf32, #tpu.memory_space<vmem>>, vector<16xf32>,
      tpu.vector_store %arg8[%swap3A], %max3A_145 {strides = array<i32>} : memref<4000xf32, #tpu.memory_space<vmem>>, vector<16xf32>,
      %mul3A_170 = arith.constant 16 : i32
      %mul3A_171 = arith.muli %scan3A_65, %mul3A_170 : i32
      %swap3A_172 = arith.index_cast %mul3A_171 : i32 to index
      %swap3A_173 = tpu.vector_load %arg9[%swap3A_172] {strides = array<i32>} : memref<4000xf32, #tpu.memory_space<vmem>>, vector<16xf32>,
      tpu.vector_store %arg9[%swap3A_172], %add3A_166 {strides = array<i32>} : memref<4000xf32, #tpu.memory_space<vmem>>, vector<16xf32>,
      %scan3A_174 = arith.constant 0 : i32
      scf.yield %scan3A_174 : i32
    }
    %scan3A_56 = arith.constant 250 : i32
    %mul3A_57 = arith.constant 4000 : i32
    %mul3A_58 = arith.muli %add3A_41, %mul3A_57 : i32
    "tpu.region"() ({
      %run_scoped3A = tpu.sem_alloc : memref<!tpu.dma_semaphore, #tpu.memory_space<semaphore_mem>>
      %dma_start3A_65 = tpu.memref_slice %arg4[%mul3A_58] : memref<500000xf32, #tpu.memory_space<hbm>> -> memref<4000xf32, #tpu.memory_space<hbm>>
      %dma_start3A_66 = tpu.memref_slice %arg4[%mul3A_58] : memref<500000xf32, #tpu.memory_space<hbm>> -> memref<4000xf32, #tpu.memory_space<hbm>>
      tpu.enqueue_dma source(%arg8 : memref<4000xf32, #tpu.memory_space<vmem>>) target(%dma_start3A_66 : memref<4000xf32, #tpu.memory_space<hbm>>) target_semaphore(%run_scoped3A : memref<!tpu.dma_semaphore, #tpu.memory_space<semaphore_mem>>)
      %dma_wait3A_67 = tpu.memref_slice %arg4[%mul3A_58] : memref<500000xf32, #tpu.memory_space<hbm>> -> memref<4000xf32, #tpu.memory_space<hbm>>
      %dma_wait3A_68 = tpu.memref_slice %arg4[%mul3A_58] : memref<500000xf32, #tpu.memory_space<hbm>> -> memref<4000xf32, #tpu.memory_space<hbm>>
      tpu.wait_dma2 semaphore(%run_scoped3A : memref<!tpu.dma_semaphore, #tpu.memory_space<semaphore_mem>>) src(%arg8 : memref<4000xf32, #tpu.memory_space<vmem>>) dst(%dma_wait3A_68 : memref<4000xf32, #tpu.memory_space<hbm>>)
      tpu.yield
    }) : () -> ()
    %mul3A_59 = arith.constant 4000 : i32
    %mul3A_60 = arith.muli %add3A_41, %mul3A_59 : i32
    "tpu.region"() ({
      %run_scoped3A = tpu.sem_alloc : memref<!tpu.dma_semaphore, #tpu.memory_space<semaphore_mem>>
      %dma_start3A_65 = tpu.memref_slice %arg5[%mul3A_60] : memref<500000xf32, #tpu.memory_space<hbm>> -> memref<4000xf32, #tpu.memory_space<hbm>>
      %dma_start3A_66 = tpu.memref_slice %arg5[%mul3A_60] : memref<500000xf32, #tpu.memory_space<hbm>> -> memref<4000xf32, #tpu.memory_space<hbm>>
      tpu.enqueue_dma source(%arg9 : memref<4000xf32, #tpu.memory_space<vmem>>) target(%dma_start3A_66 : memref<4000xf32, #tpu.memory_space<hbm>>) target_semaphore(%run_scoped3A : memref<!tpu.dma_semaphore, #tpu.memory_space<semaphore_mem>>)
      %dma_wait3A_67 = tpu.memref_slice %arg5[%mul3A_60] : memref<500000xf32, #tpu.memory_space<hbm>> -> memref<4000xf32, #tpu.memory_space<hbm>>
      %dma_wait3A_68 = tpu.memref_slice %arg5[%mul3A_60] : memref<500000xf32, #tpu.memory_space<hbm>> -> memref<4000xf32, #tpu.memory_space<hbm>>
      tpu.wait_dma2 semaphore(%run_scoped3A : memref<!tpu.dma_semaphore, #tpu.memory_space<semaphore_mem>>) src(%arg9 : memref<4000xf32, #tpu.memory_space<vmem>>) dst(%dma_wait3A_68 : memref<4000xf32, #tpu.memory_space<hbm>>)
      tpu.yield
    }) : () -> ()
    %add3A_61 = arith.constant 96 : i32
    %add3A_62 = arith.addi %add3A, %add3A_61 : i32
    %lt3A = arith.constant 125 : i32
    %lt3A_63 = arith.cmpi slt, %add3A_62, %lt3A : i32
    %convert_element_type3A = arith.extui %lt3A_63 : i1 to i32
    %cond3A = arith.constant 0 : i32
    %cond3A_64 = arith.cmpi ne, %convert_element_type3A, %cond3A : i32
    scf.if %cond3A_64 {
      %mul3A_65 = arith.constant 4000 : i32
      %mul3A_66 = arith.muli %add3A_62, %mul3A_65 : i32
      %mul3A_67 = arith.constant 8 : i32
      %mul3A_68 = arith.muli %mul3A_66, %mul3A_67 : i32
      "tpu.region"() ({
        %run_scoped3A = tpu.sem_alloc : memref<!tpu.dma_semaphore, #tpu.memory_space<semaphore_mem>>
        %dma_start3A_84 = tpu.memref_slice %arg3[%mul3A_68] : memref<4000000xi32, #tpu.memory_space<hbm>> -> memref<32000xi32, #tpu.memory_space<hbm>>
        %dma_start3A_85 = tpu.memref_slice %arg3[%mul3A_68] : memref<4000000xi32, #tpu.memory_space<hbm>> -> memref<32000xi32, #tpu.memory_space<hbm>>
        tpu.enqueue_dma source(%dma_start3A_85 : memref<32000xi32, #tpu.memory_space<hbm>>) target(%arg6 : memref<32000xi32, #tpu.memory_space<vmem>>) target_semaphore(%run_scoped3A : memref<!tpu.dma_semaphore, #tpu.memory_space<semaphore_mem>>)
        %dma_wait3A_86 = tpu.memref_slice %arg3[%mul3A_68] : memref<4000000xi32, #tpu.memory_space<hbm>> -> memref<32000xi32, #tpu.memory_space<hbm>>
        %dma_wait3A_87 = tpu.memref_slice %arg3[%mul3A_68] : memref<4000000xi32, #tpu.memory_space<hbm>> -> memref<32000xi32, #tpu.memory_space<hbm>>
        tpu.wait_dma2 semaphore(%run_scoped3A : memref<!tpu.dma_semaphore, #tpu.memory_space<semaphore_mem>>) src(%dma_wait3A_87 : memref<32000xi32, #tpu.memory_space<hbm>>) dst(%arg6 : memref<32000xi32, #tpu.memory_space<vmem>>)
        tpu.yield
      }) : () -> ()
      %dma_start3A_69 = arith.constant 0 : i32
      %dma_start3A_70 = tpu.memref_slice %arg2[%dma_start3A_69] : memref<1000000xf32, #tpu.memory_space<hbm>> -> memref<1000000xf32, #tpu.memory_space<hbm>>
      tpu.enqueue_indirect_dma source(%dma_start3A_70 : memref<1000000xf32, #tpu.memory_space<hbm>>) target(%arg7 : memref<32000xf32, #tpu.memory_space<vmem>>) offsets(%arg6 : memref<32000xi32, #tpu.memory_space<vmem>>) semaphore(%arg10 : memref<!tpu.dma_semaphore, #tpu.memory_space<semaphore_mem>>)
      %dma_wait3A_71 = arith.constant 0 : i32
      %dma_wait3A_72 = tpu.memref_slice %arg2[%dma_wait3A_71] : memref<1000000xf32, #tpu.memory_space<hbm>> -> memref<1000000xf32, #tpu.memory_space<hbm>>
      tpu.wait_indirect_dma semaphore(%arg10 : memref<!tpu.dma_semaphore, #tpu.memory_space<semaphore_mem>>) src(%dma_wait3A_72 : memref<1000000xf32, #tpu.memory_space<hbm>>) dst(%arg7 : memref<32000xf32, #tpu.memory_space<vmem>>)
      %scan3A_73 = arith.constant 0 : i32
      %scan3A_74 = arith.constant 0 : i32
      %scan3A_75 = arith.constant 250 : i32
      %scan3A_76 = arith.addi %scan3A_74, %scan3A_75 : i32
      %scan3A_77 = arith.constant 1 : i32
      %scan3A_78 = scf.for %scan3A_84 = %scan3A_74 to %scan3A_76 step %scan3A_77 iter_args(%scan3A_85 = %scan3A_73) -> (i32)  : i32 {
        %mul3A_86 = arith.constant 128 : i32
        %mul3A_87 = arith.muli %scan3A_84, %mul3A_86 : i32
        %mul3A_88 = arith.constant 8 : i32
        %mul3A_89 = vector.broadcast %mul3A_88 : i32 to vector<16xi32>
        %mul3A_90 = arith.muli %iota3A, %mul3A_89 : vector<16xi32>
        %add3A_91 = vector.broadcast %mul3A_87 : i32 to vector<16xi32>
        %add3A_92 = arith.addi %add3A_91, %mul3A_90 : vector<16xi32>
        %add3A_93 = arith.constant 0 : i32
        %add3A_94 = vector.broadcast %add3A_93 : i32 to vector<16xi32>
        %add3A_95 = arith.addi %add3A_92, %add3A_94 : vector<16xi32>
        %gather3A = tpu.vector_load_idx %arg7[%add3A_95] : memref<32000xf32, #tpu.memory_space<vmem>>[vector<16xi32>], vector<16xf32>,
        %mul3A_96 = arith.constant 8 : i32
        %mul3A_97 = vector.broadcast %mul3A_96 : i32 to vector<16xi32>
        %mul3A_98 = arith.muli %iota3A, %mul3A_97 : vector<16xi32>
        %add3A_99 = vector.broadcast %mul3A_87 : i32 to vector<16xi32>
        %add3A_100 = arith.addi %add3A_99, %mul3A_98 : vector<16xi32>
        %add3A_101 = arith.constant 1 : i32
        %add3A_102 = vector.broadcast %add3A_101 : i32 to vector<16xi32>
        %add3A_103 = arith.addi %add3A_100, %add3A_102 : vector<16xi32>
        %gather3A_104 = tpu.vector_load_idx %arg7[%add3A_103] : memref<32000xf32, #tpu.memory_space<vmem>>[vector<16xi32>], vector<16xf32>,
        %mul3A_105 = arith.constant 8 : i32
        %mul3A_106 = vector.broadcast %mul3A_105 : i32 to vector<16xi32>
        %mul3A_107 = arith.muli %iota3A, %mul3A_106 : vector<16xi32>
        %add3A_108 = vector.broadcast %mul3A_87 : i32 to vector<16xi32>
        %add3A_109 = arith.addi %add3A_108, %mul3A_107 : vector<16xi32>
        %add3A_110 = arith.constant 2 : i32
        %add3A_111 = vector.broadcast %add3A_110 : i32 to vector<16xi32>
        %add3A_112 = arith.addi %add3A_109, %add3A_111 : vector<16xi32>
        %gather3A_113 = tpu.vector_load_idx %arg7[%add3A_112] : memref<32000xf32, #tpu.memory_space<vmem>>[vector<16xi32>], vector<16xf32>,
        %mul3A_114 = arith.constant 8 : i32
        %mul3A_115 = vector.broadcast %mul3A_114 : i32 to vector<16xi32>
        %mul3A_116 = arith.muli %iota3A, %mul3A_115 : vector<16xi32>
        %add3A_117 = vector.broadcast %mul3A_87 : i32 to vector<16xi32>
        %add3A_118 = arith.addi %add3A_117, %mul3A_116 : vector<16xi32>
        %add3A_119 = arith.constant 3 : i32
        %add3A_120 = vector.broadcast %add3A_119 : i32 to vector<16xi32>
        %add3A_121 = arith.addi %add3A_118, %add3A_120 : vector<16xi32>
        %gather3A_122 = tpu.vector_load_idx %arg7[%add3A_121] : memref<32000xf32, #tpu.memory_space<vmem>>[vector<16xi32>], vector<16xf32>,
        %mul3A_123 = arith.constant 8 : i32
        %mul3A_124 = vector.broadcast %mul3A_123 : i32 to vector<16xi32>
        %mul3A_125 = arith.muli %iota3A, %mul3A_124 : vector<16xi32>
        %add3A_126 = vector.broadcast %mul3A_87 : i32 to vector<16xi32>
        %add3A_127 = arith.addi %add3A_126, %mul3A_125 : vector<16xi32>
        %add3A_128 = arith.constant 4 : i32
        %add3A_129 = vector.broadcast %add3A_128 : i32 to vector<16xi32>
        %add3A_130 = arith.addi %add3A_127, %add3A_129 : vector<16xi32>
        %gather3A_131 = tpu.vector_load_idx %arg7[%add3A_130] : memref<32000xf32, #tpu.memory_space<vmem>>[vector<16xi32>], vector<16xf32>,
        %mul3A_132 = arith.constant 8 : i32
        %mul3A_133 = vector.broadcast %mul3A_132 : i32 to vector<16xi32>
        %mul3A_134 = arith.muli %iota3A, %mul3A_133 : vector<16xi32>
        %add3A_135 = vector.broadcast %mul3A_87 : i32 to vector<16xi32>
        %add3A_136 = arith.addi %add3A_135, %mul3A_134 : vector<16xi32>
        %add3A_137 = arith.constant 5 : i32
        %add3A_138 = vector.broadcast %add3A_137 : i32 to vector<16xi32>
        %add3A_139 = arith.addi %add3A_136, %add3A_138 : vector<16xi32>
        %gather3A_140 = tpu.vector_load_idx %arg7[%add3A_139] : memref<32000xf32, #tpu.memory_space<vmem>>[vector<16xi32>], vector<16xf32>,
        %mul3A_141 = arith.constant 8 : i32
        %mul3A_142 = vector.broadcast %mul3A_141 : i32 to vector<16xi32>
        %mul3A_143 = arith.muli %iota3A, %mul3A_142 : vector<16xi32>
        %add3A_144 = vector.broadcast %mul3A_87 : i32 to vector<16xi32>
        %add3A_145 = arith.addi %add3A_144, %mul3A_143 : vector<16xi32>
        %add3A_146 = arith.constant 6 : i32
        %add3A_147 = vector.broadcast %add3A_146 : i32 to vector<16xi32>
        %add3A_148 = arith.addi %add3A_145, %add3A_147 : vector<16xi32>
        %gather3A_149 = tpu.vector_load_idx %arg7[%add3A_148] : memref<32000xf32, #tpu.memory_space<vmem>>[vector<16xi32>], vector<16xf32>,
        %mul3A_150 = arith.constant 8 : i32
        %mul3A_151 = vector.broadcast %mul3A_150 : i32 to vector<16xi32>
        %mul3A_152 = arith.muli %iota3A, %mul3A_151 : vector<16xi32>
        %add3A_153 = vector.broadcast %mul3A_87 : i32 to vector<16xi32>
        %add3A_154 = arith.addi %add3A_153, %mul3A_152 : vector<16xi32>
        %add3A_155 = arith.constant 7 : i32
        %add3A_156 = vector.broadcast %add3A_155 : i32 to vector<16xi32>
        %add3A_157 = arith.addi %add3A_154, %add3A_156 : vector<16xi32>
        %gather3A_158 = tpu.vector_load_idx %arg7[%add3A_157] : memref<32000xf32, #tpu.memory_space<vmem>>[vector<16xi32>], vector<16xf32>,
        %max3A = arith.maximumf %gather3A, %gather3A_104 : vector<16xf32>
        %max3A_159 = arith.maximumf %max3A, %gather3A_113 : vector<16xf32>
        %max3A_160 = arith.maximumf %max3A_159, %gather3A_122 : vector<16xf32>
        %max3A_161 = arith.maximumf %max3A_160, %gather3A_131 : vector<16xf32>
        %max3A_162 = arith.maximumf %max3A_161, %gather3A_140 : vector<16xf32>
        %max3A_163 = arith.maximumf %max3A_162, %gather3A_149 : vector<16xf32>
        %max3A_164 = arith.maximumf %max3A_163, %gather3A_158 : vector<16xf32>
        %sub3A = arith.subf %gather3A, %max3A_164 : vector<16xf32>
        %exp3A = math.exp %sub3A : vector<16xf32>
        %sub3A_165 = arith.subf %gather3A_104, %max3A_164 : vector<16xf32>
        %exp3A_166 = math.exp %sub3A_165 : vector<16xf32>
        %add3A_167 = arith.addf %exp3A, %exp3A_166 : vector<16xf32>
        %sub3A_168 = arith.subf %gather3A_113, %max3A_164 : vector<16xf32>
        %exp3A_169 = math.exp %sub3A_168 : vector<16xf32>
        %add3A_170 = arith.addf %add3A_167, %exp3A_169 : vector<16xf32>
        %sub3A_171 = arith.subf %gather3A_122, %max3A_164 : vector<16xf32>
        %exp3A_172 = math.exp %sub3A_171 : vector<16xf32>
        %add3A_173 = arith.addf %add3A_170, %exp3A_172 : vector<16xf32>
        %sub3A_174 = arith.subf %gather3A_131, %max3A_164 : vector<16xf32>
        %exp3A_175 = math.exp %sub3A_174 : vector<16xf32>
        %add3A_176 = arith.addf %add3A_173, %exp3A_175 : vector<16xf32>
        %sub3A_177 = arith.subf %gather3A_140, %max3A_164 : vector<16xf32>
        %exp3A_178 = math.exp %sub3A_177 : vector<16xf32>
        %add3A_179 = arith.addf %add3A_176, %exp3A_178 : vector<16xf32>
        %sub3A_180 = arith.subf %gather3A_149, %max3A_164 : vector<16xf32>
        %exp3A_181 = math.exp %sub3A_180 : vector<16xf32>
        %add3A_182 = arith.addf %add3A_179, %exp3A_181 : vector<16xf32>
        %sub3A_183 = arith.subf %gather3A_158, %max3A_164 : vector<16xf32>
        %exp3A_184 = math.exp %sub3A_183 : vector<16xf32>
        %add3A_185 = arith.addf %add3A_182, %exp3A_184 : vector<16xf32>
        %mul3A_186 = arith.constant 16 : i32
        %mul3A_187 = arith.muli %scan3A_84, %mul3A_186 : i32
        %swap3A = arith.index_cast %mul3A_187 : i32 to index
        %swap3A_188 = tpu.vector_load %arg8[%swap3A] {strides = array<i32>} : memref<4000xf32, #tpu.memory_space<vmem>>, vector<16xf32>,
        tpu.vector_store %arg8[%swap3A], %max3A_164 {strides = array<i32>} : memref<4000xf32, #tpu.memory_space<vmem>>, vector<16xf32>,
        %mul3A_189 = arith.constant 16 : i32
        %mul3A_190 = arith.muli %scan3A_84, %mul3A_189 : i32
        %swap3A_191 = arith.index_cast %mul3A_190 : i32 to index
        %swap3A_192 = tpu.vector_load %arg9[%swap3A_191] {strides = array<i32>} : memref<4000xf32, #tpu.memory_space<vmem>>, vector<16xf32>,
        tpu.vector_store %arg9[%swap3A_191], %add3A_185 {strides = array<i32>} : memref<4000xf32, #tpu.memory_space<vmem>>, vector<16xf32>,
        %scan3A_193 = arith.constant 0 : i32
        scf.yield %scan3A_193 : i32
      }
      %scan3A_79 = arith.constant 250 : i32
      %mul3A_80 = arith.constant 4000 : i32
      %mul3A_81 = arith.muli %add3A_62, %mul3A_80 : i32
      "tpu.region"() ({
        %run_scoped3A = tpu.sem_alloc : memref<!tpu.dma_semaphore, #tpu.memory_space<semaphore_mem>>
        %dma_start3A_84 = tpu.memref_slice %arg4[%mul3A_81] : memref<500000xf32, #tpu.memory_space<hbm>> -> memref<4000xf32, #tpu.memory_space<hbm>>
        %dma_start3A_85 = tpu.memref_slice %arg4[%mul3A_81] : memref<500000xf32, #tpu.memory_space<hbm>> -> memref<4000xf32, #tpu.memory_space<hbm>>
        tpu.enqueue_dma source(%arg8 : memref<4000xf32, #tpu.memory_space<vmem>>) target(%dma_start3A_85 : memref<4000xf32, #tpu.memory_space<hbm>>) target_semaphore(%run_scoped3A : memref<!tpu.dma_semaphore, #tpu.memory_space<semaphore_mem>>)
        %dma_wait3A_86 = tpu.memref_slice %arg4[%mul3A_81] : memref<500000xf32, #tpu.memory_space<hbm>> -> memref<4000xf32, #tpu.memory_space<hbm>>
        %dma_wait3A_87 = tpu.memref_slice %arg4[%mul3A_81] : memref<500000xf32, #tpu.memory_space<hbm>> -> memref<4000xf32, #tpu.memory_space<hbm>>
        tpu.wait_dma2 semaphore(%run_scoped3A : memref<!tpu.dma_semaphore, #tpu.memory_space<semaphore_mem>>) src(%arg8 : memref<4000xf32, #tpu.memory_space<vmem>>) dst(%dma_wait3A_87 : memref<4000xf32, #tpu.memory_space<hbm>>)
        tpu.yield
      }) : () -> ()
      %mul3A_82 = arith.constant 4000 : i32
      %mul3A_83 = arith.muli %add3A_62, %mul3A_82 : i32
      "tpu.region"() ({
        %run_scoped3A = tpu.sem_alloc : memref<!tpu.dma_semaphore, #tpu.memory_space<semaphore_mem>>
        %dma_start3A_84 = tpu.memref_slice %arg5[%mul3A_83] : memref<500000xf32, #tpu.memory_space<hbm>> -> memref<4000xf32, #tpu.memory_space<hbm>>
        %dma_start3A_85 = tpu.memref_slice %arg5[%mul3A_83] : memref<500000xf32, #tpu.memory_space<hbm>> -> memref<4000xf32, #tpu.memory_space<hbm>>
        tpu.enqueue_dma source(%arg9 : memref<4000xf32, #tpu.memory_space<vmem>>) target(%dma_start3A_85 : memref<4000xf32, #tpu.memory_space<hbm>>) target_semaphore(%run_scoped3A : memref<!tpu.dma_semaphore, #tpu.memory_space<semaphore_mem>>)
        %dma_wait3A_86 = tpu.memref_slice %arg5[%mul3A_83] : memref<500000xf32, #tpu.memory_space<hbm>> -> memref<4000xf32, #tpu.memory_space<hbm>>
        %dma_wait3A_87 = tpu.memref_slice %arg5[%mul3A_83] : memref<500000xf32, #tpu.memory_space<hbm>> -> memref<4000xf32, #tpu.memory_space<hbm>>
        tpu.wait_dma2 semaphore(%run_scoped3A : memref<!tpu.dma_semaphore, #tpu.memory_space<semaphore_mem>>) src(%arg9 : memref<4000xf32, #tpu.memory_space<vmem>>) dst(%dma_wait3A_87 : memref<4000xf32, #tpu.memory_space<hbm>>)
        tpu.yield
      }) : () -> ()
    } else {
    }
    return
  }
}

#map = affine_map<(d0, d1) -> (0)>
module attributes {stable_mosaic.version = 14 : i64} {
  func.func @_sum_layer_sc(%arg0: i32, %arg1: i32, %arg2: memref<2000002xf32, #tpu.memory_space<hbm>>, %arg3: memref<8000000xi32, #tpu.memory_space<hbm>>, %arg4: memref<1000000xf32, #tpu.memory_space<hbm>>, %arg5: memref<32000xi32, #tpu.memory_space<vmem>>, %arg6: memref<32000xf32, #tpu.memory_space<vmem>>, %arg7: memref<4000xf32, #tpu.memory_space<vmem>>, %arg8: memref<!tpu.dma_semaphore, #tpu.memory_space<semaphore_mem>>) attributes {dimension_semantics = [#tpu.dimension_semantics<core_parallel>, #tpu.dimension_semantics<subcore_parallel>], iteration_bounds = array<i64: 2, 16>, scalar_prefetch = 0 : i64, scratch_operands = 4 : i64, tpu.core_type = #tpu.core_type<sc_vector_subcore>, window_params = [{transform_indices = #map}, {transform_indices = #map}, {transform_indices = #map}]} {
    %mul3A = arith.constant 2 : i32
    %mul3A_0 = arith.muli %arg1, %mul3A : i32
    %add3A = arith.addi %mul3A_0, %arg0 : i32
    %iota3A = tpu.iota {dimensions = array<i32: 0>} : vector<16xi32>
    %add3A_1 = arith.constant 0 : i32
    %add3A_2 = arith.addi %add3A, %add3A_1 : i32
    %mul3A_3 = arith.constant 4000 : i32
    %mul3A_4 = arith.muli %add3A_2, %mul3A_3 : i32
    %mul3A_5 = arith.constant 8 : i32
    %mul3A_6 = arith.muli %mul3A_4, %mul3A_5 : i32
    "tpu.region"() ({
      %run_scoped3A = tpu.sem_alloc : memref<!tpu.dma_semaphore, #tpu.memory_space<semaphore_mem>>
      %dma_start3A_135 = tpu.memref_slice %arg3[%mul3A_6] : memref<8000000xi32, #tpu.memory_space<hbm>> -> memref<32000xi32, #tpu.memory_space<hbm>>
      %dma_start3A_136 = tpu.memref_slice %arg3[%mul3A_6] : memref<8000000xi32, #tpu.memory_space<hbm>> -> memref<32000xi32, #tpu.memory_space<hbm>>
      tpu.enqueue_dma source(%dma_start3A_136 : memref<32000xi32, #tpu.memory_space<hbm>>) target(%arg5 : memref<32000xi32, #tpu.memory_space<vmem>>) target_semaphore(%run_scoped3A : memref<!tpu.dma_semaphore, #tpu.memory_space<semaphore_mem>>)
      %dma_wait3A_137 = tpu.memref_slice %arg3[%mul3A_6] : memref<8000000xi32, #tpu.memory_space<hbm>> -> memref<32000xi32, #tpu.memory_space<hbm>>
      %dma_wait3A_138 = tpu.memref_slice %arg3[%mul3A_6] : memref<8000000xi32, #tpu.memory_space<hbm>> -> memref<32000xi32, #tpu.memory_space<hbm>>
      tpu.wait_dma2 semaphore(%run_scoped3A : memref<!tpu.dma_semaphore, #tpu.memory_space<semaphore_mem>>) src(%dma_wait3A_138 : memref<32000xi32, #tpu.memory_space<hbm>>) dst(%arg5 : memref<32000xi32, #tpu.memory_space<vmem>>)
      tpu.yield
    }) : () -> ()
    %dma_start3A = arith.constant 0 : i32
    %dma_start3A_7 = tpu.memref_slice %arg2[%dma_start3A] : memref<2000002xf32, #tpu.memory_space<hbm>> -> memref<2000002xf32, #tpu.memory_space<hbm>>
    tpu.enqueue_indirect_dma source(%dma_start3A_7 : memref<2000002xf32, #tpu.memory_space<hbm>>) target(%arg6 : memref<32000xf32, #tpu.memory_space<vmem>>) offsets(%arg5 : memref<32000xi32, #tpu.memory_space<vmem>>) semaphore(%arg8 : memref<!tpu.dma_semaphore, #tpu.memory_space<semaphore_mem>>)
    %dma_wait3A = arith.constant 0 : i32
    %dma_wait3A_8 = tpu.memref_slice %arg2[%dma_wait3A] : memref<2000002xf32, #tpu.memory_space<hbm>> -> memref<2000002xf32, #tpu.memory_space<hbm>>
    tpu.wait_indirect_dma semaphore(%arg8 : memref<!tpu.dma_semaphore, #tpu.memory_space<semaphore_mem>>) src(%dma_wait3A_8 : memref<2000002xf32, #tpu.memory_space<hbm>>) dst(%arg6 : memref<32000xf32, #tpu.memory_space<vmem>>)
    %scan3A = arith.constant 0 : i32
    %scan3A_9 = arith.constant 0 : i32
    %scan3A_10 = arith.constant 250 : i32
    %scan3A_11 = arith.addi %scan3A_9, %scan3A_10 : i32
    %scan3A_12 = arith.constant 1 : i32
    %scan3A_13 = scf.for %scan3A_135 = %scan3A_9 to %scan3A_11 step %scan3A_12 iter_args(%scan3A_136 = %scan3A) -> (i32)  : i32 {
      %mul3A_137 = arith.constant 128 : i32
      %mul3A_138 = arith.muli %scan3A_135, %mul3A_137 : i32
      %mul3A_139 = arith.constant 8 : i32
      %mul3A_140 = vector.broadcast %mul3A_139 : i32 to vector<16xi32>
      %mul3A_141 = arith.muli %iota3A, %mul3A_140 : vector<16xi32>
      %add3A_142 = vector.broadcast %mul3A_138 : i32 to vector<16xi32>
      %add3A_143 = arith.addi %add3A_142, %mul3A_141 : vector<16xi32>
      %gather3A = tpu.vector_load_idx %arg6[%add3A_143] : memref<32000xf32, #tpu.memory_space<vmem>>[vector<16xi32>], vector<16xf32>,
      %mul3A_144 = arith.constant 8 : i32
      %mul3A_145 = vector.broadcast %mul3A_144 : i32 to vector<16xi32>
      %mul3A_146 = arith.muli %iota3A, %mul3A_145 : vector<16xi32>
      %add3A_147 = vector.broadcast %mul3A_138 : i32 to vector<16xi32>
      %add3A_148 = arith.addi %add3A_147, %mul3A_146 : vector<16xi32>
      %add3A_149 = arith.constant 1 : i32
      %add3A_150 = vector.broadcast %add3A_149 : i32 to vector<16xi32>
      %add3A_151 = arith.addi %add3A_148, %add3A_150 : vector<16xi32>
      %gather3A_152 = tpu.vector_load_idx %arg6[%add3A_151] : memref<32000xf32, #tpu.memory_space<vmem>>[vector<16xi32>], vector<16xf32>,
      %add3A_153 = arith.addf %gather3A, %gather3A_152 : vector<16xf32>
      %mul3A_154 = arith.constant 8 : i32
      %mul3A_155 = vector.broadcast %mul3A_154 : i32 to vector<16xi32>
      %mul3A_156 = arith.muli %iota3A, %mul3A_155 : vector<16xi32>
      %add3A_157 = vector.broadcast %mul3A_138 : i32 to vector<16xi32>
      %add3A_158 = arith.addi %add3A_157, %mul3A_156 : vector<16xi32>
      %add3A_159 = arith.constant 2 : i32
      %add3A_160 = vector.broadcast %add3A_159 : i32 to vector<16xi32>
      %add3A_161 = arith.addi %add3A_158, %add3A_160 : vector<16xi32>
      %gather3A_162 = tpu.vector_load_idx %arg6[%add3A_161] : memref<32000xf32, #tpu.memory_space<vmem>>[vector<16xi32>], vector<16xf32>,
      %add3A_163 = arith.addf %add3A_153, %gather3A_162 : vector<16xf32>
      %mul3A_164 = arith.constant 8 : i32
      %mul3A_165 = vector.broadcast %mul3A_164 : i32 to vector<16xi32>
      %mul3A_166 = arith.muli %iota3A, %mul3A_165 : vector<16xi32>
      %add3A_167 = vector.broadcast %mul3A_138 : i32 to vector<16xi32>
      %add3A_168 = arith.addi %add3A_167, %mul3A_166 : vector<16xi32>
      %add3A_169 = arith.constant 3 : i32
      %add3A_170 = vector.broadcast %add3A_169 : i32 to vector<16xi32>
      %add3A_171 = arith.addi %add3A_168, %add3A_170 : vector<16xi32>
      %gather3A_172 = tpu.vector_load_idx %arg6[%add3A_171] : memref<32000xf32, #tpu.memory_space<vmem>>[vector<16xi32>], vector<16xf32>,
      %add3A_173 = arith.addf %add3A_163, %gather3A_172 : vector<16xf32>
      %mul3A_174 = arith.constant 8 : i32
      %mul3A_175 = vector.broadcast %mul3A_174 : i32 to vector<16xi32>
      %mul3A_176 = arith.muli %iota3A, %mul3A_175 : vector<16xi32>
      %add3A_177 = vector.broadcast %mul3A_138 : i32 to vector<16xi32>
      %add3A_178 = arith.addi %add3A_177, %mul3A_176 : vector<16xi32>
      %add3A_179 = arith.constant 4 : i32
      %add3A_180 = vector.broadcast %add3A_179 : i32 to vector<16xi32>
      %add3A_181 = arith.addi %add3A_178, %add3A_180 : vector<16xi32>
      %gather3A_182 = tpu.vector_load_idx %arg6[%add3A_181] : memref<32000xf32, #tpu.memory_space<vmem>>[vector<16xi32>], vector<16xf32>,
      %add3A_183 = arith.addf %add3A_173, %gather3A_182 : vector<16xf32>
      %mul3A_184 = arith.constant 8 : i32
      %mul3A_185 = vector.broadcast %mul3A_184 : i32 to vector<16xi32>
      %mul3A_186 = arith.muli %iota3A, %mul3A_185 : vector<16xi32>
      %add3A_187 = vector.broadcast %mul3A_138 : i32 to vector<16xi32>
      %add3A_188 = arith.addi %add3A_187, %mul3A_186 : vector<16xi32>
      %add3A_189 = arith.constant 5 : i32
      %add3A_190 = vector.broadcast %add3A_189 : i32 to vector<16xi32>
      %add3A_191 = arith.addi %add3A_188, %add3A_190 : vector<16xi32>
      %gather3A_192 = tpu.vector_load_idx %arg6[%add3A_191] : memref<32000xf32, #tpu.memory_space<vmem>>[vector<16xi32>], vector<16xf32>,
      %add3A_193 = arith.addf %add3A_183, %gather3A_192 : vector<16xf32>
      %mul3A_194 = arith.constant 8 : i32
      %mul3A_195 = vector.broadcast %mul3A_194 : i32 to vector<16xi32>
      %mul3A_196 = arith.muli %iota3A, %mul3A_195 : vector<16xi32>
      %add3A_197 = vector.broadcast %mul3A_138 : i32 to vector<16xi32>
      %add3A_198 = arith.addi %add3A_197, %mul3A_196 : vector<16xi32>
      %add3A_199 = arith.constant 6 : i32
      %add3A_200 = vector.broadcast %add3A_199 : i32 to vector<16xi32>
      %add3A_201 = arith.addi %add3A_198, %add3A_200 : vector<16xi32>
      %gather3A_202 = tpu.vector_load_idx %arg6[%add3A_201] : memref<32000xf32, #tpu.memory_space<vmem>>[vector<16xi32>], vector<16xf32>,
      %add3A_203 = arith.addf %add3A_193, %gather3A_202 : vector<16xf32>
      %mul3A_204 = arith.constant 8 : i32
      %mul3A_205 = vector.broadcast %mul3A_204 : i32 to vector<16xi32>
      %mul3A_206 = arith.muli %iota3A, %mul3A_205 : vector<16xi32>
      %add3A_207 = vector.broadcast %mul3A_138 : i32 to vector<16xi32>
      %add3A_208 = arith.addi %add3A_207, %mul3A_206 : vector<16xi32>
      %add3A_209 = arith.constant 7 : i32
      %add3A_210 = vector.broadcast %add3A_209 : i32 to vector<16xi32>
      %add3A_211 = arith.addi %add3A_208, %add3A_210 : vector<16xi32>
      %gather3A_212 = tpu.vector_load_idx %arg6[%add3A_211] : memref<32000xf32, #tpu.memory_space<vmem>>[vector<16xi32>], vector<16xf32>,
      %add3A_213 = arith.addf %add3A_203, %gather3A_212 : vector<16xf32>
      %mul3A_214 = arith.constant 16 : i32
      %mul3A_215 = arith.muli %scan3A_135, %mul3A_214 : i32
      %swap3A = arith.index_cast %mul3A_215 : i32 to index
      %swap3A_216 = tpu.vector_load %arg7[%swap3A] {strides = array<i32>} : memref<4000xf32, #tpu.memory_space<vmem>>, vector<16xf32>,
      tpu.vector_store %arg7[%swap3A], %add3A_213 {strides = array<i32>} : memref<4000xf32, #tpu.memory_space<vmem>>, vector<16xf32>,
      %scan3A_217 = arith.constant 0 : i32
      scf.yield %scan3A_217 : i32
    }
    %scan3A_14 = arith.constant 250 : i32
    %mul3A_15 = arith.constant 4000 : i32
    %mul3A_16 = arith.muli %add3A_2, %mul3A_15 : i32
    "tpu.region"() ({
      %run_scoped3A = tpu.sem_alloc : memref<!tpu.dma_semaphore, #tpu.memory_space<semaphore_mem>>
      %dma_start3A_135 = tpu.memref_slice %arg4[%mul3A_16] : memref<1000000xf32, #tpu.memory_space<hbm>> -> memref<4000xf32, #tpu.memory_space<hbm>>
      %dma_start3A_136 = tpu.memref_slice %arg4[%mul3A_16] : memref<1000000xf32, #tpu.memory_space<hbm>> -> memref<4000xf32, #tpu.memory_space<hbm>>
      tpu.enqueue_dma source(%arg7 : memref<4000xf32, #tpu.memory_space<vmem>>) target(%dma_start3A_136 : memref<4000xf32, #tpu.memory_space<hbm>>) target_semaphore(%run_scoped3A : memref<!tpu.dma_semaphore, #tpu.memory_space<semaphore_mem>>)
      %dma_wait3A_137 = tpu.memref_slice %arg4[%mul3A_16] : memref<1000000xf32, #tpu.memory_space<hbm>> -> memref<4000xf32, #tpu.memory_space<hbm>>
      %dma_wait3A_138 = tpu.memref_slice %arg4[%mul3A_16] : memref<1000000xf32, #tpu.memory_space<hbm>> -> memref<4000xf32, #tpu.memory_space<hbm>>
      tpu.wait_dma2 semaphore(%run_scoped3A : memref<!tpu.dma_semaphore, #tpu.memory_space<semaphore_mem>>) src(%arg7 : memref<4000xf32, #tpu.memory_space<vmem>>) dst(%dma_wait3A_138 : memref<4000xf32, #tpu.memory_space<hbm>>)
      tpu.yield
    }) : () -> ()
    %add3A_17 = arith.constant 32 : i32
    %add3A_18 = arith.addi %add3A, %add3A_17 : i32
    %mul3A_19 = arith.constant 4000 : i32
    %mul3A_20 = arith.muli %add3A_18, %mul3A_19 : i32
    %mul3A_21 = arith.constant 8 : i32
    %mul3A_22 = arith.muli %mul3A_20, %mul3A_21 : i32
    "tpu.region"() ({
      %run_scoped3A = tpu.sem_alloc : memref<!tpu.dma_semaphore, #tpu.memory_space<semaphore_mem>>
      %dma_start3A_135 = tpu.memref_slice %arg3[%mul3A_22] : memref<8000000xi32, #tpu.memory_space<hbm>> -> memref<32000xi32, #tpu.memory_space<hbm>>
      %dma_start3A_136 = tpu.memref_slice %arg3[%mul3A_22] : memref<8000000xi32, #tpu.memory_space<hbm>> -> memref<32000xi32, #tpu.memory_space<hbm>>
      tpu.enqueue_dma source(%dma_start3A_136 : memref<32000xi32, #tpu.memory_space<hbm>>) target(%arg5 : memref<32000xi32, #tpu.memory_space<vmem>>) target_semaphore(%run_scoped3A : memref<!tpu.dma_semaphore, #tpu.memory_space<semaphore_mem>>)
      %dma_wait3A_137 = tpu.memref_slice %arg3[%mul3A_22] : memref<8000000xi32, #tpu.memory_space<hbm>> -> memref<32000xi32, #tpu.memory_space<hbm>>
      %dma_wait3A_138 = tpu.memref_slice %arg3[%mul3A_22] : memref<8000000xi32, #tpu.memory_space<hbm>> -> memref<32000xi32, #tpu.memory_space<hbm>>
      tpu.wait_dma2 semaphore(%run_scoped3A : memref<!tpu.dma_semaphore, #tpu.memory_space<semaphore_mem>>) src(%dma_wait3A_138 : memref<32000xi32, #tpu.memory_space<hbm>>) dst(%arg5 : memref<32000xi32, #tpu.memory_space<vmem>>)
      tpu.yield
    }) : () -> ()
    %dma_start3A_23 = arith.constant 0 : i32
    %dma_start3A_24 = tpu.memref_slice %arg2[%dma_start3A_23] : memref<2000002xf32, #tpu.memory_space<hbm>> -> memref<2000002xf32, #tpu.memory_space<hbm>>
    tpu.enqueue_indirect_dma source(%dma_start3A_24 : memref<2000002xf32, #tpu.memory_space<hbm>>) target(%arg6 : memref<32000xf32, #tpu.memory_space<vmem>>) offsets(%arg5 : memref<32000xi32, #tpu.memory_space<vmem>>) semaphore(%arg8 : memref<!tpu.dma_semaphore, #tpu.memory_space<semaphore_mem>>)
    %dma_wait3A_25 = arith.constant 0 : i32
    %dma_wait3A_26 = tpu.memref_slice %arg2[%dma_wait3A_25] : memref<2000002xf32, #tpu.memory_space<hbm>> -> memref<2000002xf32, #tpu.memory_space<hbm>>
    tpu.wait_indirect_dma semaphore(%arg8 : memref<!tpu.dma_semaphore, #tpu.memory_space<semaphore_mem>>) src(%dma_wait3A_26 : memref<2000002xf32, #tpu.memory_space<hbm>>) dst(%arg6 : memref<32000xf32, #tpu.memory_space<vmem>>)
    %scan3A_27 = arith.constant 0 : i32
    %scan3A_28 = arith.constant 0 : i32
    %scan3A_29 = arith.constant 250 : i32
    %scan3A_30 = arith.addi %scan3A_28, %scan3A_29 : i32
    %scan3A_31 = arith.constant 1 : i32
    %scan3A_32 = scf.for %scan3A_135 = %scan3A_28 to %scan3A_30 step %scan3A_31 iter_args(%scan3A_136 = %scan3A_27) -> (i32)  : i32 {
      %mul3A_137 = arith.constant 128 : i32
      %mul3A_138 = arith.muli %scan3A_135, %mul3A_137 : i32
      %mul3A_139 = arith.constant 8 : i32
      %mul3A_140 = vector.broadcast %mul3A_139 : i32 to vector<16xi32>
      %mul3A_141 = arith.muli %iota3A, %mul3A_140 : vector<16xi32>
      %add3A_142 = vector.broadcast %mul3A_138 : i32 to vector<16xi32>
      %add3A_143 = arith.addi %add3A_142, %mul3A_141 : vector<16xi32>
      %gather3A = tpu.vector_load_idx %arg6[%add3A_143] : memref<32000xf32, #tpu.memory_space<vmem>>[vector<16xi32>], vector<16xf32>,
      %mul3A_144 = arith.constant 8 : i32
      %mul3A_145 = vector.broadcast %mul3A_144 : i32 to vector<16xi32>
      %mul3A_146 = arith.muli %iota3A, %mul3A_145 : vector<16xi32>
      %add3A_147 = vector.broadcast %mul3A_138 : i32 to vector<16xi32>
      %add3A_148 = arith.addi %add3A_147, %mul3A_146 : vector<16xi32>
      %add3A_149 = arith.constant 1 : i32
      %add3A_150 = vector.broadcast %add3A_149 : i32 to vector<16xi32>
      %add3A_151 = arith.addi %add3A_148, %add3A_150 : vector<16xi32>
      %gather3A_152 = tpu.vector_load_idx %arg6[%add3A_151] : memref<32000xf32, #tpu.memory_space<vmem>>[vector<16xi32>], vector<16xf32>,
      %add3A_153 = arith.addf %gather3A, %gather3A_152 : vector<16xf32>
      %mul3A_154 = arith.constant 8 : i32
      %mul3A_155 = vector.broadcast %mul3A_154 : i32 to vector<16xi32>
      %mul3A_156 = arith.muli %iota3A, %mul3A_155 : vector<16xi32>
      %add3A_157 = vector.broadcast %mul3A_138 : i32 to vector<16xi32>
      %add3A_158 = arith.addi %add3A_157, %mul3A_156 : vector<16xi32>
      %add3A_159 = arith.constant 2 : i32
      %add3A_160 = vector.broadcast %add3A_159 : i32 to vector<16xi32>
      %add3A_161 = arith.addi %add3A_158, %add3A_160 : vector<16xi32>
      %gather3A_162 = tpu.vector_load_idx %arg6[%add3A_161] : memref<32000xf32, #tpu.memory_space<vmem>>[vector<16xi32>], vector<16xf32>,
      %add3A_163 = arith.addf %add3A_153, %gather3A_162 : vector<16xf32>
      %mul3A_164 = arith.constant 8 : i32
      %mul3A_165 = vector.broadcast %mul3A_164 : i32 to vector<16xi32>
      %mul3A_166 = arith.muli %iota3A, %mul3A_165 : vector<16xi32>
      %add3A_167 = vector.broadcast %mul3A_138 : i32 to vector<16xi32>
      %add3A_168 = arith.addi %add3A_167, %mul3A_166 : vector<16xi32>
      %add3A_169 = arith.constant 3 : i32
      %add3A_170 = vector.broadcast %add3A_169 : i32 to vector<16xi32>
      %add3A_171 = arith.addi %add3A_168, %add3A_170 : vector<16xi32>
      %gather3A_172 = tpu.vector_load_idx %arg6[%add3A_171] : memref<32000xf32, #tpu.memory_space<vmem>>[vector<16xi32>], vector<16xf32>,
      %add3A_173 = arith.addf %add3A_163, %gather3A_172 : vector<16xf32>
      %mul3A_174 = arith.constant 8 : i32
      %mul3A_175 = vector.broadcast %mul3A_174 : i32 to vector<16xi32>
      %mul3A_176 = arith.muli %iota3A, %mul3A_175 : vector<16xi32>
      %add3A_177 = vector.broadcast %mul3A_138 : i32 to vector<16xi32>
      %add3A_178 = arith.addi %add3A_177, %mul3A_176 : vector<16xi32>
      %add3A_179 = arith.constant 4 : i32
      %add3A_180 = vector.broadcast %add3A_179 : i32 to vector<16xi32>
      %add3A_181 = arith.addi %add3A_178, %add3A_180 : vector<16xi32>
      %gather3A_182 = tpu.vector_load_idx %arg6[%add3A_181] : memref<32000xf32, #tpu.memory_space<vmem>>[vector<16xi32>], vector<16xf32>,
      %add3A_183 = arith.addf %add3A_173, %gather3A_182 : vector<16xf32>
      %mul3A_184 = arith.constant 8 : i32
      %mul3A_185 = vector.broadcast %mul3A_184 : i32 to vector<16xi32>
      %mul3A_186 = arith.muli %iota3A, %mul3A_185 : vector<16xi32>
      %add3A_187 = vector.broadcast %mul3A_138 : i32 to vector<16xi32>
      %add3A_188 = arith.addi %add3A_187, %mul3A_186 : vector<16xi32>
      %add3A_189 = arith.constant 5 : i32
      %add3A_190 = vector.broadcast %add3A_189 : i32 to vector<16xi32>
      %add3A_191 = arith.addi %add3A_188, %add3A_190 : vector<16xi32>
      %gather3A_192 = tpu.vector_load_idx %arg6[%add3A_191] : memref<32000xf32, #tpu.memory_space<vmem>>[vector<16xi32>], vector<16xf32>,
      %add3A_193 = arith.addf %add3A_183, %gather3A_192 : vector<16xf32>
      %mul3A_194 = arith.constant 8 : i32
      %mul3A_195 = vector.broadcast %mul3A_194 : i32 to vector<16xi32>
      %mul3A_196 = arith.muli %iota3A, %mul3A_195 : vector<16xi32>
      %add3A_197 = vector.broadcast %mul3A_138 : i32 to vector<16xi32>
      %add3A_198 = arith.addi %add3A_197, %mul3A_196 : vector<16xi32>
      %add3A_199 = arith.constant 6 : i32
      %add3A_200 = vector.broadcast %add3A_199 : i32 to vector<16xi32>
      %add3A_201 = arith.addi %add3A_198, %add3A_200 : vector<16xi32>
      %gather3A_202 = tpu.vector_load_idx %arg6[%add3A_201] : memref<32000xf32, #tpu.memory_space<vmem>>[vector<16xi32>], vector<16xf32>,
      %add3A_203 = arith.addf %add3A_193, %gather3A_202 : vector<16xf32>
      %mul3A_204 = arith.constant 8 : i32
      %mul3A_205 = vector.broadcast %mul3A_204 : i32 to vector<16xi32>
      %mul3A_206 = arith.muli %iota3A, %mul3A_205 : vector<16xi32>
      %add3A_207 = vector.broadcast %mul3A_138 : i32 to vector<16xi32>
      %add3A_208 = arith.addi %add3A_207, %mul3A_206 : vector<16xi32>
      %add3A_209 = arith.constant 7 : i32
      %add3A_210 = vector.broadcast %add3A_209 : i32 to vector<16xi32>
      %add3A_211 = arith.addi %add3A_208, %add3A_210 : vector<16xi32>
      %gather3A_212 = tpu.vector_load_idx %arg6[%add3A_211] : memref<32000xf32, #tpu.memory_space<vmem>>[vector<16xi32>], vector<16xf32>,
      %add3A_213 = arith.addf %add3A_203, %gather3A_212 : vector<16xf32>
      %mul3A_214 = arith.constant 16 : i32
      %mul3A_215 = arith.muli %scan3A_135, %mul3A_214 : i32
      %swap3A = arith.index_cast %mul3A_215 : i32 to index
      %swap3A_216 = tpu.vector_load %arg7[%swap3A] {strides = array<i32>} : memref<4000xf32, #tpu.memory_space<vmem>>, vector<16xf32>,
      tpu.vector_store %arg7[%swap3A], %add3A_213 {strides = array<i32>} : memref<4000xf32, #tpu.memory_space<vmem>>, vector<16xf32>,
      %scan3A_217 = arith.constant 0 : i32
      scf.yield %scan3A_217 : i32
    }
    %scan3A_33 = arith.constant 250 : i32
    %mul3A_34 = arith.constant 4000 : i32
    %mul3A_35 = arith.muli %add3A_18, %mul3A_34 : i32
    "tpu.region"() ({
      %run_scoped3A = tpu.sem_alloc : memref<!tpu.dma_semaphore, #tpu.memory_space<semaphore_mem>>
      %dma_start3A_135 = tpu.memref_slice %arg4[%mul3A_35] : memref<1000000xf32, #tpu.memory_space<hbm>> -> memref<4000xf32, #tpu.memory_space<hbm>>
      %dma_start3A_136 = tpu.memref_slice %arg4[%mul3A_35] : memref<1000000xf32, #tpu.memory_space<hbm>> -> memref<4000xf32, #tpu.memory_space<hbm>>
      tpu.enqueue_dma source(%arg7 : memref<4000xf32, #tpu.memory_space<vmem>>) target(%dma_start3A_136 : memref<4000xf32, #tpu.memory_space<hbm>>) target_semaphore(%run_scoped3A : memref<!tpu.dma_semaphore, #tpu.memory_space<semaphore_mem>>)
      %dma_wait3A_137 = tpu.memref_slice %arg4[%mul3A_35] : memref<1000000xf32, #tpu.memory_space<hbm>> -> memref<4000xf32, #tpu.memory_space<hbm>>
      %dma_wait3A_138 = tpu.memref_slice %arg4[%mul3A_35] : memref<1000000xf32, #tpu.memory_space<hbm>> -> memref<4000xf32, #tpu.memory_space<hbm>>
      tpu.wait_dma2 semaphore(%run_scoped3A : memref<!tpu.dma_semaphore, #tpu.memory_space<semaphore_mem>>) src(%arg7 : memref<4000xf32, #tpu.memory_space<vmem>>) dst(%dma_wait3A_138 : memref<4000xf32, #tpu.memory_space<hbm>>)
      tpu.yield
    }) : () -> ()
    %add3A_36 = arith.constant 64 : i32
    %add3A_37 = arith.addi %add3A, %add3A_36 : i32
    %mul3A_38 = arith.constant 4000 : i32
    %mul3A_39 = arith.muli %add3A_37, %mul3A_38 : i32
    %mul3A_40 = arith.constant 8 : i32
    %mul3A_41 = arith.muli %mul3A_39, %mul3A_40 : i32
    "tpu.region"() ({
      %run_scoped3A = tpu.sem_alloc : memref<!tpu.dma_semaphore, #tpu.memory_space<semaphore_mem>>
      %dma_start3A_135 = tpu.memref_slice %arg3[%mul3A_41] : memref<8000000xi32, #tpu.memory_space<hbm>> -> memref<32000xi32, #tpu.memory_space<hbm>>
      %dma_start3A_136 = tpu.memref_slice %arg3[%mul3A_41] : memref<8000000xi32, #tpu.memory_space<hbm>> -> memref<32000xi32, #tpu.memory_space<hbm>>
      tpu.enqueue_dma source(%dma_start3A_136 : memref<32000xi32, #tpu.memory_space<hbm>>) target(%arg5 : memref<32000xi32, #tpu.memory_space<vmem>>) target_semaphore(%run_scoped3A : memref<!tpu.dma_semaphore, #tpu.memory_space<semaphore_mem>>)
      %dma_wait3A_137 = tpu.memref_slice %arg3[%mul3A_41] : memref<8000000xi32, #tpu.memory_space<hbm>> -> memref<32000xi32, #tpu.memory_space<hbm>>
      %dma_wait3A_138 = tpu.memref_slice %arg3[%mul3A_41] : memref<8000000xi32, #tpu.memory_space<hbm>> -> memref<32000xi32, #tpu.memory_space<hbm>>
      tpu.wait_dma2 semaphore(%run_scoped3A : memref<!tpu.dma_semaphore, #tpu.memory_space<semaphore_mem>>) src(%dma_wait3A_138 : memref<32000xi32, #tpu.memory_space<hbm>>) dst(%arg5 : memref<32000xi32, #tpu.memory_space<vmem>>)
      tpu.yield
    }) : () -> ()
    %dma_start3A_42 = arith.constant 0 : i32
    %dma_start3A_43 = tpu.memref_slice %arg2[%dma_start3A_42] : memref<2000002xf32, #tpu.memory_space<hbm>> -> memref<2000002xf32, #tpu.memory_space<hbm>>
    tpu.enqueue_indirect_dma source(%dma_start3A_43 : memref<2000002xf32, #tpu.memory_space<hbm>>) target(%arg6 : memref<32000xf32, #tpu.memory_space<vmem>>) offsets(%arg5 : memref<32000xi32, #tpu.memory_space<vmem>>) semaphore(%arg8 : memref<!tpu.dma_semaphore, #tpu.memory_space<semaphore_mem>>)
    %dma_wait3A_44 = arith.constant 0 : i32
    %dma_wait3A_45 = tpu.memref_slice %arg2[%dma_wait3A_44] : memref<2000002xf32, #tpu.memory_space<hbm>> -> memref<2000002xf32, #tpu.memory_space<hbm>>
    tpu.wait_indirect_dma semaphore(%arg8 : memref<!tpu.dma_semaphore, #tpu.memory_space<semaphore_mem>>) src(%dma_wait3A_45 : memref<2000002xf32, #tpu.memory_space<hbm>>) dst(%arg6 : memref<32000xf32, #tpu.memory_space<vmem>>)
    %scan3A_46 = arith.constant 0 : i32
    %scan3A_47 = arith.constant 0 : i32
    %scan3A_48 = arith.constant 250 : i32
    %scan3A_49 = arith.addi %scan3A_47, %scan3A_48 : i32
    %scan3A_50 = arith.constant 1 : i32
    %scan3A_51 = scf.for %scan3A_135 = %scan3A_47 to %scan3A_49 step %scan3A_50 iter_args(%scan3A_136 = %scan3A_46) -> (i32)  : i32 {
      %mul3A_137 = arith.constant 128 : i32
      %mul3A_138 = arith.muli %scan3A_135, %mul3A_137 : i32
      %mul3A_139 = arith.constant 8 : i32
      %mul3A_140 = vector.broadcast %mul3A_139 : i32 to vector<16xi32>
      %mul3A_141 = arith.muli %iota3A, %mul3A_140 : vector<16xi32>
      %add3A_142 = vector.broadcast %mul3A_138 : i32 to vector<16xi32>
      %add3A_143 = arith.addi %add3A_142, %mul3A_141 : vector<16xi32>
      %gather3A = tpu.vector_load_idx %arg6[%add3A_143] : memref<32000xf32, #tpu.memory_space<vmem>>[vector<16xi32>], vector<16xf32>,
      %mul3A_144 = arith.constant 8 : i32
      %mul3A_145 = vector.broadcast %mul3A_144 : i32 to vector<16xi32>
      %mul3A_146 = arith.muli %iota3A, %mul3A_145 : vector<16xi32>
      %add3A_147 = vector.broadcast %mul3A_138 : i32 to vector<16xi32>
      %add3A_148 = arith.addi %add3A_147, %mul3A_146 : vector<16xi32>
      %add3A_149 = arith.constant 1 : i32
      %add3A_150 = vector.broadcast %add3A_149 : i32 to vector<16xi32>
      %add3A_151 = arith.addi %add3A_148, %add3A_150 : vector<16xi32>
      %gather3A_152 = tpu.vector_load_idx %arg6[%add3A_151] : memref<32000xf32, #tpu.memory_space<vmem>>[vector<16xi32>], vector<16xf32>,
      %add3A_153 = arith.addf %gather3A, %gather3A_152 : vector<16xf32>
      %mul3A_154 = arith.constant 8 : i32
      %mul3A_155 = vector.broadcast %mul3A_154 : i32 to vector<16xi32>
      %mul3A_156 = arith.muli %iota3A, %mul3A_155 : vector<16xi32>
      %add3A_157 = vector.broadcast %mul3A_138 : i32 to vector<16xi32>
      %add3A_158 = arith.addi %add3A_157, %mul3A_156 : vector<16xi32>
      %add3A_159 = arith.constant 2 : i32
      %add3A_160 = vector.broadcast %add3A_159 : i32 to vector<16xi32>
      %add3A_161 = arith.addi %add3A_158, %add3A_160 : vector<16xi32>
      %gather3A_162 = tpu.vector_load_idx %arg6[%add3A_161] : memref<32000xf32, #tpu.memory_space<vmem>>[vector<16xi32>], vector<16xf32>,
      %add3A_163 = arith.addf %add3A_153, %gather3A_162 : vector<16xf32>
      %mul3A_164 = arith.constant 8 : i32
      %mul3A_165 = vector.broadcast %mul3A_164 : i32 to vector<16xi32>
      %mul3A_166 = arith.muli %iota3A, %mul3A_165 : vector<16xi32>
      %add3A_167 = vector.broadcast %mul3A_138 : i32 to vector<16xi32>
      %add3A_168 = arith.addi %add3A_167, %mul3A_166 : vector<16xi32>
      %add3A_169 = arith.constant 3 : i32
      %add3A_170 = vector.broadcast %add3A_169 : i32 to vector<16xi32>
      %add3A_171 = arith.addi %add3A_168, %add3A_170 : vector<16xi32>
      %gather3A_172 = tpu.vector_load_idx %arg6[%add3A_171] : memref<32000xf32, #tpu.memory_space<vmem>>[vector<16xi32>], vector<16xf32>,
      %add3A_173 = arith.addf %add3A_163, %gather3A_172 : vector<16xf32>
      %mul3A_174 = arith.constant 8 : i32
      %mul3A_175 = vector.broadcast %mul3A_174 : i32 to vector<16xi32>
      %mul3A_176 = arith.muli %iota3A, %mul3A_175 : vector<16xi32>
      %add3A_177 = vector.broadcast %mul3A_138 : i32 to vector<16xi32>
      %add3A_178 = arith.addi %add3A_177, %mul3A_176 : vector<16xi32>
      %add3A_179 = arith.constant 4 : i32
      %add3A_180 = vector.broadcast %add3A_179 : i32 to vector<16xi32>
      %add3A_181 = arith.addi %add3A_178, %add3A_180 : vector<16xi32>
      %gather3A_182 = tpu.vector_load_idx %arg6[%add3A_181] : memref<32000xf32, #tpu.memory_space<vmem>>[vector<16xi32>], vector<16xf32>,
      %add3A_183 = arith.addf %add3A_173, %gather3A_182 : vector<16xf32>
      %mul3A_184 = arith.constant 8 : i32
      %mul3A_185 = vector.broadcast %mul3A_184 : i32 to vector<16xi32>
      %mul3A_186 = arith.muli %iota3A, %mul3A_185 : vector<16xi32>
      %add3A_187 = vector.broadcast %mul3A_138 : i32 to vector<16xi32>
      %add3A_188 = arith.addi %add3A_187, %mul3A_186 : vector<16xi32>
      %add3A_189 = arith.constant 5 : i32
      %add3A_190 = vector.broadcast %add3A_189 : i32 to vector<16xi32>
      %add3A_191 = arith.addi %add3A_188, %add3A_190 : vector<16xi32>
      %gather3A_192 = tpu.vector_load_idx %arg6[%add3A_191] : memref<32000xf32, #tpu.memory_space<vmem>>[vector<16xi32>], vector<16xf32>,
      %add3A_193 = arith.addf %add3A_183, %gather3A_192 : vector<16xf32>
      %mul3A_194 = arith.constant 8 : i32
      %mul3A_195 = vector.broadcast %mul3A_194 : i32 to vector<16xi32>
      %mul3A_196 = arith.muli %iota3A, %mul3A_195 : vector<16xi32>
      %add3A_197 = vector.broadcast %mul3A_138 : i32 to vector<16xi32>
      %add3A_198 = arith.addi %add3A_197, %mul3A_196 : vector<16xi32>
      %add3A_199 = arith.constant 6 : i32
      %add3A_200 = vector.broadcast %add3A_199 : i32 to vector<16xi32>
      %add3A_201 = arith.addi %add3A_198, %add3A_200 : vector<16xi32>
      %gather3A_202 = tpu.vector_load_idx %arg6[%add3A_201] : memref<32000xf32, #tpu.memory_space<vmem>>[vector<16xi32>], vector<16xf32>,
      %add3A_203 = arith.addf %add3A_193, %gather3A_202 : vector<16xf32>
      %mul3A_204 = arith.constant 8 : i32
      %mul3A_205 = vector.broadcast %mul3A_204 : i32 to vector<16xi32>
      %mul3A_206 = arith.muli %iota3A, %mul3A_205 : vector<16xi32>
      %add3A_207 = vector.broadcast %mul3A_138 : i32 to vector<16xi32>
      %add3A_208 = arith.addi %add3A_207, %mul3A_206 : vector<16xi32>
      %add3A_209 = arith.constant 7 : i32
      %add3A_210 = vector.broadcast %add3A_209 : i32 to vector<16xi32>
      %add3A_211 = arith.addi %add3A_208, %add3A_210 : vector<16xi32>
      %gather3A_212 = tpu.vector_load_idx %arg6[%add3A_211] : memref<32000xf32, #tpu.memory_space<vmem>>[vector<16xi32>], vector<16xf32>,
      %add3A_213 = arith.addf %add3A_203, %gather3A_212 : vector<16xf32>
      %mul3A_214 = arith.constant 16 : i32
      %mul3A_215 = arith.muli %scan3A_135, %mul3A_214 : i32
      %swap3A = arith.index_cast %mul3A_215 : i32 to index
      %swap3A_216 = tpu.vector_load %arg7[%swap3A] {strides = array<i32>} : memref<4000xf32, #tpu.memory_space<vmem>>, vector<16xf32>,
      tpu.vector_store %arg7[%swap3A], %add3A_213 {strides = array<i32>} : memref<4000xf32, #tpu.memory_space<vmem>>, vector<16xf32>,
      %scan3A_217 = arith.constant 0 : i32
      scf.yield %scan3A_217 : i32
    }
    %scan3A_52 = arith.constant 250 : i32
    %mul3A_53 = arith.constant 4000 : i32
    %mul3A_54 = arith.muli %add3A_37, %mul3A_53 : i32
    "tpu.region"() ({
      %run_scoped3A = tpu.sem_alloc : memref<!tpu.dma_semaphore, #tpu.memory_space<semaphore_mem>>
      %dma_start3A_135 = tpu.memref_slice %arg4[%mul3A_54] : memref<1000000xf32, #tpu.memory_space<hbm>> -> memref<4000xf32, #tpu.memory_space<hbm>>
      %dma_start3A_136 = tpu.memref_slice %arg4[%mul3A_54] : memref<1000000xf32, #tpu.memory_space<hbm>> -> memref<4000xf32, #tpu.memory_space<hbm>>
      tpu.enqueue_dma source(%arg7 : memref<4000xf32, #tpu.memory_space<vmem>>) target(%dma_start3A_136 : memref<4000xf32, #tpu.memory_space<hbm>>) target_semaphore(%run_scoped3A : memref<!tpu.dma_semaphore, #tpu.memory_space<semaphore_mem>>)
      %dma_wait3A_137 = tpu.memref_slice %arg4[%mul3A_54] : memref<1000000xf32, #tpu.memory_space<hbm>> -> memref<4000xf32, #tpu.memory_space<hbm>>
      %dma_wait3A_138 = tpu.memref_slice %arg4[%mul3A_54] : memref<1000000xf32, #tpu.memory_space<hbm>> -> memref<4000xf32, #tpu.memory_space<hbm>>
      tpu.wait_dma2 semaphore(%run_scoped3A : memref<!tpu.dma_semaphore, #tpu.memory_space<semaphore_mem>>) src(%arg7 : memref<4000xf32, #tpu.memory_space<vmem>>) dst(%dma_wait3A_138 : memref<4000xf32, #tpu.memory_space<hbm>>)
      tpu.yield
    }) : () -> ()
    %add3A_55 = arith.constant 96 : i32
    %add3A_56 = arith.addi %add3A, %add3A_55 : i32
    %mul3A_57 = arith.constant 4000 : i32
    %mul3A_58 = arith.muli %add3A_56, %mul3A_57 : i32
    %mul3A_59 = arith.constant 8 : i32
    %mul3A_60 = arith.muli %mul3A_58, %mul3A_59 : i32
    "tpu.region"() ({
      %run_scoped3A = tpu.sem_alloc : memref<!tpu.dma_semaphore, #tpu.memory_space<semaphore_mem>>
      %dma_start3A_135 = tpu.memref_slice %arg3[%mul3A_60] : memref<8000000xi32, #tpu.memory_space<hbm>> -> memref<32000xi32, #tpu.memory_space<hbm>>
      %dma_start3A_136 = tpu.memref_slice %arg3[%mul3A_60] : memref<8000000xi32, #tpu.memory_space<hbm>> -> memref<32000xi32, #tpu.memory_space<hbm>>
      tpu.enqueue_dma source(%dma_start3A_136 : memref<32000xi32, #tpu.memory_space<hbm>>) target(%arg5 : memref<32000xi32, #tpu.memory_space<vmem>>) target_semaphore(%run_scoped3A : memref<!tpu.dma_semaphore, #tpu.memory_space<semaphore_mem>>)
      %dma_wait3A_137 = tpu.memref_slice %arg3[%mul3A_60] : memref<8000000xi32, #tpu.memory_space<hbm>> -> memref<32000xi32, #tpu.memory_space<hbm>>
      %dma_wait3A_138 = tpu.memref_slice %arg3[%mul3A_60] : memref<8000000xi32, #tpu.memory_space<hbm>> -> memref<32000xi32, #tpu.memory_space<hbm>>
      tpu.wait_dma2 semaphore(%run_scoped3A : memref<!tpu.dma_semaphore, #tpu.memory_space<semaphore_mem>>) src(%dma_wait3A_138 : memref<32000xi32, #tpu.memory_space<hbm>>) dst(%arg5 : memref<32000xi32, #tpu.memory_space<vmem>>)
      tpu.yield
    }) : () -> ()
    %dma_start3A_61 = arith.constant 0 : i32
    %dma_start3A_62 = tpu.memref_slice %arg2[%dma_start3A_61] : memref<2000002xf32, #tpu.memory_space<hbm>> -> memref<2000002xf32, #tpu.memory_space<hbm>>
    tpu.enqueue_indirect_dma source(%dma_start3A_62 : memref<2000002xf32, #tpu.memory_space<hbm>>) target(%arg6 : memref<32000xf32, #tpu.memory_space<vmem>>) offsets(%arg5 : memref<32000xi32, #tpu.memory_space<vmem>>) semaphore(%arg8 : memref<!tpu.dma_semaphore, #tpu.memory_space<semaphore_mem>>)
    %dma_wait3A_63 = arith.constant 0 : i32
    %dma_wait3A_64 = tpu.memref_slice %arg2[%dma_wait3A_63] : memref<2000002xf32, #tpu.memory_space<hbm>> -> memref<2000002xf32, #tpu.memory_space<hbm>>
    tpu.wait_indirect_dma semaphore(%arg8 : memref<!tpu.dma_semaphore, #tpu.memory_space<semaphore_mem>>) src(%dma_wait3A_64 : memref<2000002xf32, #tpu.memory_space<hbm>>) dst(%arg6 : memref<32000xf32, #tpu.memory_space<vmem>>)
    %scan3A_65 = arith.constant 0 : i32
    %scan3A_66 = arith.constant 0 : i32
    %scan3A_67 = arith.constant 250 : i32
    %scan3A_68 = arith.addi %scan3A_66, %scan3A_67 : i32
    %scan3A_69 = arith.constant 1 : i32
    %scan3A_70 = scf.for %scan3A_135 = %scan3A_66 to %scan3A_68 step %scan3A_69 iter_args(%scan3A_136 = %scan3A_65) -> (i32)  : i32 {
      %mul3A_137 = arith.constant 128 : i32
      %mul3A_138 = arith.muli %scan3A_135, %mul3A_137 : i32
      %mul3A_139 = arith.constant 8 : i32
      %mul3A_140 = vector.broadcast %mul3A_139 : i32 to vector<16xi32>
      %mul3A_141 = arith.muli %iota3A, %mul3A_140 : vector<16xi32>
      %add3A_142 = vector.broadcast %mul3A_138 : i32 to vector<16xi32>
      %add3A_143 = arith.addi %add3A_142, %mul3A_141 : vector<16xi32>
      %gather3A = tpu.vector_load_idx %arg6[%add3A_143] : memref<32000xf32, #tpu.memory_space<vmem>>[vector<16xi32>], vector<16xf32>,
      %mul3A_144 = arith.constant 8 : i32
      %mul3A_145 = vector.broadcast %mul3A_144 : i32 to vector<16xi32>
      %mul3A_146 = arith.muli %iota3A, %mul3A_145 : vector<16xi32>
      %add3A_147 = vector.broadcast %mul3A_138 : i32 to vector<16xi32>
      %add3A_148 = arith.addi %add3A_147, %mul3A_146 : vector<16xi32>
      %add3A_149 = arith.constant 1 : i32
      %add3A_150 = vector.broadcast %add3A_149 : i32 to vector<16xi32>
      %add3A_151 = arith.addi %add3A_148, %add3A_150 : vector<16xi32>
      %gather3A_152 = tpu.vector_load_idx %arg6[%add3A_151] : memref<32000xf32, #tpu.memory_space<vmem>>[vector<16xi32>], vector<16xf32>,
      %add3A_153 = arith.addf %gather3A, %gather3A_152 : vector<16xf32>
      %mul3A_154 = arith.constant 8 : i32
      %mul3A_155 = vector.broadcast %mul3A_154 : i32 to vector<16xi32>
      %mul3A_156 = arith.muli %iota3A, %mul3A_155 : vector<16xi32>
      %add3A_157 = vector.broadcast %mul3A_138 : i32 to vector<16xi32>
      %add3A_158 = arith.addi %add3A_157, %mul3A_156 : vector<16xi32>
      %add3A_159 = arith.constant 2 : i32
      %add3A_160 = vector.broadcast %add3A_159 : i32 to vector<16xi32>
      %add3A_161 = arith.addi %add3A_158, %add3A_160 : vector<16xi32>
      %gather3A_162 = tpu.vector_load_idx %arg6[%add3A_161] : memref<32000xf32, #tpu.memory_space<vmem>>[vector<16xi32>], vector<16xf32>,
      %add3A_163 = arith.addf %add3A_153, %gather3A_162 : vector<16xf32>
      %mul3A_164 = arith.constant 8 : i32
      %mul3A_165 = vector.broadcast %mul3A_164 : i32 to vector<16xi32>
      %mul3A_166 = arith.muli %iota3A, %mul3A_165 : vector<16xi32>
      %add3A_167 = vector.broadcast %mul3A_138 : i32 to vector<16xi32>
      %add3A_168 = arith.addi %add3A_167, %mul3A_166 : vector<16xi32>
      %add3A_169 = arith.constant 3 : i32
      %add3A_170 = vector.broadcast %add3A_169 : i32 to vector<16xi32>
      %add3A_171 = arith.addi %add3A_168, %add3A_170 : vector<16xi32>
      %gather3A_172 = tpu.vector_load_idx %arg6[%add3A_171] : memref<32000xf32, #tpu.memory_space<vmem>>[vector<16xi32>], vector<16xf32>,
      %add3A_173 = arith.addf %add3A_163, %gather3A_172 : vector<16xf32>
      %mul3A_174 = arith.constant 8 : i32
      %mul3A_175 = vector.broadcast %mul3A_174 : i32 to vector<16xi32>
      %mul3A_176 = arith.muli %iota3A, %mul3A_175 : vector<16xi32>
      %add3A_177 = vector.broadcast %mul3A_138 : i32 to vector<16xi32>
      %add3A_178 = arith.addi %add3A_177, %mul3A_176 : vector<16xi32>
      %add3A_179 = arith.constant 4 : i32
      %add3A_180 = vector.broadcast %add3A_179 : i32 to vector<16xi32>
      %add3A_181 = arith.addi %add3A_178, %add3A_180 : vector<16xi32>
      %gather3A_182 = tpu.vector_load_idx %arg6[%add3A_181] : memref<32000xf32, #tpu.memory_space<vmem>>[vector<16xi32>], vector<16xf32>,
      %add3A_183 = arith.addf %add3A_173, %gather3A_182 : vector<16xf32>
      %mul3A_184 = arith.constant 8 : i32
      %mul3A_185 = vector.broadcast %mul3A_184 : i32 to vector<16xi32>
      %mul3A_186 = arith.muli %iota3A, %mul3A_185 : vector<16xi32>
      %add3A_187 = vector.broadcast %mul3A_138 : i32 to vector<16xi32>
      %add3A_188 = arith.addi %add3A_187, %mul3A_186 : vector<16xi32>
      %add3A_189 = arith.constant 5 : i32
      %add3A_190 = vector.broadcast %add3A_189 : i32 to vector<16xi32>
      %add3A_191 = arith.addi %add3A_188, %add3A_190 : vector<16xi32>
      %gather3A_192 = tpu.vector_load_idx %arg6[%add3A_191] : memref<32000xf32, #tpu.memory_space<vmem>>[vector<16xi32>], vector<16xf32>,
      %add3A_193 = arith.addf %add3A_183, %gather3A_192 : vector<16xf32>
      %mul3A_194 = arith.constant 8 : i32
      %mul3A_195 = vector.broadcast %mul3A_194 : i32 to vector<16xi32>
      %mul3A_196 = arith.muli %iota3A, %mul3A_195 : vector<16xi32>
      %add3A_197 = vector.broadcast %mul3A_138 : i32 to vector<16xi32>
      %add3A_198 = arith.addi %add3A_197, %mul3A_196 : vector<16xi32>
      %add3A_199 = arith.constant 6 : i32
      %add3A_200 = vector.broadcast %add3A_199 : i32 to vector<16xi32>
      %add3A_201 = arith.addi %add3A_198, %add3A_200 : vector<16xi32>
      %gather3A_202 = tpu.vector_load_idx %arg6[%add3A_201] : memref<32000xf32, #tpu.memory_space<vmem>>[vector<16xi32>], vector<16xf32>,
      %add3A_203 = arith.addf %add3A_193, %gather3A_202 : vector<16xf32>
      %mul3A_204 = arith.constant 8 : i32
      %mul3A_205 = vector.broadcast %mul3A_204 : i32 to vector<16xi32>
      %mul3A_206 = arith.muli %iota3A, %mul3A_205 : vector<16xi32>
      %add3A_207 = vector.broadcast %mul3A_138 : i32 to vector<16xi32>
      %add3A_208 = arith.addi %add3A_207, %mul3A_206 : vector<16xi32>
      %add3A_209 = arith.constant 7 : i32
      %add3A_210 = vector.broadcast %add3A_209 : i32 to vector<16xi32>
      %add3A_211 = arith.addi %add3A_208, %add3A_210 : vector<16xi32>
      %gather3A_212 = tpu.vector_load_idx %arg6[%add3A_211] : memref<32000xf32, #tpu.memory_space<vmem>>[vector<16xi32>], vector<16xf32>,
      %add3A_213 = arith.addf %add3A_203, %gather3A_212 : vector<16xf32>
      %mul3A_214 = arith.constant 16 : i32
      %mul3A_215 = arith.muli %scan3A_135, %mul3A_214 : i32
      %swap3A = arith.index_cast %mul3A_215 : i32 to index
      %swap3A_216 = tpu.vector_load %arg7[%swap3A] {strides = array<i32>} : memref<4000xf32, #tpu.memory_space<vmem>>, vector<16xf32>,
      tpu.vector_store %arg7[%swap3A], %add3A_213 {strides = array<i32>} : memref<4000xf32, #tpu.memory_space<vmem>>, vector<16xf32>,
      %scan3A_217 = arith.constant 0 : i32
      scf.yield %scan3A_217 : i32
    }
    %scan3A_71 = arith.constant 250 : i32
    %mul3A_72 = arith.constant 4000 : i32
    %mul3A_73 = arith.muli %add3A_56, %mul3A_72 : i32
    "tpu.region"() ({
      %run_scoped3A = tpu.sem_alloc : memref<!tpu.dma_semaphore, #tpu.memory_space<semaphore_mem>>
      %dma_start3A_135 = tpu.memref_slice %arg4[%mul3A_73] : memref<1000000xf32, #tpu.memory_space<hbm>> -> memref<4000xf32, #tpu.memory_space<hbm>>
      %dma_start3A_136 = tpu.memref_slice %arg4[%mul3A_73] : memref<1000000xf32, #tpu.memory_space<hbm>> -> memref<4000xf32, #tpu.memory_space<hbm>>
      tpu.enqueue_dma source(%arg7 : memref<4000xf32, #tpu.memory_space<vmem>>) target(%dma_start3A_136 : memref<4000xf32, #tpu.memory_space<hbm>>) target_semaphore(%run_scoped3A : memref<!tpu.dma_semaphore, #tpu.memory_space<semaphore_mem>>)
      %dma_wait3A_137 = tpu.memref_slice %arg4[%mul3A_73] : memref<1000000xf32, #tpu.memory_space<hbm>> -> memref<4000xf32, #tpu.memory_space<hbm>>
      %dma_wait3A_138 = tpu.memref_slice %arg4[%mul3A_73] : memref<1000000xf32, #tpu.memory_space<hbm>> -> memref<4000xf32, #tpu.memory_space<hbm>>
      tpu.wait_dma2 semaphore(%run_scoped3A : memref<!tpu.dma_semaphore, #tpu.memory_space<semaphore_mem>>) src(%arg7 : memref<4000xf32, #tpu.memory_space<vmem>>) dst(%dma_wait3A_138 : memref<4000xf32, #tpu.memory_space<hbm>>)
      tpu.yield
    }) : () -> ()
    %add3A_74 = arith.constant 128 : i32
    %add3A_75 = arith.addi %add3A, %add3A_74 : i32
    %mul3A_76 = arith.constant 4000 : i32
    %mul3A_77 = arith.muli %add3A_75, %mul3A_76 : i32
    %mul3A_78 = arith.constant 8 : i32
    %mul3A_79 = arith.muli %mul3A_77, %mul3A_78 : i32
    "tpu.region"() ({
      %run_scoped3A = tpu.sem_alloc : memref<!tpu.dma_semaphore, #tpu.memory_space<semaphore_mem>>
      %dma_start3A_135 = tpu.memref_slice %arg3[%mul3A_79] : memref<8000000xi32, #tpu.memory_space<hbm>> -> memref<32000xi32, #tpu.memory_space<hbm>>
      %dma_start3A_136 = tpu.memref_slice %arg3[%mul3A_79] : memref<8000000xi32, #tpu.memory_space<hbm>> -> memref<32000xi32, #tpu.memory_space<hbm>>
      tpu.enqueue_dma source(%dma_start3A_136 : memref<32000xi32, #tpu.memory_space<hbm>>) target(%arg5 : memref<32000xi32, #tpu.memory_space<vmem>>) target_semaphore(%run_scoped3A : memref<!tpu.dma_semaphore, #tpu.memory_space<semaphore_mem>>)
      %dma_wait3A_137 = tpu.memref_slice %arg3[%mul3A_79] : memref<8000000xi32, #tpu.memory_space<hbm>> -> memref<32000xi32, #tpu.memory_space<hbm>>
      %dma_wait3A_138 = tpu.memref_slice %arg3[%mul3A_79] : memref<8000000xi32, #tpu.memory_space<hbm>> -> memref<32000xi32, #tpu.memory_space<hbm>>
      tpu.wait_dma2 semaphore(%run_scoped3A : memref<!tpu.dma_semaphore, #tpu.memory_space<semaphore_mem>>) src(%dma_wait3A_138 : memref<32000xi32, #tpu.memory_space<hbm>>) dst(%arg5 : memref<32000xi32, #tpu.memory_space<vmem>>)
      tpu.yield
    }) : () -> ()
    %dma_start3A_80 = arith.constant 0 : i32
    %dma_start3A_81 = tpu.memref_slice %arg2[%dma_start3A_80] : memref<2000002xf32, #tpu.memory_space<hbm>> -> memref<2000002xf32, #tpu.memory_space<hbm>>
    tpu.enqueue_indirect_dma source(%dma_start3A_81 : memref<2000002xf32, #tpu.memory_space<hbm>>) target(%arg6 : memref<32000xf32, #tpu.memory_space<vmem>>) offsets(%arg5 : memref<32000xi32, #tpu.memory_space<vmem>>) semaphore(%arg8 : memref<!tpu.dma_semaphore, #tpu.memory_space<semaphore_mem>>)
    %dma_wait3A_82 = arith.constant 0 : i32
    %dma_wait3A_83 = tpu.memref_slice %arg2[%dma_wait3A_82] : memref<2000002xf32, #tpu.memory_space<hbm>> -> memref<2000002xf32, #tpu.memory_space<hbm>>
    tpu.wait_indirect_dma semaphore(%arg8 : memref<!tpu.dma_semaphore, #tpu.memory_space<semaphore_mem>>) src(%dma_wait3A_83 : memref<2000002xf32, #tpu.memory_space<hbm>>) dst(%arg6 : memref<32000xf32, #tpu.memory_space<vmem>>)
    %scan3A_84 = arith.constant 0 : i32
    %scan3A_85 = arith.constant 0 : i32
    %scan3A_86 = arith.constant 250 : i32
    %scan3A_87 = arith.addi %scan3A_85, %scan3A_86 : i32
    %scan3A_88 = arith.constant 1 : i32
    %scan3A_89 = scf.for %scan3A_135 = %scan3A_85 to %scan3A_87 step %scan3A_88 iter_args(%scan3A_136 = %scan3A_84) -> (i32)  : i32 {
      %mul3A_137 = arith.constant 128 : i32
      %mul3A_138 = arith.muli %scan3A_135, %mul3A_137 : i32
      %mul3A_139 = arith.constant 8 : i32
      %mul3A_140 = vector.broadcast %mul3A_139 : i32 to vector<16xi32>
      %mul3A_141 = arith.muli %iota3A, %mul3A_140 : vector<16xi32>
      %add3A_142 = vector.broadcast %mul3A_138 : i32 to vector<16xi32>
      %add3A_143 = arith.addi %add3A_142, %mul3A_141 : vector<16xi32>
      %gather3A = tpu.vector_load_idx %arg6[%add3A_143] : memref<32000xf32, #tpu.memory_space<vmem>>[vector<16xi32>], vector<16xf32>,
      %mul3A_144 = arith.constant 8 : i32
      %mul3A_145 = vector.broadcast %mul3A_144 : i32 to vector<16xi32>
      %mul3A_146 = arith.muli %iota3A, %mul3A_145 : vector<16xi32>
      %add3A_147 = vector.broadcast %mul3A_138 : i32 to vector<16xi32>
      %add3A_148 = arith.addi %add3A_147, %mul3A_146 : vector<16xi32>
      %add3A_149 = arith.constant 1 : i32
      %add3A_150 = vector.broadcast %add3A_149 : i32 to vector<16xi32>
      %add3A_151 = arith.addi %add3A_148, %add3A_150 : vector<16xi32>
      %gather3A_152 = tpu.vector_load_idx %arg6[%add3A_151] : memref<32000xf32, #tpu.memory_space<vmem>>[vector<16xi32>], vector<16xf32>,
      %add3A_153 = arith.addf %gather3A, %gather3A_152 : vector<16xf32>
      %mul3A_154 = arith.constant 8 : i32
      %mul3A_155 = vector.broadcast %mul3A_154 : i32 to vector<16xi32>
      %mul3A_156 = arith.muli %iota3A, %mul3A_155 : vector<16xi32>
      %add3A_157 = vector.broadcast %mul3A_138 : i32 to vector<16xi32>
      %add3A_158 = arith.addi %add3A_157, %mul3A_156 : vector<16xi32>
      %add3A_159 = arith.constant 2 : i32
      %add3A_160 = vector.broadcast %add3A_159 : i32 to vector<16xi32>
      %add3A_161 = arith.addi %add3A_158, %add3A_160 : vector<16xi32>
      %gather3A_162 = tpu.vector_load_idx %arg6[%add3A_161] : memref<32000xf32, #tpu.memory_space<vmem>>[vector<16xi32>], vector<16xf32>,
      %add3A_163 = arith.addf %add3A_153, %gather3A_162 : vector<16xf32>
      %mul3A_164 = arith.constant 8 : i32
      %mul3A_165 = vector.broadcast %mul3A_164 : i32 to vector<16xi32>
      %mul3A_166 = arith.muli %iota3A, %mul3A_165 : vector<16xi32>
      %add3A_167 = vector.broadcast %mul3A_138 : i32 to vector<16xi32>
      %add3A_168 = arith.addi %add3A_167, %mul3A_166 : vector<16xi32>
      %add3A_169 = arith.constant 3 : i32
      %add3A_170 = vector.broadcast %add3A_169 : i32 to vector<16xi32>
      %add3A_171 = arith.addi %add3A_168, %add3A_170 : vector<16xi32>
      %gather3A_172 = tpu.vector_load_idx %arg6[%add3A_171] : memref<32000xf32, #tpu.memory_space<vmem>>[vector<16xi32>], vector<16xf32>,
      %add3A_173 = arith.addf %add3A_163, %gather3A_172 : vector<16xf32>
      %mul3A_174 = arith.constant 8 : i32
      %mul3A_175 = vector.broadcast %mul3A_174 : i32 to vector<16xi32>
      %mul3A_176 = arith.muli %iota3A, %mul3A_175 : vector<16xi32>
      %add3A_177 = vector.broadcast %mul3A_138 : i32 to vector<16xi32>
      %add3A_178 = arith.addi %add3A_177, %mul3A_176 : vector<16xi32>
      %add3A_179 = arith.constant 4 : i32
      %add3A_180 = vector.broadcast %add3A_179 : i32 to vector<16xi32>
      %add3A_181 = arith.addi %add3A_178, %add3A_180 : vector<16xi32>
      %gather3A_182 = tpu.vector_load_idx %arg6[%add3A_181] : memref<32000xf32, #tpu.memory_space<vmem>>[vector<16xi32>], vector<16xf32>,
      %add3A_183 = arith.addf %add3A_173, %gather3A_182 : vector<16xf32>
      %mul3A_184 = arith.constant 8 : i32
      %mul3A_185 = vector.broadcast %mul3A_184 : i32 to vector<16xi32>
      %mul3A_186 = arith.muli %iota3A, %mul3A_185 : vector<16xi32>
      %add3A_187 = vector.broadcast %mul3A_138 : i32 to vector<16xi32>
      %add3A_188 = arith.addi %add3A_187, %mul3A_186 : vector<16xi32>
      %add3A_189 = arith.constant 5 : i32
      %add3A_190 = vector.broadcast %add3A_189 : i32 to vector<16xi32>
      %add3A_191 = arith.addi %add3A_188, %add3A_190 : vector<16xi32>
      %gather3A_192 = tpu.vector_load_idx %arg6[%add3A_191] : memref<32000xf32, #tpu.memory_space<vmem>>[vector<16xi32>], vector<16xf32>,
      %add3A_193 = arith.addf %add3A_183, %gather3A_192 : vector<16xf32>
      %mul3A_194 = arith.constant 8 : i32
      %mul3A_195 = vector.broadcast %mul3A_194 : i32 to vector<16xi32>
      %mul3A_196 = arith.muli %iota3A, %mul3A_195 : vector<16xi32>
      %add3A_197 = vector.broadcast %mul3A_138 : i32 to vector<16xi32>
      %add3A_198 = arith.addi %add3A_197, %mul3A_196 : vector<16xi32>
      %add3A_199 = arith.constant 6 : i32
      %add3A_200 = vector.broadcast %add3A_199 : i32 to vector<16xi32>
      %add3A_201 = arith.addi %add3A_198, %add3A_200 : vector<16xi32>
      %gather3A_202 = tpu.vector_load_idx %arg6[%add3A_201] : memref<32000xf32, #tpu.memory_space<vmem>>[vector<16xi32>], vector<16xf32>,
      %add3A_203 = arith.addf %add3A_193, %gather3A_202 : vector<16xf32>
      %mul3A_204 = arith.constant 8 : i32
      %mul3A_205 = vector.broadcast %mul3A_204 : i32 to vector<16xi32>
      %mul3A_206 = arith.muli %iota3A, %mul3A_205 : vector<16xi32>
      %add3A_207 = vector.broadcast %mul3A_138 : i32 to vector<16xi32>
      %add3A_208 = arith.addi %add3A_207, %mul3A_206 : vector<16xi32>
      %add3A_209 = arith.constant 7 : i32
      %add3A_210 = vector.broadcast %add3A_209 : i32 to vector<16xi32>
      %add3A_211 = arith.addi %add3A_208, %add3A_210 : vector<16xi32>
      %gather3A_212 = tpu.vector_load_idx %arg6[%add3A_211] : memref<32000xf32, #tpu.memory_space<vmem>>[vector<16xi32>], vector<16xf32>,
      %add3A_213 = arith.addf %add3A_203, %gather3A_212 : vector<16xf32>
      %mul3A_214 = arith.constant 16 : i32
      %mul3A_215 = arith.muli %scan3A_135, %mul3A_214 : i32
      %swap3A = arith.index_cast %mul3A_215 : i32 to index
      %swap3A_216 = tpu.vector_load %arg7[%swap3A] {strides = array<i32>} : memref<4000xf32, #tpu.memory_space<vmem>>, vector<16xf32>,
      tpu.vector_store %arg7[%swap3A], %add3A_213 {strides = array<i32>} : memref<4000xf32, #tpu.memory_space<vmem>>, vector<16xf32>,
      %scan3A_217 = arith.constant 0 : i32
      scf.yield %scan3A_217 : i32
    }
    %scan3A_90 = arith.constant 250 : i32
    %mul3A_91 = arith.constant 4000 : i32
    %mul3A_92 = arith.muli %add3A_75, %mul3A_91 : i32
    "tpu.region"() ({
      %run_scoped3A = tpu.sem_alloc : memref<!tpu.dma_semaphore, #tpu.memory_space<semaphore_mem>>
      %dma_start3A_135 = tpu.memref_slice %arg4[%mul3A_92] : memref<1000000xf32, #tpu.memory_space<hbm>> -> memref<4000xf32, #tpu.memory_space<hbm>>
      %dma_start3A_136 = tpu.memref_slice %arg4[%mul3A_92] : memref<1000000xf32, #tpu.memory_space<hbm>> -> memref<4000xf32, #tpu.memory_space<hbm>>
      tpu.enqueue_dma source(%arg7 : memref<4000xf32, #tpu.memory_space<vmem>>) target(%dma_start3A_136 : memref<4000xf32, #tpu.memory_space<hbm>>) target_semaphore(%run_scoped3A : memref<!tpu.dma_semaphore, #tpu.memory_space<semaphore_mem>>)
      %dma_wait3A_137 = tpu.memref_slice %arg4[%mul3A_92] : memref<1000000xf32, #tpu.memory_space<hbm>> -> memref<4000xf32, #tpu.memory_space<hbm>>
      %dma_wait3A_138 = tpu.memref_slice %arg4[%mul3A_92] : memref<1000000xf32, #tpu.memory_space<hbm>> -> memref<4000xf32, #tpu.memory_space<hbm>>
      tpu.wait_dma2 semaphore(%run_scoped3A : memref<!tpu.dma_semaphore, #tpu.memory_space<semaphore_mem>>) src(%arg7 : memref<4000xf32, #tpu.memory_space<vmem>>) dst(%dma_wait3A_138 : memref<4000xf32, #tpu.memory_space<hbm>>)
      tpu.yield
    }) : () -> ()
    %add3A_93 = arith.constant 160 : i32
    %add3A_94 = arith.addi %add3A, %add3A_93 : i32
    %mul3A_95 = arith.constant 4000 : i32
    %mul3A_96 = arith.muli %add3A_94, %mul3A_95 : i32
    %mul3A_97 = arith.constant 8 : i32
    %mul3A_98 = arith.muli %mul3A_96, %mul3A_97 : i32
    "tpu.region"() ({
      %run_scoped3A = tpu.sem_alloc : memref<!tpu.dma_semaphore, #tpu.memory_space<semaphore_mem>>
      %dma_start3A_135 = tpu.memref_slice %arg3[%mul3A_98] : memref<8000000xi32, #tpu.memory_space<hbm>> -> memref<32000xi32, #tpu.memory_space<hbm>>
      %dma_start3A_136 = tpu.memref_slice %arg3[%mul3A_98] : memref<8000000xi32, #tpu.memory_space<hbm>> -> memref<32000xi32, #tpu.memory_space<hbm>>
      tpu.enqueue_dma source(%dma_start3A_136 : memref<32000xi32, #tpu.memory_space<hbm>>) target(%arg5 : memref<32000xi32, #tpu.memory_space<vmem>>) target_semaphore(%run_scoped3A : memref<!tpu.dma_semaphore, #tpu.memory_space<semaphore_mem>>)
      %dma_wait3A_137 = tpu.memref_slice %arg3[%mul3A_98] : memref<8000000xi32, #tpu.memory_space<hbm>> -> memref<32000xi32, #tpu.memory_space<hbm>>
      %dma_wait3A_138 = tpu.memref_slice %arg3[%mul3A_98] : memref<8000000xi32, #tpu.memory_space<hbm>> -> memref<32000xi32, #tpu.memory_space<hbm>>
      tpu.wait_dma2 semaphore(%run_scoped3A : memref<!tpu.dma_semaphore, #tpu.memory_space<semaphore_mem>>) src(%dma_wait3A_138 : memref<32000xi32, #tpu.memory_space<hbm>>) dst(%arg5 : memref<32000xi32, #tpu.memory_space<vmem>>)
      tpu.yield
    }) : () -> ()
    %dma_start3A_99 = arith.constant 0 : i32
    %dma_start3A_100 = tpu.memref_slice %arg2[%dma_start3A_99] : memref<2000002xf32, #tpu.memory_space<hbm>> -> memref<2000002xf32, #tpu.memory_space<hbm>>
    tpu.enqueue_indirect_dma source(%dma_start3A_100 : memref<2000002xf32, #tpu.memory_space<hbm>>) target(%arg6 : memref<32000xf32, #tpu.memory_space<vmem>>) offsets(%arg5 : memref<32000xi32, #tpu.memory_space<vmem>>) semaphore(%arg8 : memref<!tpu.dma_semaphore, #tpu.memory_space<semaphore_mem>>)
    %dma_wait3A_101 = arith.constant 0 : i32
    %dma_wait3A_102 = tpu.memref_slice %arg2[%dma_wait3A_101] : memref<2000002xf32, #tpu.memory_space<hbm>> -> memref<2000002xf32, #tpu.memory_space<hbm>>
    tpu.wait_indirect_dma semaphore(%arg8 : memref<!tpu.dma_semaphore, #tpu.memory_space<semaphore_mem>>) src(%dma_wait3A_102 : memref<2000002xf32, #tpu.memory_space<hbm>>) dst(%arg6 : memref<32000xf32, #tpu.memory_space<vmem>>)
    %scan3A_103 = arith.constant 0 : i32
    %scan3A_104 = arith.constant 0 : i32
    %scan3A_105 = arith.constant 250 : i32
    %scan3A_106 = arith.addi %scan3A_104, %scan3A_105 : i32
    %scan3A_107 = arith.constant 1 : i32
    %scan3A_108 = scf.for %scan3A_135 = %scan3A_104 to %scan3A_106 step %scan3A_107 iter_args(%scan3A_136 = %scan3A_103) -> (i32)  : i32 {
      %mul3A_137 = arith.constant 128 : i32
      %mul3A_138 = arith.muli %scan3A_135, %mul3A_137 : i32
      %mul3A_139 = arith.constant 8 : i32
      %mul3A_140 = vector.broadcast %mul3A_139 : i32 to vector<16xi32>
      %mul3A_141 = arith.muli %iota3A, %mul3A_140 : vector<16xi32>
      %add3A_142 = vector.broadcast %mul3A_138 : i32 to vector<16xi32>
      %add3A_143 = arith.addi %add3A_142, %mul3A_141 : vector<16xi32>
      %gather3A = tpu.vector_load_idx %arg6[%add3A_143] : memref<32000xf32, #tpu.memory_space<vmem>>[vector<16xi32>], vector<16xf32>,
      %mul3A_144 = arith.constant 8 : i32
      %mul3A_145 = vector.broadcast %mul3A_144 : i32 to vector<16xi32>
      %mul3A_146 = arith.muli %iota3A, %mul3A_145 : vector<16xi32>
      %add3A_147 = vector.broadcast %mul3A_138 : i32 to vector<16xi32>
      %add3A_148 = arith.addi %add3A_147, %mul3A_146 : vector<16xi32>
      %add3A_149 = arith.constant 1 : i32
      %add3A_150 = vector.broadcast %add3A_149 : i32 to vector<16xi32>
      %add3A_151 = arith.addi %add3A_148, %add3A_150 : vector<16xi32>
      %gather3A_152 = tpu.vector_load_idx %arg6[%add3A_151] : memref<32000xf32, #tpu.memory_space<vmem>>[vector<16xi32>], vector<16xf32>,
      %add3A_153 = arith.addf %gather3A, %gather3A_152 : vector<16xf32>
      %mul3A_154 = arith.constant 8 : i32
      %mul3A_155 = vector.broadcast %mul3A_154 : i32 to vector<16xi32>
      %mul3A_156 = arith.muli %iota3A, %mul3A_155 : vector<16xi32>
      %add3A_157 = vector.broadcast %mul3A_138 : i32 to vector<16xi32>
      %add3A_158 = arith.addi %add3A_157, %mul3A_156 : vector<16xi32>
      %add3A_159 = arith.constant 2 : i32
      %add3A_160 = vector.broadcast %add3A_159 : i32 to vector<16xi32>
      %add3A_161 = arith.addi %add3A_158, %add3A_160 : vector<16xi32>
      %gather3A_162 = tpu.vector_load_idx %arg6[%add3A_161] : memref<32000xf32, #tpu.memory_space<vmem>>[vector<16xi32>], vector<16xf32>,
      %add3A_163 = arith.addf %add3A_153, %gather3A_162 : vector<16xf32>
      %mul3A_164 = arith.constant 8 : i32
      %mul3A_165 = vector.broadcast %mul3A_164 : i32 to vector<16xi32>
      %mul3A_166 = arith.muli %iota3A, %mul3A_165 : vector<16xi32>
      %add3A_167 = vector.broadcast %mul3A_138 : i32 to vector<16xi32>
      %add3A_168 = arith.addi %add3A_167, %mul3A_166 : vector<16xi32>
      %add3A_169 = arith.constant 3 : i32
      %add3A_170 = vector.broadcast %add3A_169 : i32 to vector<16xi32>
      %add3A_171 = arith.addi %add3A_168, %add3A_170 : vector<16xi32>
      %gather3A_172 = tpu.vector_load_idx %arg6[%add3A_171] : memref<32000xf32, #tpu.memory_space<vmem>>[vector<16xi32>], vector<16xf32>,
      %add3A_173 = arith.addf %add3A_163, %gather3A_172 : vector<16xf32>
      %mul3A_174 = arith.constant 8 : i32
      %mul3A_175 = vector.broadcast %mul3A_174 : i32 to vector<16xi32>
      %mul3A_176 = arith.muli %iota3A, %mul3A_175 : vector<16xi32>
      %add3A_177 = vector.broadcast %mul3A_138 : i32 to vector<16xi32>
      %add3A_178 = arith.addi %add3A_177, %mul3A_176 : vector<16xi32>
      %add3A_179 = arith.constant 4 : i32
      %add3A_180 = vector.broadcast %add3A_179 : i32 to vector<16xi32>
      %add3A_181 = arith.addi %add3A_178, %add3A_180 : vector<16xi32>
      %gather3A_182 = tpu.vector_load_idx %arg6[%add3A_181] : memref<32000xf32, #tpu.memory_space<vmem>>[vector<16xi32>], vector<16xf32>,
      %add3A_183 = arith.addf %add3A_173, %gather3A_182 : vector<16xf32>
      %mul3A_184 = arith.constant 8 : i32
      %mul3A_185 = vector.broadcast %mul3A_184 : i32 to vector<16xi32>
      %mul3A_186 = arith.muli %iota3A, %mul3A_185 : vector<16xi32>
      %add3A_187 = vector.broadcast %mul3A_138 : i32 to vector<16xi32>
      %add3A_188 = arith.addi %add3A_187, %mul3A_186 : vector<16xi32>
      %add3A_189 = arith.constant 5 : i32
      %add3A_190 = vector.broadcast %add3A_189 : i32 to vector<16xi32>
      %add3A_191 = arith.addi %add3A_188, %add3A_190 : vector<16xi32>
      %gather3A_192 = tpu.vector_load_idx %arg6[%add3A_191] : memref<32000xf32, #tpu.memory_space<vmem>>[vector<16xi32>], vector<16xf32>,
      %add3A_193 = arith.addf %add3A_183, %gather3A_192 : vector<16xf32>
      %mul3A_194 = arith.constant 8 : i32
      %mul3A_195 = vector.broadcast %mul3A_194 : i32 to vector<16xi32>
      %mul3A_196 = arith.muli %iota3A, %mul3A_195 : vector<16xi32>
      %add3A_197 = vector.broadcast %mul3A_138 : i32 to vector<16xi32>
      %add3A_198 = arith.addi %add3A_197, %mul3A_196 : vector<16xi32>
      %add3A_199 = arith.constant 6 : i32
      %add3A_200 = vector.broadcast %add3A_199 : i32 to vector<16xi32>
      %add3A_201 = arith.addi %add3A_198, %add3A_200 : vector<16xi32>
      %gather3A_202 = tpu.vector_load_idx %arg6[%add3A_201] : memref<32000xf32, #tpu.memory_space<vmem>>[vector<16xi32>], vector<16xf32>,
      %add3A_203 = arith.addf %add3A_193, %gather3A_202 : vector<16xf32>
      %mul3A_204 = arith.constant 8 : i32
      %mul3A_205 = vector.broadcast %mul3A_204 : i32 to vector<16xi32>
      %mul3A_206 = arith.muli %iota3A, %mul3A_205 : vector<16xi32>
      %add3A_207 = vector.broadcast %mul3A_138 : i32 to vector<16xi32>
      %add3A_208 = arith.addi %add3A_207, %mul3A_206 : vector<16xi32>
      %add3A_209 = arith.constant 7 : i32
      %add3A_210 = vector.broadcast %add3A_209 : i32 to vector<16xi32>
      %add3A_211 = arith.addi %add3A_208, %add3A_210 : vector<16xi32>
      %gather3A_212 = tpu.vector_load_idx %arg6[%add3A_211] : memref<32000xf32, #tpu.memory_space<vmem>>[vector<16xi32>], vector<16xf32>,
      %add3A_213 = arith.addf %add3A_203, %gather3A_212 : vector<16xf32>
      %mul3A_214 = arith.constant 16 : i32
      %mul3A_215 = arith.muli %scan3A_135, %mul3A_214 : i32
      %swap3A = arith.index_cast %mul3A_215 : i32 to index
      %swap3A_216 = tpu.vector_load %arg7[%swap3A] {strides = array<i32>} : memref<4000xf32, #tpu.memory_space<vmem>>, vector<16xf32>,
      tpu.vector_store %arg7[%swap3A], %add3A_213 {strides = array<i32>} : memref<4000xf32, #tpu.memory_space<vmem>>, vector<16xf32>,
      %scan3A_217 = arith.constant 0 : i32
      scf.yield %scan3A_217 : i32
    }
    %scan3A_109 = arith.constant 250 : i32
    %mul3A_110 = arith.constant 4000 : i32
    %mul3A_111 = arith.muli %add3A_94, %mul3A_110 : i32
    "tpu.region"() ({
      %run_scoped3A = tpu.sem_alloc : memref<!tpu.dma_semaphore, #tpu.memory_space<semaphore_mem>>
      %dma_start3A_135 = tpu.memref_slice %arg4[%mul3A_111] : memref<1000000xf32, #tpu.memory_space<hbm>> -> memref<4000xf32, #tpu.memory_space<hbm>>
      %dma_start3A_136 = tpu.memref_slice %arg4[%mul3A_111] : memref<1000000xf32, #tpu.memory_space<hbm>> -> memref<4000xf32, #tpu.memory_space<hbm>>
      tpu.enqueue_dma source(%arg7 : memref<4000xf32, #tpu.memory_space<vmem>>) target(%dma_start3A_136 : memref<4000xf32, #tpu.memory_space<hbm>>) target_semaphore(%run_scoped3A : memref<!tpu.dma_semaphore, #tpu.memory_space<semaphore_mem>>)
      %dma_wait3A_137 = tpu.memref_slice %arg4[%mul3A_111] : memref<1000000xf32, #tpu.memory_space<hbm>> -> memref<4000xf32, #tpu.memory_space<hbm>>
      %dma_wait3A_138 = tpu.memref_slice %arg4[%mul3A_111] : memref<1000000xf32, #tpu.memory_space<hbm>> -> memref<4000xf32, #tpu.memory_space<hbm>>
      tpu.wait_dma2 semaphore(%run_scoped3A : memref<!tpu.dma_semaphore, #tpu.memory_space<semaphore_mem>>) src(%arg7 : memref<4000xf32, #tpu.memory_space<vmem>>) dst(%dma_wait3A_138 : memref<4000xf32, #tpu.memory_space<hbm>>)
      tpu.yield
    }) : () -> ()
    %add3A_112 = arith.constant 192 : i32
    %add3A_113 = arith.addi %add3A, %add3A_112 : i32
    %mul3A_114 = arith.constant 4000 : i32
    %mul3A_115 = arith.muli %add3A_113, %mul3A_114 : i32
    %mul3A_116 = arith.constant 8 : i32
    %mul3A_117 = arith.muli %mul3A_115, %mul3A_116 : i32
    "tpu.region"() ({
      %run_scoped3A = tpu.sem_alloc : memref<!tpu.dma_semaphore, #tpu.memory_space<semaphore_mem>>
      %dma_start3A_135 = tpu.memref_slice %arg3[%mul3A_117] : memref<8000000xi32, #tpu.memory_space<hbm>> -> memref<32000xi32, #tpu.memory_space<hbm>>
      %dma_start3A_136 = tpu.memref_slice %arg3[%mul3A_117] : memref<8000000xi32, #tpu.memory_space<hbm>> -> memref<32000xi32, #tpu.memory_space<hbm>>
      tpu.enqueue_dma source(%dma_start3A_136 : memref<32000xi32, #tpu.memory_space<hbm>>) target(%arg5 : memref<32000xi32, #tpu.memory_space<vmem>>) target_semaphore(%run_scoped3A : memref<!tpu.dma_semaphore, #tpu.memory_space<semaphore_mem>>)
      %dma_wait3A_137 = tpu.memref_slice %arg3[%mul3A_117] : memref<8000000xi32, #tpu.memory_space<hbm>> -> memref<32000xi32, #tpu.memory_space<hbm>>
      %dma_wait3A_138 = tpu.memref_slice %arg3[%mul3A_117] : memref<8000000xi32, #tpu.memory_space<hbm>> -> memref<32000xi32, #tpu.memory_space<hbm>>
      tpu.wait_dma2 semaphore(%run_scoped3A : memref<!tpu.dma_semaphore, #tpu.memory_space<semaphore_mem>>) src(%dma_wait3A_138 : memref<32000xi32, #tpu.memory_space<hbm>>) dst(%arg5 : memref<32000xi32, #tpu.memory_space<vmem>>)
      tpu.yield
    }) : () -> ()
    %dma_start3A_118 = arith.constant 0 : i32
    %dma_start3A_119 = tpu.memref_slice %arg2[%dma_start3A_118] : memref<2000002xf32, #tpu.memory_space<hbm>> -> memref<2000002xf32, #tpu.memory_space<hbm>>
    tpu.enqueue_indirect_dma source(%dma_start3A_119 : memref<2000002xf32, #tpu.memory_space<hbm>>) target(%arg6 : memref<32000xf32, #tpu.memory_space<vmem>>) offsets(%arg5 : memref<32000xi32, #tpu.memory_space<vmem>>) semaphore(%arg8 : memref<!tpu.dma_semaphore, #tpu.memory_space<semaphore_mem>>)
    %dma_wait3A_120 = arith.constant 0 : i32
    %dma_wait3A_121 = tpu.memref_slice %arg2[%dma_wait3A_120] : memref<2000002xf32, #tpu.memory_space<hbm>> -> memref<2000002xf32, #tpu.memory_space<hbm>>
    tpu.wait_indirect_dma semaphore(%arg8 : memref<!tpu.dma_semaphore, #tpu.memory_space<semaphore_mem>>) src(%dma_wait3A_121 : memref<2000002xf32, #tpu.memory_space<hbm>>) dst(%arg6 : memref<32000xf32, #tpu.memory_space<vmem>>)
    %scan3A_122 = arith.constant 0 : i32
    %scan3A_123 = arith.constant 0 : i32
    %scan3A_124 = arith.constant 250 : i32
    %scan3A_125 = arith.addi %scan3A_123, %scan3A_124 : i32
    %scan3A_126 = arith.constant 1 : i32
    %scan3A_127 = scf.for %scan3A_135 = %scan3A_123 to %scan3A_125 step %scan3A_126 iter_args(%scan3A_136 = %scan3A_122) -> (i32)  : i32 {
      %mul3A_137 = arith.constant 128 : i32
      %mul3A_138 = arith.muli %scan3A_135, %mul3A_137 : i32
      %mul3A_139 = arith.constant 8 : i32
      %mul3A_140 = vector.broadcast %mul3A_139 : i32 to vector<16xi32>
      %mul3A_141 = arith.muli %iota3A, %mul3A_140 : vector<16xi32>
      %add3A_142 = vector.broadcast %mul3A_138 : i32 to vector<16xi32>
      %add3A_143 = arith.addi %add3A_142, %mul3A_141 : vector<16xi32>
      %gather3A = tpu.vector_load_idx %arg6[%add3A_143] : memref<32000xf32, #tpu.memory_space<vmem>>[vector<16xi32>], vector<16xf32>,
      %mul3A_144 = arith.constant 8 : i32
      %mul3A_145 = vector.broadcast %mul3A_144 : i32 to vector<16xi32>
      %mul3A_146 = arith.muli %iota3A, %mul3A_145 : vector<16xi32>
      %add3A_147 = vector.broadcast %mul3A_138 : i32 to vector<16xi32>
      %add3A_148 = arith.addi %add3A_147, %mul3A_146 : vector<16xi32>
      %add3A_149 = arith.constant 1 : i32
      %add3A_150 = vector.broadcast %add3A_149 : i32 to vector<16xi32>
      %add3A_151 = arith.addi %add3A_148, %add3A_150 : vector<16xi32>
      %gather3A_152 = tpu.vector_load_idx %arg6[%add3A_151] : memref<32000xf32, #tpu.memory_space<vmem>>[vector<16xi32>], vector<16xf32>,
      %add3A_153 = arith.addf %gather3A, %gather3A_152 : vector<16xf32>
      %mul3A_154 = arith.constant 8 : i32
      %mul3A_155 = vector.broadcast %mul3A_154 : i32 to vector<16xi32>
      %mul3A_156 = arith.muli %iota3A, %mul3A_155 : vector<16xi32>
      %add3A_157 = vector.broadcast %mul3A_138 : i32 to vector<16xi32>
      %add3A_158 = arith.addi %add3A_157, %mul3A_156 : vector<16xi32>
      %add3A_159 = arith.constant 2 : i32
      %add3A_160 = vector.broadcast %add3A_159 : i32 to vector<16xi32>
      %add3A_161 = arith.addi %add3A_158, %add3A_160 : vector<16xi32>
      %gather3A_162 = tpu.vector_load_idx %arg6[%add3A_161] : memref<32000xf32, #tpu.memory_space<vmem>>[vector<16xi32>], vector<16xf32>,
      %add3A_163 = arith.addf %add3A_153, %gather3A_162 : vector<16xf32>
      %mul3A_164 = arith.constant 8 : i32
      %mul3A_165 = vector.broadcast %mul3A_164 : i32 to vector<16xi32>
      %mul3A_166 = arith.muli %iota3A, %mul3A_165 : vector<16xi32>
      %add3A_167 = vector.broadcast %mul3A_138 : i32 to vector<16xi32>
      %add3A_168 = arith.addi %add3A_167, %mul3A_166 : vector<16xi32>
      %add3A_169 = arith.constant 3 : i32
      %add3A_170 = vector.broadcast %add3A_169 : i32 to vector<16xi32>
      %add3A_171 = arith.addi %add3A_168, %add3A_170 : vector<16xi32>
      %gather3A_172 = tpu.vector_load_idx %arg6[%add3A_171] : memref<32000xf32, #tpu.memory_space<vmem>>[vector<16xi32>], vector<16xf32>,
      %add3A_173 = arith.addf %add3A_163, %gather3A_172 : vector<16xf32>
      %mul3A_174 = arith.constant 8 : i32
      %mul3A_175 = vector.broadcast %mul3A_174 : i32 to vector<16xi32>
      %mul3A_176 = arith.muli %iota3A, %mul3A_175 : vector<16xi32>
      %add3A_177 = vector.broadcast %mul3A_138 : i32 to vector<16xi32>
      %add3A_178 = arith.addi %add3A_177, %mul3A_176 : vector<16xi32>
      %add3A_179 = arith.constant 4 : i32
      %add3A_180 = vector.broadcast %add3A_179 : i32 to vector<16xi32>
      %add3A_181 = arith.addi %add3A_178, %add3A_180 : vector<16xi32>
      %gather3A_182 = tpu.vector_load_idx %arg6[%add3A_181] : memref<32000xf32, #tpu.memory_space<vmem>>[vector<16xi32>], vector<16xf32>,
      %add3A_183 = arith.addf %add3A_173, %gather3A_182 : vector<16xf32>
      %mul3A_184 = arith.constant 8 : i32
      %mul3A_185 = vector.broadcast %mul3A_184 : i32 to vector<16xi32>
      %mul3A_186 = arith.muli %iota3A, %mul3A_185 : vector<16xi32>
      %add3A_187 = vector.broadcast %mul3A_138 : i32 to vector<16xi32>
      %add3A_188 = arith.addi %add3A_187, %mul3A_186 : vector<16xi32>
      %add3A_189 = arith.constant 5 : i32
      %add3A_190 = vector.broadcast %add3A_189 : i32 to vector<16xi32>
      %add3A_191 = arith.addi %add3A_188, %add3A_190 : vector<16xi32>
      %gather3A_192 = tpu.vector_load_idx %arg6[%add3A_191] : memref<32000xf32, #tpu.memory_space<vmem>>[vector<16xi32>], vector<16xf32>,
      %add3A_193 = arith.addf %add3A_183, %gather3A_192 : vector<16xf32>
      %mul3A_194 = arith.constant 8 : i32
      %mul3A_195 = vector.broadcast %mul3A_194 : i32 to vector<16xi32>
      %mul3A_196 = arith.muli %iota3A, %mul3A_195 : vector<16xi32>
      %add3A_197 = vector.broadcast %mul3A_138 : i32 to vector<16xi32>
      %add3A_198 = arith.addi %add3A_197, %mul3A_196 : vector<16xi32>
      %add3A_199 = arith.constant 6 : i32
      %add3A_200 = vector.broadcast %add3A_199 : i32 to vector<16xi32>
      %add3A_201 = arith.addi %add3A_198, %add3A_200 : vector<16xi32>
      %gather3A_202 = tpu.vector_load_idx %arg6[%add3A_201] : memref<32000xf32, #tpu.memory_space<vmem>>[vector<16xi32>], vector<16xf32>,
      %add3A_203 = arith.addf %add3A_193, %gather3A_202 : vector<16xf32>
      %mul3A_204 = arith.constant 8 : i32
      %mul3A_205 = vector.broadcast %mul3A_204 : i32 to vector<16xi32>
      %mul3A_206 = arith.muli %iota3A, %mul3A_205 : vector<16xi32>
      %add3A_207 = vector.broadcast %mul3A_138 : i32 to vector<16xi32>
      %add3A_208 = arith.addi %add3A_207, %mul3A_206 : vector<16xi32>
      %add3A_209 = arith.constant 7 : i32
      %add3A_210 = vector.broadcast %add3A_209 : i32 to vector<16xi32>
      %add3A_211 = arith.addi %add3A_208, %add3A_210 : vector<16xi32>
      %gather3A_212 = tpu.vector_load_idx %arg6[%add3A_211] : memref<32000xf32, #tpu.memory_space<vmem>>[vector<16xi32>], vector<16xf32>,
      %add3A_213 = arith.addf %add3A_203, %gather3A_212 : vector<16xf32>
      %mul3A_214 = arith.constant 16 : i32
      %mul3A_215 = arith.muli %scan3A_135, %mul3A_214 : i32
      %swap3A = arith.index_cast %mul3A_215 : i32 to index
      %swap3A_216 = tpu.vector_load %arg7[%swap3A] {strides = array<i32>} : memref<4000xf32, #tpu.memory_space<vmem>>, vector<16xf32>,
      tpu.vector_store %arg7[%swap3A], %add3A_213 {strides = array<i32>} : memref<4000xf32, #tpu.memory_space<vmem>>, vector<16xf32>,
      %scan3A_217 = arith.constant 0 : i32
      scf.yield %scan3A_217 : i32
    }
    %scan3A_128 = arith.constant 250 : i32
    %mul3A_129 = arith.constant 4000 : i32
    %mul3A_130 = arith.muli %add3A_113, %mul3A_129 : i32
    "tpu.region"() ({
      %run_scoped3A = tpu.sem_alloc : memref<!tpu.dma_semaphore, #tpu.memory_space<semaphore_mem>>
      %dma_start3A_135 = tpu.memref_slice %arg4[%mul3A_130] : memref<1000000xf32, #tpu.memory_space<hbm>> -> memref<4000xf32, #tpu.memory_space<hbm>>
      %dma_start3A_136 = tpu.memref_slice %arg4[%mul3A_130] : memref<1000000xf32, #tpu.memory_space<hbm>> -> memref<4000xf32, #tpu.memory_space<hbm>>
      tpu.enqueue_dma source(%arg7 : memref<4000xf32, #tpu.memory_space<vmem>>) target(%dma_start3A_136 : memref<4000xf32, #tpu.memory_space<hbm>>) target_semaphore(%run_scoped3A : memref<!tpu.dma_semaphore, #tpu.memory_space<semaphore_mem>>)
      %dma_wait3A_137 = tpu.memref_slice %arg4[%mul3A_130] : memref<1000000xf32, #tpu.memory_space<hbm>> -> memref<4000xf32, #tpu.memory_space<hbm>>
      %dma_wait3A_138 = tpu.memref_slice %arg4[%mul3A_130] : memref<1000000xf32, #tpu.memory_space<hbm>> -> memref<4000xf32, #tpu.memory_space<hbm>>
      tpu.wait_dma2 semaphore(%run_scoped3A : memref<!tpu.dma_semaphore, #tpu.memory_space<semaphore_mem>>) src(%arg7 : memref<4000xf32, #tpu.memory_space<vmem>>) dst(%dma_wait3A_138 : memref<4000xf32, #tpu.memory_space<hbm>>)
      tpu.yield
    }) : () -> ()
    %add3A_131 = arith.constant 224 : i32
    %add3A_132 = arith.addi %add3A, %add3A_131 : i32
    %lt3A = arith.constant 250 : i32
    %lt3A_133 = arith.cmpi slt, %add3A_132, %lt3A : i32
    %convert_element_type3A = arith.extui %lt3A_133 : i1 to i32
    %cond3A = arith.constant 0 : i32
    %cond3A_134 = arith.cmpi ne, %convert_element_type3A, %cond3A : i32
    scf.if %cond3A_134 {
      %mul3A_135 = arith.constant 4000 : i32
      %mul3A_136 = arith.muli %add3A_132, %mul3A_135 : i32
      %mul3A_137 = arith.constant 8 : i32
      %mul3A_138 = arith.muli %mul3A_136, %mul3A_137 : i32
      "tpu.region"() ({
        %run_scoped3A = tpu.sem_alloc : memref<!tpu.dma_semaphore, #tpu.memory_space<semaphore_mem>>
        %dma_start3A_152 = tpu.memref_slice %arg3[%mul3A_138] : memref<8000000xi32, #tpu.memory_space<hbm>> -> memref<32000xi32, #tpu.memory_space<hbm>>
        %dma_start3A_153 = tpu.memref_slice %arg3[%mul3A_138] : memref<8000000xi32, #tpu.memory_space<hbm>> -> memref<32000xi32, #tpu.memory_space<hbm>>
        tpu.enqueue_dma source(%dma_start3A_153 : memref<32000xi32, #tpu.memory_space<hbm>>) target(%arg5 : memref<32000xi32, #tpu.memory_space<vmem>>) target_semaphore(%run_scoped3A : memref<!tpu.dma_semaphore, #tpu.memory_space<semaphore_mem>>)
        %dma_wait3A_154 = tpu.memref_slice %arg3[%mul3A_138] : memref<8000000xi32, #tpu.memory_space<hbm>> -> memref<32000xi32, #tpu.memory_space<hbm>>
        %dma_wait3A_155 = tpu.memref_slice %arg3[%mul3A_138] : memref<8000000xi32, #tpu.memory_space<hbm>> -> memref<32000xi32, #tpu.memory_space<hbm>>
        tpu.wait_dma2 semaphore(%run_scoped3A : memref<!tpu.dma_semaphore, #tpu.memory_space<semaphore_mem>>) src(%dma_wait3A_155 : memref<32000xi32, #tpu.memory_space<hbm>>) dst(%arg5 : memref<32000xi32, #tpu.memory_space<vmem>>)
        tpu.yield
      }) : () -> ()
      %dma_start3A_139 = arith.constant 0 : i32
      %dma_start3A_140 = tpu.memref_slice %arg2[%dma_start3A_139] : memref<2000002xf32, #tpu.memory_space<hbm>> -> memref<2000002xf32, #tpu.memory_space<hbm>>
      tpu.enqueue_indirect_dma source(%dma_start3A_140 : memref<2000002xf32, #tpu.memory_space<hbm>>) target(%arg6 : memref<32000xf32, #tpu.memory_space<vmem>>) offsets(%arg5 : memref<32000xi32, #tpu.memory_space<vmem>>) semaphore(%arg8 : memref<!tpu.dma_semaphore, #tpu.memory_space<semaphore_mem>>)
      %dma_wait3A_141 = arith.constant 0 : i32
      %dma_wait3A_142 = tpu.memref_slice %arg2[%dma_wait3A_141] : memref<2000002xf32, #tpu.memory_space<hbm>> -> memref<2000002xf32, #tpu.memory_space<hbm>>
      tpu.wait_indirect_dma semaphore(%arg8 : memref<!tpu.dma_semaphore, #tpu.memory_space<semaphore_mem>>) src(%dma_wait3A_142 : memref<2000002xf32, #tpu.memory_space<hbm>>) dst(%arg6 : memref<32000xf32, #tpu.memory_space<vmem>>)
      %scan3A_143 = arith.constant 0 : i32
      %scan3A_144 = arith.constant 0 : i32
      %scan3A_145 = arith.constant 250 : i32
      %scan3A_146 = arith.addi %scan3A_144, %scan3A_145 : i32
      %scan3A_147 = arith.constant 1 : i32
      %scan3A_148 = scf.for %scan3A_152 = %scan3A_144 to %scan3A_146 step %scan3A_147 iter_args(%scan3A_153 = %scan3A_143) -> (i32)  : i32 {
        %mul3A_154 = arith.constant 128 : i32
        %mul3A_155 = arith.muli %scan3A_152, %mul3A_154 : i32
        %mul3A_156 = arith.constant 8 : i32
        %mul3A_157 = vector.broadcast %mul3A_156 : i32 to vector<16xi32>
        %mul3A_158 = arith.muli %iota3A, %mul3A_157 : vector<16xi32>
        %add3A_159 = vector.broadcast %mul3A_155 : i32 to vector<16xi32>
        %add3A_160 = arith.addi %add3A_159, %mul3A_158 : vector<16xi32>
        %gather3A = tpu.vector_load_idx %arg6[%add3A_160] : memref<32000xf32, #tpu.memory_space<vmem>>[vector<16xi32>], vector<16xf32>,
        %mul3A_161 = arith.constant 8 : i32
        %mul3A_162 = vector.broadcast %mul3A_161 : i32 to vector<16xi32>
        %mul3A_163 = arith.muli %iota3A, %mul3A_162 : vector<16xi32>
        %add3A_164 = vector.broadcast %mul3A_155 : i32 to vector<16xi32>
        %add3A_165 = arith.addi %add3A_164, %mul3A_163 : vector<16xi32>
        %add3A_166 = arith.constant 1 : i32
        %add3A_167 = vector.broadcast %add3A_166 : i32 to vector<16xi32>
        %add3A_168 = arith.addi %add3A_165, %add3A_167 : vector<16xi32>
        %gather3A_169 = tpu.vector_load_idx %arg6[%add3A_168] : memref<32000xf32, #tpu.memory_space<vmem>>[vector<16xi32>], vector<16xf32>,
        %add3A_170 = arith.addf %gather3A, %gather3A_169 : vector<16xf32>
        %mul3A_171 = arith.constant 8 : i32
        %mul3A_172 = vector.broadcast %mul3A_171 : i32 to vector<16xi32>
        %mul3A_173 = arith.muli %iota3A, %mul3A_172 : vector<16xi32>
        %add3A_174 = vector.broadcast %mul3A_155 : i32 to vector<16xi32>
        %add3A_175 = arith.addi %add3A_174, %mul3A_173 : vector<16xi32>
        %add3A_176 = arith.constant 2 : i32
        %add3A_177 = vector.broadcast %add3A_176 : i32 to vector<16xi32>
        %add3A_178 = arith.addi %add3A_175, %add3A_177 : vector<16xi32>
        %gather3A_179 = tpu.vector_load_idx %arg6[%add3A_178] : memref<32000xf32, #tpu.memory_space<vmem>>[vector<16xi32>], vector<16xf32>,
        %add3A_180 = arith.addf %add3A_170, %gather3A_179 : vector<16xf32>
        %mul3A_181 = arith.constant 8 : i32
        %mul3A_182 = vector.broadcast %mul3A_181 : i32 to vector<16xi32>
        %mul3A_183 = arith.muli %iota3A, %mul3A_182 : vector<16xi32>
        %add3A_184 = vector.broadcast %mul3A_155 : i32 to vector<16xi32>
        %add3A_185 = arith.addi %add3A_184, %mul3A_183 : vector<16xi32>
        %add3A_186 = arith.constant 3 : i32
        %add3A_187 = vector.broadcast %add3A_186 : i32 to vector<16xi32>
        %add3A_188 = arith.addi %add3A_185, %add3A_187 : vector<16xi32>
        %gather3A_189 = tpu.vector_load_idx %arg6[%add3A_188] : memref<32000xf32, #tpu.memory_space<vmem>>[vector<16xi32>], vector<16xf32>,
        %add3A_190 = arith.addf %add3A_180, %gather3A_189 : vector<16xf32>
        %mul3A_191 = arith.constant 8 : i32
        %mul3A_192 = vector.broadcast %mul3A_191 : i32 to vector<16xi32>
        %mul3A_193 = arith.muli %iota3A, %mul3A_192 : vector<16xi32>
        %add3A_194 = vector.broadcast %mul3A_155 : i32 to vector<16xi32>
        %add3A_195 = arith.addi %add3A_194, %mul3A_193 : vector<16xi32>
        %add3A_196 = arith.constant 4 : i32
        %add3A_197 = vector.broadcast %add3A_196 : i32 to vector<16xi32>
        %add3A_198 = arith.addi %add3A_195, %add3A_197 : vector<16xi32>
        %gather3A_199 = tpu.vector_load_idx %arg6[%add3A_198] : memref<32000xf32, #tpu.memory_space<vmem>>[vector<16xi32>], vector<16xf32>,
        %add3A_200 = arith.addf %add3A_190, %gather3A_199 : vector<16xf32>
        %mul3A_201 = arith.constant 8 : i32
        %mul3A_202 = vector.broadcast %mul3A_201 : i32 to vector<16xi32>
        %mul3A_203 = arith.muli %iota3A, %mul3A_202 : vector<16xi32>
        %add3A_204 = vector.broadcast %mul3A_155 : i32 to vector<16xi32>
        %add3A_205 = arith.addi %add3A_204, %mul3A_203 : vector<16xi32>
        %add3A_206 = arith.constant 5 : i32
        %add3A_207 = vector.broadcast %add3A_206 : i32 to vector<16xi32>
        %add3A_208 = arith.addi %add3A_205, %add3A_207 : vector<16xi32>
        %gather3A_209 = tpu.vector_load_idx %arg6[%add3A_208] : memref<32000xf32, #tpu.memory_space<vmem>>[vector<16xi32>], vector<16xf32>,
        %add3A_210 = arith.addf %add3A_200, %gather3A_209 : vector<16xf32>
        %mul3A_211 = arith.constant 8 : i32
        %mul3A_212 = vector.broadcast %mul3A_211 : i32 to vector<16xi32>
        %mul3A_213 = arith.muli %iota3A, %mul3A_212 : vector<16xi32>
        %add3A_214 = vector.broadcast %mul3A_155 : i32 to vector<16xi32>
        %add3A_215 = arith.addi %add3A_214, %mul3A_213 : vector<16xi32>
        %add3A_216 = arith.constant 6 : i32
        %add3A_217 = vector.broadcast %add3A_216 : i32 to vector<16xi32>
        %add3A_218 = arith.addi %add3A_215, %add3A_217 : vector<16xi32>
        %gather3A_219 = tpu.vector_load_idx %arg6[%add3A_218] : memref<32000xf32, #tpu.memory_space<vmem>>[vector<16xi32>], vector<16xf32>,
        %add3A_220 = arith.addf %add3A_210, %gather3A_219 : vector<16xf32>
        %mul3A_221 = arith.constant 8 : i32
        %mul3A_222 = vector.broadcast %mul3A_221 : i32 to vector<16xi32>
        %mul3A_223 = arith.muli %iota3A, %mul3A_222 : vector<16xi32>
        %add3A_224 = vector.broadcast %mul3A_155 : i32 to vector<16xi32>
        %add3A_225 = arith.addi %add3A_224, %mul3A_223 : vector<16xi32>
        %add3A_226 = arith.constant 7 : i32
        %add3A_227 = vector.broadcast %add3A_226 : i32 to vector<16xi32>
        %add3A_228 = arith.addi %add3A_225, %add3A_227 : vector<16xi32>
        %gather3A_229 = tpu.vector_load_idx %arg6[%add3A_228] : memref<32000xf32, #tpu.memory_space<vmem>>[vector<16xi32>], vector<16xf32>,
        %add3A_230 = arith.addf %add3A_220, %gather3A_229 : vector<16xf32>
        %mul3A_231 = arith.constant 16 : i32
        %mul3A_232 = arith.muli %scan3A_152, %mul3A_231 : i32
        %swap3A = arith.index_cast %mul3A_232 : i32 to index
        %swap3A_233 = tpu.vector_load %arg7[%swap3A] {strides = array<i32>} : memref<4000xf32, #tpu.memory_space<vmem>>, vector<16xf32>,
        tpu.vector_store %arg7[%swap3A], %add3A_230 {strides = array<i32>} : memref<4000xf32, #tpu.memory_space<vmem>>, vector<16xf32>,
        %scan3A_234 = arith.constant 0 : i32
        scf.yield %scan3A_234 : i32
      }
      %scan3A_149 = arith.constant 250 : i32
      %mul3A_150 = arith.constant 4000 : i32
      %mul3A_151 = arith.muli %add3A_132, %mul3A_150 : i32
      "tpu.region"() ({
        %run_scoped3A = tpu.sem_alloc : memref<!tpu.dma_semaphore, #tpu.memory_space<semaphore_mem>>
        %dma_start3A_152 = tpu.memref_slice %arg4[%mul3A_151] : memref<1000000xf32, #tpu.memory_space<hbm>> -> memref<4000xf32, #tpu.memory_space<hbm>>
        %dma_start3A_153 = tpu.memref_slice %arg4[%mul3A_151] : memref<1000000xf32, #tpu.memory_space<hbm>> -> memref<4000xf32, #tpu.memory_space<hbm>>
        tpu.enqueue_dma source(%arg7 : memref<4000xf32, #tpu.memory_space<vmem>>) target(%dma_start3A_153 : memref<4000xf32, #tpu.memory_space<hbm>>) target_semaphore(%run_scoped3A : memref<!tpu.dma_semaphore, #tpu.memory_space<semaphore_mem>>)
        %dma_wait3A_154 = tpu.memref_slice %arg4[%mul3A_151] : memref<1000000xf32, #tpu.memory_space<hbm>> -> memref<4000xf32, #tpu.memory_space<hbm>>
        %dma_wait3A_155 = tpu.memref_slice %arg4[%mul3A_151] : memref<1000000xf32, #tpu.memory_space<hbm>> -> memref<4000xf32, #tpu.memory_space<hbm>>
        tpu.wait_dma2 semaphore(%run_scoped3A : memref<!tpu.dma_semaphore, #tpu.memory_space<semaphore_mem>>) src(%arg7 : memref<4000xf32, #tpu.memory_space<vmem>>) dst(%dma_wait3A_155 : memref<4000xf32, #tpu.memory_space<hbm>>)
        tpu.yield
      }) : () -> ()
    } else {
    }
    return
  }
}

module attributes {stable_mosaic.version = 14 : i64} {
  func.func @_log_finish_body(%arg0: i32, %arg1: memref<512x128xf32, #tpu.memory_space<vmem>>, %arg2: memref<512x128xf32, #tpu.memory_space<vmem>>, %arg3: memref<512x128xf32, #tpu.memory_space<vmem>>) attributes {dimension_semantics = [#tpu.dimension_semantics<arbitrary>], iteration_bounds = array<i64: 8>, scalar_prefetch = 0 : i64, scratch_operands = 0 : i64, tpu.core_type = #tpu.core_type<tc>, window_params = [{transform_indices = @transform_0, window_bounds = array<i64: 512, 128>}, {transform_indices = @transform_1, window_bounds = array<i64: 512, 128>}, {transform_indices = @transform_2, window_bounds = array<i64: 512, 128>}]} {
    %get3A = arith.constant 0 : index
    %get3A_0 = arith.constant 0 : index
    %get3A_1 = vector.load %arg2[%get3A, %get3A_0] : memref<512x128xf32, #tpu.memory_space<vmem>>, vector<512x128xf32>
    %add3A = arith.constant 1.000000e-15 : f32
    %add3A_2 = vector.broadcast %add3A : f32 to vector<512x128xf32>
    %add3A_3 = arith.addf %get3A_1, %add3A_2 : vector<512x128xf32>
    %log3A = math.log %add3A_3 : vector<512x128xf32>
    %get3A_4 = arith.constant 0 : index
    %get3A_5 = arith.constant 0 : index
    %get3A_6 = vector.load %arg1[%get3A_4, %get3A_5] : memref<512x128xf32, #tpu.memory_space<vmem>>, vector<512x128xf32>
    %add3A_7 = arith.addf %log3A, %get3A_6 : vector<512x128xf32>
    %swap3A = arith.constant 0 : index
    %swap3A_8 = arith.constant 0 : index
    %swap3A_9 = vector.load %arg3[%swap3A, %swap3A_8] : memref<512x128xf32, #tpu.memory_space<vmem>>, vector<512x128xf32>
    tpu.vector_store %arg3[%swap3A, %swap3A_8], %add3A_7 {strides = array<i32>} : memref<512x128xf32, #tpu.memory_space<vmem>>, vector<512x128xf32>,
    return
  }
  func.func @transform_0(%arg0: i32) -> (i32, i32) {
    %c0_i32 = arith.constant 0 : i32
    %c0_i32_0 = arith.constant 0 : i32
    return %arg0, %c0_i32 : i32, i32
  }
  func.func @transform_1(%arg0: i32) -> (i32, i32) {
    %c0_i32 = arith.constant 0 : i32
    %c0_i32_0 = arith.constant 0 : i32
    return %arg0, %c0_i32 : i32, i32
  }
  func.func @transform_2(%arg0: i32) -> (i32, i32) {
    %c0_i32 = arith.constant 0 : i32
    %c0_i32_0 = arith.constant 0 : i32
    return %arg0, %c0_i32 : i32, i32
  }
}

</mosaic_0001>

<sc_bundles>
// kernel: kernel.5.cloned.1.call-start
scs
__scs_entry_jumppad:
0x0: {  	(pc) =	sbr.rel $0x88, $3  }
0x1: {  	(tag) =	ssettag $0x0;
	lr =	simm.s32 $0x1  }
0x2: {  	[smem:$0x3F9D] =	sst lr;
	_ =	strace $0xD0000000  }
0x3: {  	_ = 	snop  }
0x4: {  	_ = 	snop  }
0x5: {  	_ = 	snop  }
0x6: {  	_ = 	snop  }
0x7: {  	_ = 	snop  }
__scs_overlays_trampoline_lowered:
0x8: {  	[smem:$0x3FAC] =	sst s0  }
0x9: {  	[smem:$0x3FAD] =	sst s1  }
0xa: {  	[smem:$0x3FAE] =	sst s2  }
0xb: {  	[smem:$0x3FAF] =	sst s3  }
0xc: {  	[smem:$0x3FB0] =	sst s4  }
0xd: {  	[smem:$0x3FB1] =	sst s5  }
0xe: {  	[smem:$0x3FB2] =	sst s6  }
0xf: {  	[smem:$0x3FB3] =	sst s7  }
0x10: {  	[smem:$0x3FB4] =	sst s8  }
0x11: {  	[smem:$0x3FB5] =	sst s9;
	s0 =	simm.s32 @!p0 $0x0  }
0x12: {  	s1 =	sld [smem:$0x3F9B];
	s0 =	simm.s32 @p0 $0x1  }
0x13: {  	[smem:$0x3FB6] =	sst s0;
	s0 =	simm.s32 @!p1 $0x0  }
0x14: {  	s2 =	sld [smem:$0x3F9A];
	s0 =	simm.s32 @p1 $0x1  }
0x15: {  	[smem:$0x3FB7] =	sst s0;
	s0 =	simm.s32 @!p2 $0x0  }
0x16: {  	s3 =	sld [smem:$0x3FDB];
	s0 =	simm.s32 @p2 $0x1  }
0x17: {  	s4 =	simm.s32 $0x1BF5;
	[smem:$0x3FB9] =	sst s0  }
0x18: {  	s0 =	sld [smem:$0x3F9C];
	_ =	swait.ge [sflag:s4], $0x0  }
0x19: {  	s7 =	sld [smem:$0x3F9D]  }
0x1a: {  	s8 =	sadd.s32 $0xFFFFE003, lr  }
0x1b: {  	s9 =	sadd.s32 $0xFFFFFEF7, lr;
	s5 =	simm.s32 $0xFFFFFFFF;
	p2 =	slt.u32 s8, $0xFFFFF086  }
0x1c: {  	p1 =	slt.u32 s9, $0xF7A;
	s5 =	simm.s32 @!p2 $0x0  }
0x1d: {  	s5 =	simm.s32 @p1 $0x1;
	p0 =	seq.s32 s7, s2  }
0x1e: {  	s7 =	smul.u32 @!p0 $0xF7A, s2;
	p2 =	seq.s32 @!p0 s5, $0x0  }
0x1f: {  	s9 =	smul.u32 $0xF7A, s1;
	s8 =	simm.s32 @!p0 $0x1BF5;
	p2 =	por !p2, p0  }
0x20: {  	[sflag:s8] =	ssyncset.s32 @!p0 $0xFFFFF086;
	s6 =	sadd.s32 @!p0 s3, s7;
	s7 =	simm.s32 @!p0 $0x108  }
0x21: {  	s3 =	sadd.s32 s3, s9;
	s6 =	sadd.s32 @!p0 $0x88, s6;
	s7 =	simm.s32 @p2 $0x1082  }
0x22: {  	[simem:s7], [sflag:s8] =	dma.local @!p0 [hbm:s6], $0xF7A  }
0x23: {  	s9 =	sor.u32 $0xD0000000, s2;
	s6 =	simm.s32 $0x108;
	_ =	swait.ge @!p0 [sflag:s8], $0x0  }
0x24: {  	s3 =	sadd.s32 $0x88, s3;
	s6 =	simm.s32 @!p1 $0x1082;
	[sflag:s4] =	ssyncset.s32 $0xFFFFF086  }
0x25: {  	[simem:s6], [sflag:s4] =	dma.local [hbm:s3], $0xF7A  }
0x26: {  	[smem:$0x3F9D] =	sst s1;
	(tag) =	ssettag s2;
	_ =	strace s9  }
0x27: {  	s1 =	sld [smem:$0x3FAD]  }
0x28: {  	s2 =	sld [smem:$0x3FAE]  }
0x29: {  	s4 =	sld [smem:$0x3FB0]  }
0x2a: {  	p0 =	seq.s32 s5, $0x0;
	s5 =	sld [smem:$0x3FB1]  }
0x2b: {  	s6 =	sld [smem:$0x3FB2]  }
0x2c: {  	s7 =	sld [smem:$0x3FB3]  }
0x2d: {  	s3 =	simm.s32 $0x108;
	s8 =	sld [smem:$0x3FB4]  }
0x2e: {  	s3 =	simm.s32 @!p0 $0x1082;
	s9 =	sld [smem:$0x3FB5]  }
0x2f: {  	lr =	sadd.s32 s0, s3;
	s0 =	sld [smem:$0x3FAC]  }
0x30: {  	s3 =	sld [smem:$0x3FAF]  }
0x31: {  	[smem:$0x3FB8] =	sst s10  }
0x32: {  	s10 =	sld [smem:$0x3FB6];
	_ =	sdelay $0x3  }
0x33: {  	p0 =	seq.s32 s10, $0x1;
	s10 =	sld [smem:$0x3FB8];
	_ =	sdelay $0x3  }
0x34: {  	[smem:$0x3FB8] =	sst s10  }
0x35: {  	s10 =	sld [smem:$0x3FB7];
	_ =	sdelay $0x3  }
0x36: {  	p1 =	seq.s32 s10, $0x1;
	s10 =	sld [smem:$0x3FB8];
	_ =	sdelay $0x3  }
0x37: {  	[smem:$0x3FB8] =	sst s10  }
0x38: {  	s10 =	sld [smem:$0x3FB9]  }
0x39: {  	_ = 	snop;
	(pc) =	sbr.ind lr, $3  }
0x3a: {  	_ = 	snop  }
0x3b: {  	_ = 	snop  }
0x3c: {  	p2 =	seq.s32 s10, $0x1;
	s10 =	sld [smem:$0x3FB8]  }
0x3d: {  	_ =	shalt  }
0x3e: {  	_ =	shalt  }
0x3f: {  	_ =	shalt  }
0x40: {  	_ =	shalt  }
0x41: {  	_ =	shalt  }
0x42: {  	_ =	shalt  }
0x43: {  	_ =	shalt  }
0x44: {  	_ =	shalt  }
0x45: {  	_ =	shalt  }
0x46: {  	_ =	shalt  }
0x47: {  	_ =	shalt  }
0x48: {  	_ =	shalt  }
0x49: {  	_ =	shalt  }
0x4a: {  	_ =	shalt  }
0x4b: {  	_ =	shalt  }
0x4c: {  	_ =	shalt  }
0x4d: {  	_ =	shalt  }
0x4e: {  	_ =	shalt  }
0x4f: {  	_ =	shalt  }
0x50: {  	_ =	shalt  }
0x51: {  	_ =	shalt  }
0x52: {  	_ =	shalt  }
0x53: {  	_ =	shalt  }
0x54: {  	_ =	shalt  }
0x55: {  	_ =	shalt  }
0x56: {  	_ =	shalt  }
0x57: {  	_ =	shalt  }
0x58: {  	_ =	shalt  }
0x59: {  	_ =	shalt  }
0x5a: {  	_ =	shalt  }
0x5b: {  	_ =	shalt  }
0x5c: {  	_ =	shalt  }
0x5d: {  	_ =	shalt  }
0x5e: {  	_ =	shalt  }
0x5f: {  	_ =	shalt  }
0x60: {  	_ =	shalt  }
0x61: {  	_ =	shalt  }
0x62: {  	_ =	shalt  }
0x63: {  	_ =	shalt  }
0x64: {  	_ =	shalt  }
0x65: {  	_ =	shalt  }
0x66: {  	_ =	shalt  }
0x67: {  	_ =	shalt  }
0x68: {  	_ =	shalt  }
0x69: {  	_ =	shalt  }
0x6a: {  	_ =	shalt  }
0x6b: {  	_ =	shalt  }
0x6c: {  	_ =	shalt  }
0x6d: {  	_ =	shalt  }
0x6e: {  	_ =	shalt  }
0x6f: {  	_ =	shalt  }
0x70: {  	_ =	shalt  }
0x71: {  	_ =	shalt  }
0x72: {  	_ =	shalt  }
0x73: {  	_ =	shalt  }
0x74: {  	_ =	shalt  }
0x75: {  	_ =	shalt  }
0x76: {  	_ =	shalt  }
0x77: {  	_ =	shalt  }
0x78: {  	_ =	shalt  }
0x79: {  	_ =	shalt  }
0x7a: {  	_ =	shalt  }
0x7b: {  	_ =	shalt  }
0x7c: {  	_ =	shalt  }
0x7d: {  	_ =	shalt  }
0x7e: {  	_ =	shalt  }
0x7f: {  	_ =	shalt  }
0x80: {  	_ =	shalt  }
0x81: {  	_ =	shalt  }
0x82: {  	_ =	shalt  }
0x83: {  	_ =	shalt  }
0x84: {  	_ =	shalt  }
0x85: {  	_ =	shalt  }
0x86: {  	_ =	shalt  }
0x87: {  	_ =	shalt  }
.Lfunc_end0:
.L_simem_size_0:
called_computation_lowered:
.L_overlay_start_0:
0x88: {  	s2 =	sld [smem:$0x3FD9]  }
0x89: {  	s3 =	sld [smem:$0x3FFE];
	_ =	sdelay $0x1  }
0x8a: {  	s1 =	srdreg.scid  }
0x8b: {  	s0 =	sand.u32 $0x1, s1  }
0x8c: {  	s17 =	sshll.u32 s0, $0xA;
	s2 =	sadd.s32 s3, s2  }
0x8d: {  	s2 =	sadd.s32 s2, s17  }
0x8e: {  	[smem:$0x3FC4] =	sst s2  }
0x8f: {  	_ = 	snop  }
0x90: {  	s2 =	sld [smem:$0x3FC7];
	(tm) =	ssettm $0x1  }
0x91: {  	s18 =	sld [smem:$0x3FFB];
	_ =	sdelay $0x3  }
0x92: {  	_ =	strace s18  }
0x93: {  	s3 =	sld [smem:$0x3FFC];
	_ =	sdelay $0x3  }
0x94: {  	_ =	strace s3  }
0x95: {  	s3 =	sld [smem:$0x3FFD];
	_ =	sdelay $0x3  }
0x96: {  	_ =	strace s3  }
0x97: {  	_ =	strace $0x8FFFFFFF  }
0x98: {  	s19 =	sld [smem:$0x3FDB];
	_ =	sdelay $0x1  }
0x99: {  	s4 =	simm.s32 $_scs_section_size  }
0x9a: {  	s5 =	simm.s32 $_size__tile_overlayer_lowered;
	s6 =	simm.s32 $_tile_overlayer_lowered  }
0x9b: {  	s22 =	simm.s32 $0x1BFF;
	s21 =	sshll.u32 s6, $0x1;
	s3 =	sadd.s32 s4, s19  }
0x9c: {  	s7 =	simm.s32 $0x0;
	s20 =	sshll.u32 s5, $0x1;
	s5 =	sadd.s32 s21, s3  }
0x9d: {  	[timem:s7], [sflag:s22] =	dma.local [hbm:s5], s20  }
0x9e: {  	_ =	swait.ge [sflag:s22], s20  }
0x9f: {  	s4 =	ssub.s32 $0x0, s20;
	[sflag:s22] =	ssyncset.done $0x0  }
0xa0: {  	[sflag:s22] =	ssyncadd.s32 s4;
	_ =	sdelay $0x1  }
0xa1: {  	s23 =	simm.s32 $0x1B8B  }
0xa2: {  	_ =	swait.ge [sflag:s23], $0x1  }
0xa3: {  	[sflag:s23] =	ssyncset.done $0x0  }
0xa4: {  	s25 =	simm.s32 $0x1B8E;
	s24 =	sld [smem:$0x3FFE];
	[sflag:s23] =	ssyncadd.s32 $0xFFFFFFFF  }
0xa5: {  	s26 =	simm.s32 $execute0_lowered;
	[smem:$0x3FD2] =	sst s25  }
0xa6: {  	s5 =	sshll.u32 s26, $0x1;
	_ =	strace $0x80000046;
	[dreg:$0x1] =	wrdreg $0xFFFFFFFF  }
0xa7: {  	s28 =	simm.s32 $_size_execute0_lowered;
	s3 =	sadd.s32 s3, s5;
	[dreg:$0x0] =	wrdreg $0x0  }
0xa8: {  	s5 =	sshll.u32 s28, $0x1;
	[dreg:$0x2] =	wrdreg s3  }
0xa9: {  	[dreg:$0x3] =	wrdreg s5  }
0xaa: {  	[dreg:$0x4] =	wrdreg $0xC0  }
0xab: {  	_ =	task [dreg:s7], $0x5FFFF  }
0xac: {  	[dreg:$0x1] =	wrdreg $0xFFFFFFFF  }
0xad: {  	[dreg:$0x0] =	wrdreg $0x60  }
0xae: {  	[dreg:$0x2] =	wrdreg s24  }
0xaf: {  	[dreg:$0x3] =	wrdreg s2  }
0xb0: {  	[dreg:$0x4] =	wrdreg $0x9  }
0xb1: {  	_ =	task.clear_ibuf [dreg:s7], $0x5FFFF;
	_ =	strace $0x90000046  }
0xb2: {  	s29 =	simm.s32 $0x9;
	_ =	strace $0x80000048  }
0xb3: {  	_ =	swait.ge [sflag:s29], $0x1  }
0xb4: {  	[sflag:s29] =	ssyncadd.s32 $0xFFFFFFFF  }
0xb5: {  	_ =	strace $0x90000048  }
0xb6: {  	_ =	sfence  }
0xb7: {  	s30 =	sld [smem:$0x0];
	_ =	sdelay $0x2  }
0xb8: {  	s31 =	sshll.u32 s1, $0xD;
	s1 =	sshrl.u32 s1, $0x2  }
0xb9: {  	s3 =	sand.u32 $0x4000, s31;
	s1 =	sadd.s32 s1, s30  }
0xba: {  	s0 =	sor.u32 s3, s0;
	s1 =	sshll.u32 s1, $0x11  }
0xbb: {  	s0 =	sor.u32 s1, s0  }
0xbc: {  	s0 =	sadd.s32 $0x8F2B, s0  }
0xbd: {  	[sflag:s0] =	ssyncadd.remote.s32 $0x1  }
0xbe: {  	_ =	sfence.sel $0xFFFF  }
0xbf: {  	[dreg:$0x0] =	wrdreg $0xFFFFFFFF;
	(pc) =	sbr.abs _section_cstart, $3  }
0xc0: {  	[dreg:$0x1] =	wrdreg $0xFFFFFFFF  }
0xc1: {  	_ =	task.clear_ibuf [dreg:s7], $0x2FFFF;
	_ =	strace $0x9FFFFFFF  }
0xc2: {  	(tm) =	ssettm $0x7FFFFFFF  }
0xc3: {  	_ =	shalt  }
tec
execute0_lowered:
.L_overlay_start_1:
0x0: {  	(tag) =	ssettag $0x1  }
0x1: {  	s1 =	srdreg.scid;
	s0 =	stileid.u32  }
0x2: {  	s4 =	sand.u32 $0x1, s1;
	s28 =	sshll.u32 s0, $0x1  }
0x3: {  	s11 =	sor.u32 s4, s28  }
0x4: {  	s6 =	smul.u32 $0xFA0, s11  }
0x5: {  	s7 =	smul.u32 $0x1F4, s11;
	s3 =	sor.u32 $0x20, s11  }
0x6: {  	s8 =	smul.u32 $0xFA0, s3  }
0x7: {  	s29 =	sor.u32 $0x40, s11;
	s9 =	smul.u32 $0x1F4, s3  }
0x8: {  	s10 =	smul.u32 $0xFA0, s29  }
0x9: {  	s13 =	sor.u32 $0x60, s11;
	s12 =	smul.u32 $0x1F4, s29  }
0xa: {  	s14 =	smul.u32 $0xFA0, s13  }
0xb: {  	s5 =	rddreg [dreg:$0x0];
	s16 =	sor.u32 $0x80, s11;
	s13 =	smul.u32 $0x1F4, s13  }
0xc: {  	s18 =	rddreg [dreg:$0x1];
	s2 =	simm.s32 $0x0;
	s30 =	smul.u32 $0xFA0, s16  }
0xd: {  	s1 =	rddreg [dreg:$0x2];
	s17 =	sor.u32 $0xA0, s11;
	s16 =	smul.u32 $0x1F4, s16  }
0xe: {  	[smem:$0x7FF] =	sst s2;
	s19 =	sadd.s32 $0x3E400, s5;
	s21 =	smul.u32 $0xFA0, s17  }
0xf: {  	p0 =	sgt.u32 s0, $0xC;
	s22 =	sor.u32 $0xC0, s11;
	s17 =	smul.u32 $0x1F4, s17  }
0x10: {  	_ =	strace $0x80000047;
	s4 =	ssub.s32 $0x2, s4;
	s23 =	smul.u32 $0xFA0, s22  }
0x11: {  	s15 =	sshrl.u32 s4, $0x1;
	s24 =	sor.u32 $0xE0, s11;
	s22 =	smul.u32 $0x1F4, s22  }
0x12: {  	s3 =	sadd.s32 $0x1200, s5;
	s20 =	ssub.s32 s4, s15;
	s25 =	smul.u32 $0xFA0, s24  }
0x13: {  	s31 =	smul.u32 $0x1F4, s24;
	s24 =	simm.s32 $0xFA00;
	s4 =	sadd.s32 s18, s6  }
0x14: {  	s5 =	sadd.s32 s19, s7;
	s20 =	smax.u32 s20, $0x1;
	s6 =	sadd.s32 s18, s8  }
0x15: {  	v0 =	vlaneseq.u32;
	s7 =	sadd.s32 s19, s9;
	s8 =	sadd.s32 s18, s10;
	s9 =	sadd.s32 s19, s12  }
.Ltmp0:
0x16: {  	v0 =	vmul.u32 $0x8, v0;
	s10 =	sadd.s32 s18, s14;
	s11 =	sadd.s32 s19, s13;
	(pc) =	sbr.rel .LBB2_1-.Ltmp0, $4  }
0x17: {  	s12 =	sadd.s32 s18, s30;
	s13 =	sadd.s32 s19, s16;
	s14 =	sadd.s32 s18, s21  }
0x18: {  	v1 =	vor.u32 $0x1, v0;
	s15 =	sadd.s32 s19, s17;
	s16 =	sadd.s32 s18, s23;
	s17 =	sadd.s32 s19, s22  }
0x19: {  	v2 =	vor.u32 $0x2, v0;
	v3 =	vor.u32 $0x3, v0;
	v4 =	vor.u32 $0x4, v0;
	s18 =	sadd.s32 s18, s25;
	s19 =	sadd.s32 s19, s31;
	s21 =	simm.s32 $0x2  }
0x1a: {  	v5 =	vor.u32 $0x5, v0;
	v6 =	vor.u32 $0x6, v0;
	v7 =	vor.u32 $0x7, v0;
	s22 =	simm.s32 $0x7D00;
	s23 =	simm.s32 $0x1;
	s25 =	simm.s32 $0x0  }
.LBB2_18:
0x1b: {  	_ = 	snop  }
0x1c: {  	v10 =	vadd.f32 v10, v11  }
0x1d: {  	v57 =	vor.u32 s28, v2;
	s26 =	sadd.s32 $0x10, s26  }
0x1e: {  	[tilespmem:s26+$0x0] =	vst v10  }
0x1f: {  	v58 =	vor.u32 s28, v3;
	v8 =	vld.idx.msk [tilespmem:v8+s22+$0x0], $0xffff  }
0x20: {  	v9 =	vld.idx.msk [tilespmem:v9+s22+$0x0], $0xffff  }
0x21: {  	v12 =	vor.u32 s28, v4  }
0x22: {  	v11 =	vld.idx.msk [tilespmem:v57+s22+$0x0], $0xffff  }
0x23: {  	v13 =	vor.u32 s28, v5  }
0x24: {  	v10 =	vld.idx.msk [tilespmem:v58+s22+$0x0], $0xffff  }
0x25: {  	v14 =	vor.u32 s28, v6;
	v8 =	vadd.f32 v8, v9  }
0x26: {  	v59 =	vld.idx.msk [tilespmem:v12+s22+$0x0], $0xffff  }
0x27: {  	v60 =	vor.u32 s28, v7;
	v8 =	vadd.f32 v11, v8  }
0x28: {  	v61 =	vld.idx.msk [tilespmem:v13+s22+$0x0], $0xffff  }
0x29: {  	v8 =	vadd.f32 v10, v8  }
0x2a: {  	v62 =	vld.idx.msk [tilespmem:v14+s22+$0x0], $0xffff  }
0x2b: {  	v8 =	vadd.f32 v59, v8  }
0x2c: {  	v63 =	vld.idx.msk [tilespmem:v60+s22+$0x0], $0xffff  }
0x2d: {  	v8 =	vadd.f32 v61, v8;
	_ =	sdelay $0x1  }
0x2e: {  	v8 =	vadd.f32 v62, v8;
	_ =	sdelay $0x1  }
0x2f: {  	v8 =	vadd.f32 v63, v8  }
0x30: {  	s26 =	sadd.s32 $0x10, s26  }
0x31: {  	[tilespmem:s26+$0x0] =	vst v8  }
0x32: {  	[hbm4b:s19+s2] =	stream.linear.scatter [tilespmem:s24], [sflag:$0x2], $0xFA0, $0x38;
	[tilespmem:$0x10A00] =	vst v63  }
0x33: {  	_ =	swait.ge [sflag:s21], $0xFA0  }
0x34: {  	[sflag:s21] =	ssyncset.done $0x0  }
0x35: {  	[sflag:s21] =	ssyncadd.s32 $0xFFFFF060  }
.LBB2_19:
0x36: {  	s25 =	sadd.s32 $0x1, s25  }
0x37: {  	p1 =	sne.s32 s25, s20  }
.Ltmp1:
0x38: {  	_ = 	snop;
	(pc) =	sbr.rel @!p1 .LBB2_20-.Ltmp1, $1  }
0x39: {  	_ =	sdelay $0x3  }
.LBB2_1:
0x3a: {  	[tilespmem:s2], [sflag:$0x2] =	stream.linear.gather [hbm4b:s4+s2], $0x7D00, $0x38;
	[tilespmem:$0x10A00] =	vst v63  }
0x3b: {  	_ =	swait.ge [sflag:s21], $0x7D00  }
0x3c: {  	[sflag:s21] =	ssyncset.done $0x0  }
0x3d: {  	v8 =	vor.u32 s2, v1;
	[sflag:s21] =	ssyncadd.s32 $0xFFFF8300  }
0x3e: {  	v9 =	vor.u32 s2, v0;
	[tilespmem:s22], [sflag:$0x1] =	stream.indirect.gather [hbm4b:s3+s22], $0x1, s2, s22, $0xb8;
	[tilespmem:$0x10A00] =	vst v63  }
0x3f: {  	_ =	swait.ge [sflag:s23], $0x7D00  }
0x40: {  	v10 =	vor.u32 s2, v2;
	[sflag:s23] =	ssyncset.done $0x0  }
0x41: {  	[sflag:s23] =	ssyncadd.s32 $0xFFFF8300  }
0x42: {  	v11 =	vor.u32 s2, v3;
	v8 =	vld.idx.msk [tilespmem:v8+s22+$0x0], $0xffff  }
0x43: {  	v9 =	vld.idx.msk [tilespmem:v9+s22+$0x0], $0xffff  }
0x44: {  	v12 =	vor.u32 s2, v4  }
0x45: {  	v10 =	vld.idx.msk [tilespmem:v10+s22+$0x0], $0xffff  }
0x46: {  	v13 =	vor.u32 s2, v5  }
0x47: {  	v11 =	vld.idx.msk [tilespmem:v11+s22+$0x0], $0xffff  }
0x48: {  	v14 =	vor.u32 s2, v6;
	v8 =	vadd.f32 v8, v9  }
0x49: {  	v9 =	vld.idx.msk [tilespmem:v12+s22+$0x0], $0xffff  }
0x4a: {  	v59 =	vor.u32 s2, v7;
	v8 =	vadd.f32 v10, v8  }
0x4b: {  	v10 =	vld.idx.msk [tilespmem:v13+s22+$0x0], $0xffff  }
0x4c: {  	v8 =	vadd.f32 v11, v8  }
0x4d: {  	v11 =	vld.idx.msk [tilespmem:v14+s22+$0x0], $0xffff  }
0x4e: {  	v8 =	vadd.f32 v9, v8  }
0x4f: {  	v9 =	vld.idx.msk [tilespmem:v59+s22+$0x0], $0xffff  }
0x50: {  	v8 =	vadd.f32 v10, v8  }
0x51: {  	s26 =	simm.s32 $0x80  }
0x52: {  	v10 =	vor.u32 s26, v1;
	v8 =	vadd.f32 v11, v8  }
0x53: {  	v11 =	vor.u32 s26, v0  }
0x54: {  	v8 =	vadd.f32 v9, v8  }
0x55: {  	v9 =	vor.u32 s26, v2  }
0x56: {  	[tilespmem:s24+$0x0] =	vst v8  }
0x57: {  	v8 =	vld.idx.msk [tilespmem:v10+s22+$0x0], $0xffff;
	v10 =	vor.u32 s26, v3  }
0x58: {  	v11 =	vld.idx.msk [tilespmem:v11+s22+$0x0], $0xffff;
	_ =	sdelay $0x1  }
0x59: {  	v9 =	vld.idx.msk [tilespmem:v9+s22+$0x0], $0xffff  }
0x5a: {  	v60 =	vor.u32 s26, v4  }
0x5b: {  	v10 =	vld.idx.msk [tilespmem:v10+s22+$0x0], $0xffff  }
0x5c: {  	v61 =	vor.u32 s26, v5;
	v8 =	vadd.f32 v8, v11;
	_ =	sdelay $0x1  }
0x5d: {  	v62 =	vor.u32 s26, v6;
	v8 =	vadd.f32 v9, v8  }
0x5e: {  	v11 =	vld.idx.msk [tilespmem:v60+s22+$0x0], $0xffff  }
0x5f: {  	v8 =	vadd.f32 v10, v8;
	v10 =	vor.u32 s26, v7  }
0x60: {  	v9 =	vld.idx.msk [tilespmem:v61+s22+$0x0], $0xffff;
	_ =	sdelay $0x1  }
0x61: {  	v63 =	vld.idx.msk [tilespmem:v62+s22+$0x0], $0xffff  }
0x62: {  	v8 =	vadd.f32 v11, v8  }
0x63: {  	v10 =	vld.idx.msk [tilespmem:v10+s22+$0x0], $0xffff  }
0x64: {  	v9 =	vadd.f32 v9, v8  }
0x65: {  	s26 =	simm.s32 $0x100  }
0x66: {  	v8 =	vor.u32 s26, v1;
	v11 =	vadd.f32 v63, v9  }
0x67: {  	s29 =	simm.s32 $0x180;
	s28 =	simm.s32 $0xFA00;
	v9 =	vor.u32 s26, v0  }
.LBB2_2:
0x68: {  	p1 =	sne.s32 s29, $0x7C80;
	v10 =	vadd.f32 v10, v11  }
0x69: {  	v11 =	vor.u32 s26, v2;
	s28 =	sadd.s32 $0x10, s28  }
0x6a: {  	[tilespmem:s28+$0x0] =	vst v10  }
0x6b: {  	v10 =	vor.u32 s26, v3;
	v8 =	vld.idx.msk [tilespmem:v8+s22+$0x0], $0xffff  }
0x6c: {  	v9 =	vld.idx.msk [tilespmem:v9+s22+$0x0], $0xffff  }
0x6d: {  	v12 =	vor.u32 s26, v4  }
0x6e: {  	v11 =	vld.idx.msk [tilespmem:v11+s22+$0x0], $0xffff  }
0x6f: {  	v13 =	vor.u32 s26, v5  }
0x70: {  	v10 =	vld.idx.msk [tilespmem:v10+s22+$0x0], $0xffff  }
0x71: {  	v14 =	vor.u32 s26, v6  }
0x72: {  	v8 =	vadd.f32 v8, v9;
	v9 =	vld.idx.msk [tilespmem:v12+s22+$0x0], $0xffff  }
0x73: {  	v12 =	vor.u32 s26, v7;
	s26 =	smov.u32 s29  }
0x74: {  	v8 =	vadd.f32 v11, v8;
	v11 =	vld.idx.msk [tilespmem:v13+s22+$0x0], $0xffff;
	_ =	sdelay $0x1  }
0x75: {  	v8 =	vadd.f32 v10, v8;
	v13 =	vld.idx.msk [tilespmem:v14+s22+$0x0], $0xffff;
	_ =	sdelay $0x1  }
0x76: {  	v8 =	vadd.f32 v9, v8;
	v10 =	vld.idx.msk [tilespmem:v12+s22+$0x0], $0xffff  }
.Ltmp2:
0x77: {  	(pc) =	sbr.rel @p1 .LBB2_2-.Ltmp2, $3  }
0x78: {  	v9 =	vadd.f32 v11, v8;
	_ =	sdelay $0x1  }
0x79: {  	v8 =	vor.u32 s29, v1;
	v11 =	vadd.f32 v13, v9  }
0x7a: {  	s29 =	sadd.s32 $0x80, s29;
	v9 =	vor.u32 s26, v0  }
0x7b: {  	_ = 	snop  }
0x7c: {  	v10 =	vadd.f32 v10, v11  }
0x7d: {  	v11 =	vor.u32 s26, v2;
	s28 =	sadd.s32 $0x10, s28  }
0x7e: {  	[tilespmem:s28+$0x0] =	vst v10  }
0x7f: {  	v10 =	vor.u32 s26, v3;
	v8 =	vld.idx.msk [tilespmem:v8+s22+$0x0], $0xffff  }
0x80: {  	v9 =	vld.idx.msk [tilespmem:v9+s22+$0x0], $0xffff  }
0x81: {  	v12 =	vor.u32 s26, v4  }
0x82: {  	v11 =	vld.idx.msk [tilespmem:v11+s22+$0x0], $0xffff  }
0x83: {  	v13 =	vor.u32 s26, v5  }
0x84: {  	v10 =	vld.idx.msk [tilespmem:v10+s22+$0x0], $0xffff  }
0x85: {  	v14 =	vor.u32 s26, v6;
	v8 =	vadd.f32 v8, v9  }
0x86: {  	v9 =	vld.idx.msk [tilespmem:v12+s22+$0x0], $0xffff  }
0x87: {  	v55 =	vor.u32 s26, v7;
	v8 =	vadd.f32 v11, v8  }
0x88: {  	v11 =	vld.idx.msk [tilespmem:v13+s22+$0x0], $0xffff  }
0x89: {  	v8 =	vadd.f32 v10, v8  }
0x8a: {  	v10 =	vld.idx.msk [tilespmem:v14+s22+$0x0], $0xffff  }
0x8b: {  	v8 =	vadd.f32 v9, v8  }
0x8c: {  	v9 =	vld.idx.msk [tilespmem:v55+s22+$0x0], $0xffff  }
0x8d: {  	v8 =	vadd.f32 v11, v8;
	_ =	sdelay $0x1  }
0x8e: {  	v8 =	vadd.f32 v10, v8;
	_ =	sdelay $0x1  }
0x8f: {  	v8 =	vadd.f32 v9, v8  }
0x90: {  	s31 =	sadd.s32 $0x10, s28  }
0x91: {  	s28 =	simm.s32 $0x0;
	s26 =	simm.s32 $0xFA00;
	[tilespmem:s31+$0x0] =	vst v8  }
0x92: {  	[hbm4b:s5+s28] =	stream.linear.scatter [tilespmem:s26], [sflag:$0x2], $0xFA0, $0x38;
	[tilespmem:$0x10A00] =	vst v63  }
0x93: {  	_ =	swait.ge [sflag:s21], $0xFA0  }
0x94: {  	[sflag:s21] =	ssyncset.done $0x0  }
0x95: {  	[sflag:s21] =	ssyncadd.s32 $0xFFFFF060  }
0x96: {  	[tilespmem:s28], [sflag:$0x2] =	stream.linear.gather [hbm4b:s6+s28], $0x7D00, $0x38;
	[tilespmem:$0x10A00] =	vst v63  }
0x97: {  	_ =	swait.ge [sflag:s21], $0x7D00  }
0x98: {  	[sflag:s21] =	ssyncset.done $0x0  }
0x99: {  	v8 =	vor.u32 s28, v1;
	[sflag:s21] =	ssyncadd.s32 $0xFFFF8300  }
0x9a: {  	v9 =	vor.u32 s28, v0;
	[tilespmem:s22], [sflag:$0x1] =	stream.indirect.gather [hbm4b:s3+s22], $0x1, s28, s22, $0xb8;
	[tilespmem:$0x10A00] =	vst v63  }
0x9b: {  	_ =	swait.ge [sflag:s23], $0x7D00  }
0x9c: {  	v10 =	vor.u32 s28, v2;
	[sflag:s23] =	ssyncset.done $0x0  }
0x9d: {  	[sflag:s23] =	ssyncadd.s32 $0xFFFF8300  }
0x9e: {  	v11 =	vor.u32 s28, v3;
	v8 =	vld.idx.msk [tilespmem:v8+s22+$0x0], $0xffff  }
0x9f: {  	v9 =	vld.idx.msk [tilespmem:v9+s22+$0x0], $0xffff  }
0xa0: {  	v56 =	vor.u32 s28, v4  }
0xa1: {  	v10 =	vld.idx.msk [tilespmem:v10+s22+$0x0], $0xffff  }
0xa2: {  	v57 =	vor.u32 s28, v5  }
0xa3: {  	v11 =	vld.idx.msk [tilespmem:v11+s22+$0x0], $0xffff  }
0xa4: {  	v58 =	vor.u32 s28, v6;
	v8 =	vadd.f32 v8, v9  }
0xa5: {  	v9 =	vld.idx.msk [tilespmem:v56+s22+$0x0], $0xffff  }
0xa6: {  	v59 =	vor.u32 s28, v7;
	v8 =	vadd.f32 v10, v8  }
0xa7: {  	v10 =	vld.idx.msk [tilespmem:v57+s22+$0x0], $0xffff  }
0xa8: {  	v8 =	vadd.f32 v11, v8  }
0xa9: {  	v11 =	vld.idx.msk [tilespmem:v58+s22+$0x0], $0xffff  }
0xaa: {  	v8 =	vadd.f32 v9, v8  }
0xab: {  	v9 =	vld.idx.msk [tilespmem:v59+s22+$0x0], $0xffff  }
0xac: {  	v8 =	vadd.f32 v10, v8  }
0xad: {  	s28 =	simm.s32 $0x80  }
0xae: {  	v10 =	vor.u32 s28, v1;
	v8 =	vadd.f32 v11, v8  }
0xaf: {  	v11 =	vor.u32 s28, v0  }
0xb0: {  	v8 =	vadd.f32 v9, v8  }
0xb1: {  	v9 =	vor.u32 s28, v2  }
0xb2: {  	[tilespmem:s26+$0x0] =	vst v8  }
0xb3: {  	v8 =	vld.idx.msk [tilespmem:v10+s22+$0x0], $0xffff;
	v10 =	vor.u32 s28, v3  }
0xb4: {  	v11 =	vld.idx.msk [tilespmem:v11+s22+$0x0], $0xffff;
	_ =	sdelay $0x1  }
0xb5: {  	v9 =	vld.idx.msk [tilespmem:v9+s22+$0x0], $0xffff  }
0xb6: {  	v60 =	vor.u32 s28, v4  }
0xb7: {  	v10 =	vld.idx.msk [tilespmem:v10+s22+$0x0], $0xffff  }
0xb8: {  	v61 =	vor.u32 s28, v5;
	v8 =	vadd.f32 v8, v11;
	_ =	sdelay $0x1  }
0xb9: {  	v62 =	vor.u32 s28, v6;
	v8 =	vadd.f32 v9, v8  }
0xba: {  	v11 =	vld.idx.msk [tilespmem:v60+s22+$0x0], $0xffff  }
0xbb: {  	v8 =	vadd.f32 v10, v8;
	v10 =	vor.u32 s28, v7  }
0xbc: {  	v9 =	vld.idx.msk [tilespmem:v61+s22+$0x0], $0xffff;
	_ =	sdelay $0x1  }
0xbd: {  	v63 =	vld.idx.msk [tilespmem:v62+s22+$0x0], $0xffff  }
0xbe: {  	v8 =	vadd.f32 v11, v8  }
0xbf: {  	v10 =	vld.idx.msk [tilespmem:v10+s22+$0x0], $0xffff  }
0xc0: {  	v9 =	vadd.f32 v9, v8  }
0xc1: {  	s28 =	simm.s32 $0x100  }
0xc2: {  	v8 =	vor.u32 s28, v1;
	v11 =	vadd.f32 v63, v9  }
0xc3: {  	s29 =	simm.s32 $0x180;
	v9 =	vor.u32 s28, v0  }
.LBB2_4:
0xc4: {  	p1 =	sne.s32 s29, $0x7C80;
	v10 =	vadd.f32 v10, v11  }
0xc5: {  	v11 =	vor.u32 s28, v2;
	s26 =	sadd.s32 $0x10, s26  }
0xc6: {  	[tilespmem:s26+$0x0] =	vst v10  }
0xc7: {  	v10 =	vor.u32 s28, v3;
	v8 =	vld.idx.msk [tilespmem:v8+s22+$0x0], $0xffff  }
0xc8: {  	v9 =	vld.idx.msk [tilespmem:v9+s22+$0x0], $0xffff  }
0xc9: {  	v12 =	vor.u32 s28, v4  }
0xca: {  	v11 =	vld.idx.msk [tilespmem:v11+s22+$0x0], $0xffff  }
0xcb: {  	v13 =	vor.u32 s28, v5  }
0xcc: {  	v10 =	vld.idx.msk [tilespmem:v10+s22+$0x0], $0xffff  }
0xcd: {  	v14 =	vor.u32 s28, v6  }
0xce: {  	v8 =	vadd.f32 v8, v9;
	v9 =	vld.idx.msk [tilespmem:v12+s22+$0x0], $0xffff  }
0xcf: {  	v12 =	vor.u32 s28, v7;
	s28 =	smov.u32 s29  }
0xd0: {  	v8 =	vadd.f32 v11, v8;
	v11 =	vld.idx.msk [tilespmem:v13+s22+$0x0], $0xffff;
	_ =	sdelay $0x1  }
0xd1: {  	v8 =	vadd.f32 v10, v8;
	v13 =	vld.idx.msk [tilespmem:v14+s22+$0x0], $0xffff;
	_ =	sdelay $0x1  }
0xd2: {  	v8 =	vadd.f32 v9, v8;
	v10 =	vld.idx.msk [tilespmem:v12+s22+$0x0], $0xffff  }
.Ltmp3:
0xd3: {  	(pc) =	sbr.rel @p1 .LBB2_4-.Ltmp3, $3  }
0xd4: {  	v9 =	vadd.f32 v11, v8;
	_ =	sdelay $0x1  }
0xd5: {  	v8 =	vor.u32 s29, v1;
	v11 =	vadd.f32 v13, v9  }
0xd6: {  	s29 =	sadd.s32 $0x80, s29;
	v9 =	vor.u32 s28, v0  }
0xd7: {  	_ = 	snop  }
0xd8: {  	v10 =	vadd.f32 v10, v11  }
0xd9: {  	v11 =	vor.u32 s28, v2;
	s26 =	sadd.s32 $0x10, s26  }
0xda: {  	[tilespmem:s26+$0x0] =	vst v10  }
0xdb: {  	v10 =	vor.u32 s28, v3;
	v8 =	vld.idx.msk [tilespmem:v8+s22+$0x0], $0xffff  }
0xdc: {  	v9 =	vld.idx.msk [tilespmem:v9+s22+$0x0], $0xffff  }
0xdd: {  	v12 =	vor.u32 s28, v4  }
0xde: {  	v11 =	vld.idx.msk [tilespmem:v11+s22+$0x0], $0xffff  }
0xdf: {  	v13 =	vor.u32 s28, v5  }
0xe0: {  	v10 =	vld.idx.msk [tilespmem:v10+s22+$0x0], $0xffff  }
0xe1: {  	v14 =	vor.u32 s28, v6;
	v8 =	vadd.f32 v8, v9  }
0xe2: {  	v9 =	vld.idx.msk [tilespmem:v12+s22+$0x0], $0xffff  }
0xe3: {  	v55 =	vor.u32 s28, v7;
	v8 =	vadd.f32 v11, v8  }
0xe4: {  	v11 =	vld.idx.msk [tilespmem:v13+s22+$0x0], $0xffff  }
0xe5: {  	v8 =	vadd.f32 v10, v8  }
0xe6: {  	v10 =	vld.idx.msk [tilespmem:v14+s22+$0x0], $0xffff  }
0xe7: {  	v8 =	vadd.f32 v9, v8  }
0xe8: {  	v9 =	vld.idx.msk [tilespmem:v55+s22+$0x0], $0xffff  }
0xe9: {  	v8 =	vadd.f32 v11, v8;
	_ =	sdelay $0x1  }
0xea: {  	v8 =	vadd.f32 v10, v8;
	_ =	sdelay $0x1  }
0xeb: {  	v8 =	vadd.f32 v9, v8  }
0xec: {  	s26 =	sadd.s32 $0x10, s26  }
0xed: {  	s28 =	simm.s32 $0x0;
	[tilespmem:s26+$0x0] =	vst v8;
	s26 =	simm.s32 $0xFA00  }
0xee: {  	[hbm4b:s7+s28] =	stream.linear.scatter [tilespmem:s26], [sflag:$0x2], $0xFA0, $0x38;
	[tilespmem:$0x10A00] =	vst v63  }
0xef: {  	_ =	swait.ge [sflag:s21], $0xFA0  }
0xf0: {  	[sflag:s21] =	ssyncset.done $0x0  }
0xf1: {  	[sflag:s21] =	ssyncadd.s32 $0xFFFFF060  }
0xf2: {  	[tilespmem:s28], [sflag:$0x2] =	stream.linear.gather [hbm4b:s8+s28], $0x7D00, $0x38;
	[tilespmem:$0x10A00] =	vst v63  }
0xf3: {  	_ =	swait.ge [sflag:s21], $0x7D00  }
0xf4: {  	[sflag:s21] =	ssyncset.done $0x0  }
0xf5: {  	v8 =	vor.u32 s28, v1;
	[sflag:s21] =	ssyncadd.s32 $0xFFFF8300  }
0xf6: {  	v9 =	vor.u32 s28, v0;
	[tilespmem:s22], [sflag:$0x1] =	stream.indirect.gather [hbm4b:s3+s22], $0x1, s28, s22, $0xb8;
	[tilespmem:$0x10A00] =	vst v63  }
0xf7: {  	_ =	swait.ge [sflag:s23], $0x7D00  }
0xf8: {  	v10 =	vor.u32 s28, v2;
	[sflag:s23] =	ssyncset.done $0x0  }
0xf9: {  	[sflag:s23] =	ssyncadd.s32 $0xFFFF8300  }
0xfa: {  	v11 =	vor.u32 s28, v3;
	v8 =	vld.idx.msk [tilespmem:v8+s22+$0x0], $0xffff  }
0xfb: {  	v9 =	vld.idx.msk [tilespmem:v9+s22+$0x0], $0xffff  }
0xfc: {  	v56 =	vor.u32 s28, v4  }
0xfd: {  	v10 =	vld.idx.msk [tilespmem:v10+s22+$0x0], $0xffff  }
0xfe: {  	v57 =	vor.u32 s28, v5  }
0xff: {  	v11 =	vld.idx.msk [tilespmem:v11+s22+$0x0], $0xffff  }
0x100: {  	v58 =	vor.u32 s28, v6;
	v8 =	vadd.f32 v8, v9  }
0x101: {  	v9 =	vld.idx.msk [tilespmem:v56+s22+$0x0], $0xffff  }
0x102: {  	v59 =	vor.u32 s28, v7;
	v8 =	vadd.f32 v10, v8  }
0x103: {  	v10 =	vld.idx.msk [tilespmem:v57+s22+$0x0], $0xffff  }
0x104: {  	v8 =	vadd.f32 v11, v8  }
0x105: {  	v11 =	vld.idx.msk [tilespmem:v58+s22+$0x0], $0xffff  }
0x106: {  	v8 =	vadd.f32 v9, v8  }
0x107: {  	v9 =	vld.idx.msk [tilespmem:v59+s22+$0x0], $0xffff  }
0x108: {  	v8 =	vadd.f32 v10, v8  }
0x109: {  	s28 =	simm.s32 $0x80  }
0x10a: {  	v10 =	vor.u32 s28, v1;
	v8 =	vadd.f32 v11, v8  }
0x10b: {  	v11 =	vor.u32 s28, v0  }
0x10c: {  	v8 =	vadd.f32 v9, v8  }
0x10d: {  	v9 =	vor.u32 s28, v2  }
0x10e: {  	[tilespmem:s26+$0x0] =	vst v8  }
0x10f: {  	v8 =	vld.idx.msk [tilespmem:v10+s22+$0x0], $0xffff;
	v10 =	vor.u32 s28, v3  }
0x110: {  	v11 =	vld.idx.msk [tilespmem:v11+s22+$0x0], $0xffff;
	_ =	sdelay $0x1  }
0x111: {  	v9 =	vld.idx.msk [tilespmem:v9+s22+$0x0], $0xffff  }
0x112: {  	v60 =	vor.u32 s28, v4  }
0x113: {  	v10 =	vld.idx.msk [tilespmem:v10+s22+$0x0], $0xffff  }
0x114: {  	v61 =	vor.u32 s28, v5;
	v8 =	vadd.f32 v8, v11;
	_ =	sdelay $0x1  }
0x115: {  	v62 =	vor.u32 s28, v6;
	v8 =	vadd.f32 v9, v8  }
0x116: {  	v11 =	vld.idx.msk [tilespmem:v60+s22+$0x0], $0xffff  }
0x117: {  	v8 =	vadd.f32 v10, v8;
	v10 =	vor.u32 s28, v7  }
0x118: {  	v9 =	vld.idx.msk [tilespmem:v61+s22+$0x0], $0xffff;
	_ =	sdelay $0x1  }
0x119: {  	v63 =	vld.idx.msk [tilespmem:v62+s22+$0x0], $0xffff  }
0x11a: {  	v8 =	vadd.f32 v11, v8  }
0x11b: {  	v10 =	vld.idx.msk [tilespmem:v10+s22+$0x0], $0xffff  }
0x11c: {  	v9 =	vadd.f32 v9, v8  }
0x11d: {  	s28 =	simm.s32 $0x100  }
0x11e: {  	v8 =	vor.u32 s28, v1;
	v11 =	vadd.f32 v63, v9  }
0x11f: {  	s29 =	simm.s32 $0x180;
	v9 =	vor.u32 s28, v0  }
.LBB2_6:
0x120: {  	p1 =	sne.s32 s29, $0x7C80;
	v10 =	vadd.f32 v10, v11  }
0x121: {  	v11 =	vor.u32 s28, v2;
	s26 =	sadd.s32 $0x10, s26  }
0x122: {  	[tilespmem:s26+$0x0] =	vst v10  }
0x123: {  	v10 =	vor.u32 s28, v3;
	v8 =	vld.idx.msk [tilespmem:v8+s22+$0x0], $0xffff  }
0x124: {  	v9 =	vld.idx.msk [tilespmem:v9+s22+$0x0], $0xffff  }
0x125: {  	v12 =	vor.u32 s28, v4  }
0x126: {  	v11 =	vld.idx.msk [tilespmem:v11+s22+$0x0], $0xffff  }
0x127: {  	v13 =	vor.u32 s28, v5  }
0x128: {  	v10 =	vld.idx.msk [tilespmem:v10+s22+$0x0], $0xffff  }
0x129: {  	v14 =	vor.u32 s28, v6  }
0x12a: {  	v8 =	vadd.f32 v8, v9;
	v9 =	vld.idx.msk [tilespmem:v12+s22+$0x0], $0xffff  }
0x12b: {  	v12 =	vor.u32 s28, v7;
	s28 =	smov.u32 s29  }
0x12c: {  	v8 =	vadd.f32 v11, v8;
	v11 =	vld.idx.msk [tilespmem:v13+s22+$0x0], $0xffff;
	_ =	sdelay $0x1  }
0x12d: {  	v8 =	vadd.f32 v10, v8;
	v13 =	vld.idx.msk [tilespmem:v14+s22+$0x0], $0xffff;
	_ =	sdelay $0x1  }
0x12e: {  	v8 =	vadd.f32 v9, v8;
	v10 =	vld.idx.msk [tilespmem:v12+s22+$0x0], $0xffff  }
.Ltmp4:
0x12f: {  	(pc) =	sbr.rel @p1 .LBB2_6-.Ltmp4, $3  }
0x130: {  	v9 =	vadd.f32 v11, v8;
	_ =	sdelay $0x1  }
0x131: {  	v8 =	vor.u32 s29, v1;
	v11 =	vadd.f32 v13, v9  }
0x132: {  	s29 =	sadd.s32 $0x80, s29;
	v9 =	vor.u32 s28, v0  }
0x133: {  	_ = 	snop  }
0x134: {  	v10 =	vadd.f32 v10, v11  }
0x135: {  	v11 =	vor.u32 s28, v2;
	s26 =	sadd.s32 $0x10, s26  }
0x136: {  	[tilespmem:s26+$0x0] =	vst v10  }
0x137: {  	v10 =	vor.u32 s28, v3;
	v8 =	vld.idx.msk [tilespmem:v8+s22+$0x0], $0xffff  }
0x138: {  	v9 =	vld.idx.msk [tilespmem:v9+s22+$0x0], $0xffff  }
0x139: {  	v12 =	vor.u32 s28, v4  }
0x13a: {  	v11 =	vld.idx.msk [tilespmem:v11+s22+$0x0], $0xffff  }
0x13b: {  	v13 =	vor.u32 s28, v5  }
0x13c: {  	v10 =	vld.idx.msk [tilespmem:v10+s22+$0x0], $0xffff  }
0x13d: {  	v14 =	vor.u32 s28, v6;
	v8 =	vadd.f32 v8, v9  }
0x13e: {  	v9 =	vld.idx.msk [tilespmem:v12+s22+$0x0], $0xffff  }
0x13f: {  	v55 =	vor.u32 s28, v7;
	v8 =	vadd.f32 v11, v8  }
0x140: {  	v11 =	vld.idx.msk [tilespmem:v13+s22+$0x0], $0xffff  }
0x141: {  	v8 =	vadd.f32 v10, v8  }
0x142: {  	v10 =	vld.idx.msk [tilespmem:v14+s22+$0x0], $0xffff  }
0x143: {  	v8 =	vadd.f32 v9, v8  }
0x144: {  	v9 =	vld.idx.msk [tilespmem:v55+s22+$0x0], $0xffff  }
0x145: {  	v8 =	vadd.f32 v11, v8;
	_ =	sdelay $0x1  }
0x146: {  	v8 =	vadd.f32 v10, v8;
	_ =	sdelay $0x1  }
0x147: {  	v8 =	vadd.f32 v9, v8  }
0x148: {  	s26 =	sadd.s32 $0x10, s26  }
0x149: {  	s28 =	simm.s32 $0x0;
	[tilespmem:s26+$0x0] =	vst v8;
	s26 =	simm.s32 $0xFA00  }
0x14a: {  	[hbm4b:s9+s28] =	stream.linear.scatter [tilespmem:s26], [sflag:$0x2], $0xFA0, $0x38;
	[tilespmem:$0x10A00] =	vst v63  }
0x14b: {  	_ =	swait.ge [sflag:s21], $0xFA0  }
0x14c: {  	[sflag:s21] =	ssyncset.done $0x0  }
0x14d: {  	[sflag:s21] =	ssyncadd.s32 $0xFFFFF060  }
0x14e: {  	[tilespmem:s28], [sflag:$0x2] =	stream.linear.gather [hbm4b:s10+s28], $0x7D00, $0x38;
	[tilespmem:$0x10A00] =	vst v63  }
0x14f: {  	_ =	swait.ge [sflag:s21], $0x7D00  }
0x150: {  	[sflag:s21] =	ssyncset.done $0x0  }
0x151: {  	v8 =	vor.u32 s28, v1;
	[sflag:s21] =	ssyncadd.s32 $0xFFFF8300  }
0x152: {  	v9 =	vor.u32 s28, v0;
	[tilespmem:s22], [sflag:$0x1] =	stream.indirect.gather [hbm4b:s3+s22], $0x1, s28, s22, $0xb8;
	[tilespmem:$0x10A00] =	vst v63  }
0x153: {  	_ =	swait.ge [sflag:s23], $0x7D00  }
0x154: {  	v10 =	vor.u32 s28, v2;
	[sflag:s23] =	ssyncset.done $0x0  }
0x155: {  	[sflag:s23] =	ssyncadd.s32 $0xFFFF8300  }
0x156: {  	v11 =	vor.u32 s28, v3;
	v8 =	vld.idx.msk [tilespmem:v8+s22+$0x0], $0xffff  }
0x157: {  	v9 =	vld.idx.msk [tilespmem:v9+s22+$0x0], $0xffff  }
0x158: {  	v56 =	vor.u32 s28, v4  }
0x159: {  	v10 =	vld.idx.msk [tilespmem:v10+s22+$0x0], $0xffff  }
0x15a: {  	v57 =	vor.u32 s28, v5  }
0x15b: {  	v11 =	vld.idx.msk [tilespmem:v11+s22+$0x0], $0xffff  }
0x15c: {  	v58 =	vor.u32 s28, v6;
	v8 =	vadd.f32 v8, v9  }
0x15d: {  	v9 =	vld.idx.msk [tilespmem:v56+s22+$0x0], $0xffff  }
0x15e: {  	v59 =	vor.u32 s28, v7;
	v8 =	vadd.f32 v10, v8  }
0x15f: {  	v10 =	vld.idx.msk [tilespmem:v57+s22+$0x0], $0xffff  }
0x160: {  	v8 =	vadd.f32 v11, v8  }
0x161: {  	v11 =	vld.idx.msk [tilespmem:v58+s22+$0x0], $0xffff  }
0x162: {  	v8 =	vadd.f32 v9, v8  }
0x163: {  	v9 =	vld.idx.msk [tilespmem:v59+s22+$0x0], $0xffff  }
0x164: {  	v8 =	vadd.f32 v10, v8  }
0x165: {  	s28 =	simm.s32 $0x80  }
0x166: {  	v10 =	vor.u32 s28, v1;
	v8 =	vadd.f32 v11, v8  }
0x167: {  	v11 =	vor.u32 s28, v0  }
0x168: {  	v8 =	vadd.f32 v9, v8  }
0x169: {  	v9 =	vor.u32 s28, v2  }
0x16a: {  	[tilespmem:s26+$0x0] =	vst v8  }
0x16b: {  	v8 =	vld.idx.msk [tilespmem:v10+s22+$0x0], $0xffff;
	v10 =	vor.u32 s28, v3  }
0x16c: {  	v11 =	vld.idx.msk [tilespmem:v11+s22+$0x0], $0xffff;
	_ =	sdelay $0x1  }
0x16d: {  	v9 =	vld.idx.msk [tilespmem:v9+s22+$0x0], $0xffff  }
0x16e: {  	v60 =	vor.u32 s28, v4  }
0x16f: {  	v10 =	vld.idx.msk [tilespmem:v10+s22+$0x0], $0xffff  }
0x170: {  	v61 =	vor.u32 s28, v5;
	v8 =	vadd.f32 v8, v11;
	_ =	sdelay $0x1  }
0x171: {  	v62 =	vor.u32 s28, v6;
	v8 =	vadd.f32 v9, v8  }
0x172: {  	v11 =	vld.idx.msk [tilespmem:v60+s22+$0x0], $0xffff  }
0x173: {  	v8 =	vadd.f32 v10, v8;
	v10 =	vor.u32 s28, v7  }
0x174: {  	v9 =	vld.idx.msk [tilespmem:v61+s22+$0x0], $0xffff;
	_ =	sdelay $0x1  }
0x175: {  	v63 =	vld.idx.msk [tilespmem:v62+s22+$0x0], $0xffff  }
0x176: {  	v8 =	vadd.f32 v11, v8  }
0x177: {  	v10 =	vld.idx.msk [tilespmem:v10+s22+$0x0], $0xffff  }
0x178: {  	v9 =	vadd.f32 v9, v8  }
0x179: {  	s28 =	simm.s32 $0x100  }
0x17a: {  	v8 =	vor.u32 s28, v1;
	v11 =	vadd.f32 v63, v9  }
0x17b: {  	s29 =	simm.s32 $0x180;
	v9 =	vor.u32 s28, v0  }
.LBB2_8:
0x17c: {  	p1 =	sne.s32 s29, $0x7C80;
	v10 =	vadd.f32 v10, v11  }
0x17d: {  	v11 =	vor.u32 s28, v2;
	s26 =	sadd.s32 $0x10, s26  }
0x17e: {  	[tilespmem:s26+$0x0] =	vst v10  }
0x17f: {  	v10 =	vor.u32 s28, v3;
	v8 =	vld.idx.msk [tilespmem:v8+s22+$0x0], $0xffff  }
0x180: {  	v9 =	vld.idx.msk [tilespmem:v9+s22+$0x0], $0xffff  }
0x181: {  	v12 =	vor.u32 s28, v4  }
0x182: {  	v11 =	vld.idx.msk [tilespmem:v11+s22+$0x0], $0xffff  }
0x183: {  	v13 =	vor.u32 s28, v5  }
0x184: {  	v10 =	vld.idx.msk [tilespmem:v10+s22+$0x0], $0xffff  }
0x185: {  	v14 =	vor.u32 s28, v6  }
0x186: {  	v8 =	vadd.f32 v8, v9;
	v9 =	vld.idx.msk [tilespmem:v12+s22+$0x0], $0xffff  }
0x187: {  	v12 =	vor.u32 s28, v7;
	s28 =	smov.u32 s29  }
0x188: {  	v8 =	vadd.f32 v11, v8;
	v11 =	vld.idx.msk [tilespmem:v13+s22+$0x0], $0xffff;
	_ =	sdelay $0x1  }
0x189: {  	v8 =	vadd.f32 v10, v8;
	v13 =	vld.idx.msk [tilespmem:v14+s22+$0x0], $0xffff;
	_ =	sdelay $0x1  }
0x18a: {  	v8 =	vadd.f32 v9, v8;
	v10 =	vld.idx.msk [tilespmem:v12+s22+$0x0], $0xffff  }
.Ltmp5:
0x18b: {  	(pc) =	sbr.rel @p1 .LBB2_8-.Ltmp5, $3  }
0x18c: {  	v9 =	vadd.f32 v11, v8;
	_ =	sdelay $0x1  }
0x18d: {  	v8 =	vor.u32 s29, v1;
	v11 =	vadd.f32 v13, v9  }
0x18e: {  	s29 =	sadd.s32 $0x80, s29;
	v9 =	vor.u32 s28, v0  }
0x18f: {  	_ = 	snop  }
0x190: {  	v10 =	vadd.f32 v10, v11  }
0x191: {  	v11 =	vor.u32 s28, v2;
	s26 =	sadd.s32 $0x10, s26  }
0x192: {  	[tilespmem:s26+$0x0] =	vst v10  }
0x193: {  	v10 =	vor.u32 s28, v3;
	v8 =	vld.idx.msk [tilespmem:v8+s22+$0x0], $0xffff  }
0x194: {  	v9 =	vld.idx.msk [tilespmem:v9+s22+$0x0], $0xffff  }
0x195: {  	v12 =	vor.u32 s28, v4  }
0x196: {  	v11 =	vld.idx.msk [tilespmem:v11+s22+$0x0], $0xffff  }
0x197: {  	v13 =	vor.u32 s28, v5  }
0x198: {  	v10 =	vld.idx.msk [tilespmem:v10+s22+$0x0], $0xffff  }
0x199: {  	v14 =	vor.u32 s28, v6;
	v8 =	vadd.f32 v8, v9  }
0x19a: {  	v9 =	vld.idx.msk [tilespmem:v12+s22+$0x0], $0xffff  }
0x19b: {  	v55 =	vor.u32 s28, v7;
	v8 =	vadd.f32 v11, v8  }
0x19c: {  	v11 =	vld.idx.msk [tilespmem:v13+s22+$0x0], $0xffff  }
0x19d: {  	v8 =	vadd.f32 v10, v8  }
0x19e: {  	v10 =	vld.idx.msk [tilespmem:v14+s22+$0x0], $0xffff  }
0x19f: {  	v8 =	vadd.f32 v9, v8  }
0x1a0: {  	v9 =	vld.idx.msk [tilespmem:v55+s22+$0x0], $0xffff  }
0x1a1: {  	v8 =	vadd.f32 v11, v8;
	_ =	sdelay $0x1  }
0x1a2: {  	v8 =	vadd.f32 v10, v8;
	_ =	sdelay $0x1  }
0x1a3: {  	v8 =	vadd.f32 v9, v8  }
0x1a4: {  	s26 =	sadd.s32 $0x10, s26  }
0x1a5: {  	s28 =	simm.s32 $0x0;
	[tilespmem:s26+$0x0] =	vst v8;
	s26 =	simm.s32 $0xFA00  }
0x1a6: {  	[hbm4b:s11+s28] =	stream.linear.scatter [tilespmem:s26], [sflag:$0x2], $0xFA0, $0x38;
	[tilespmem:$0x10A00] =	vst v63  }
0x1a7: {  	_ =	swait.ge [sflag:s21], $0xFA0  }
0x1a8: {  	[sflag:s21] =	ssyncset.done $0x0  }
0x1a9: {  	[sflag:s21] =	ssyncadd.s32 $0xFFFFF060  }
0x1aa: {  	[tilespmem:s28], [sflag:$0x2] =	stream.linear.gather [hbm4b:s12+s28], $0x7D00, $0x38;
	[tilespmem:$0x10A00] =	vst v63  }
0x1ab: {  	_ =	swait.ge [sflag:s21], $0x7D00  }
0x1ac: {  	[sflag:s21] =	ssyncset.done $0x0  }
0x1ad: {  	v8 =	vor.u32 s28, v1;
	[sflag:s21] =	ssyncadd.s32 $0xFFFF8300  }
0x1ae: {  	v9 =	vor.u32 s28, v0;
	[tilespmem:s22], [sflag:$0x1] =	stream.indirect.gather [hbm4b:s3+s22], $0x1, s28, s22, $0xb8;
	[tilespmem:$0x10A00] =	vst v63  }
0x1af: {  	_ =	swait.ge [sflag:s23], $0x7D00  }
0x1b0: {  	v10 =	vor.u32 s28, v2;
	[sflag:s23] =	ssyncset.done $0x0  }
0x1b1: {  	[sflag:s23] =	ssyncadd.s32 $0xFFFF8300  }
0x1b2: {  	v11 =	vor.u32 s28, v3;
	v8 =	vld.idx.msk [tilespmem:v8+s22+$0x0], $0xffff  }
0x1b3: {  	v9 =	vld.idx.msk [tilespmem:v9+s22+$0x0], $0xffff  }
0x1b4: {  	v56 =	vor.u32 s28, v4  }
0x1b5: {  	v10 =	vld.idx.msk [tilespmem:v10+s22+$0x0], $0xffff  }
0x1b6: {  	v57 =	vor.u32 s28, v5  }
0x1b7: {  	v11 =	vld.idx.msk [tilespmem:v11+s22+$0x0], $0xffff  }
0x1b8: {  	v58 =	vor.u32 s28, v6;
	v8 =	vadd.f32 v8, v9  }
0x1b9: {  	v9 =	vld.idx.msk [tilespmem:v56+s22+$0x0], $0xffff  }
0x1ba: {  	v59 =	vor.u32 s28, v7;
	v8 =	vadd.f32 v10, v8  }
0x1bb: {  	v10 =	vld.idx.msk [tilespmem:v57+s22+$0x0], $0xffff  }
0x1bc: {  	v8 =	vadd.f32 v11, v8  }
0x1bd: {  	v11 =	vld.idx.msk [tilespmem:v58+s22+$0x0], $0xffff  }
0x1be: {  	v8 =	vadd.f32 v9, v8  }
0x1bf: {  	v9 =	vld.idx.msk [tilespmem:v59+s22+$0x0], $0xffff  }
0x1c0: {  	v8 =	vadd.f32 v10, v8  }
0x1c1: {  	s28 =	simm.s32 $0x80  }
0x1c2: {  	v10 =	vor.u32 s28, v1;
	v8 =	vadd.f32 v11, v8  }
0x1c3: {  	v11 =	vor.u32 s28, v0  }
0x1c4: {  	v8 =	vadd.f32 v9, v8  }
0x1c5: {  	v9 =	vor.u32 s28, v2  }
0x1c6: {  	[tilespmem:s26+$0x0] =	vst v8  }
0x1c7: {  	v8 =	vld.idx.msk [tilespmem:v10+s22+$0x0], $0xffff;
	v10 =	vor.u32 s28, v3  }
0x1c8: {  	v11 =	vld.idx.msk [tilespmem:v11+s22+$0x0], $0xffff;
	_ =	sdelay $0x1  }
0x1c9: {  	v9 =	vld.idx.msk [tilespmem:v9+s22+$0x0], $0xffff  }
0x1ca: {  	v60 =	vor.u32 s28, v4  }
0x1cb: {  	v10 =	vld.idx.msk [tilespmem:v10+s22+$0x0], $0xffff  }
0x1cc: {  	v61 =	vor.u32 s28, v5;
	v8 =	vadd.f32 v8, v11;
	_ =	sdelay $0x1  }
0x1cd: {  	v62 =	vor.u32 s28, v6;
	v8 =	vadd.f32 v9, v8  }
0x1ce: {  	v11 =	vld.idx.msk [tilespmem:v60+s22+$0x0], $0xffff  }
0x1cf: {  	v8 =	vadd.f32 v10, v8;
	v10 =	vor.u32 s28, v7  }
0x1d0: {  	v9 =	vld.idx.msk [tilespmem:v61+s22+$0x0], $0xffff;
	_ =	sdelay $0x1  }
0x1d1: {  	v63 =	vld.idx.msk [tilespmem:v62+s22+$0x0], $0xffff  }
0x1d2: {  	v8 =	vadd.f32 v11, v8  }
0x1d3: {  	v10 =	vld.idx.msk [tilespmem:v10+s22+$0x0], $0xffff  }
0x1d4: {  	v9 =	vadd.f32 v9, v8  }
0x1d5: {  	s28 =	simm.s32 $0x100  }
0x1d6: {  	v8 =	vor.u32 s28, v1;
	v11 =	vadd.f32 v63, v9  }
0x1d7: {  	s29 =	simm.s32 $0x180;
	v9 =	vor.u32 s28, v0  }
.LBB2_10:
0x1d8: {  	p1 =	sne.s32 s29, $0x7C80;
	v10 =	vadd.f32 v10, v11  }
0x1d9: {  	v11 =	vor.u32 s28, v2;
	s26 =	sadd.s32 $0x10, s26  }
0x1da: {  	[tilespmem:s26+$0x0] =	vst v10  }
0x1db: {  	v10 =	vor.u32 s28, v3;
	v8 =	vld.idx.msk [tilespmem:v8+s22+$0x0], $0xffff  }
0x1dc: {  	v9 =	vld.idx.msk [tilespmem:v9+s22+$0x0], $0xffff  }
0x1dd: {  	v12 =	vor.u32 s28, v4  }
0x1de: {  	v11 =	vld.idx.msk [tilespmem:v11+s22+$0x0], $0xffff  }
0x1df: {  	v13 =	vor.u32 s28, v5  }
0x1e0: {  	v10 =	vld.idx.msk [tilespmem:v10+s22+$0x0], $0xffff  }
0x1e1: {  	v14 =	vor.u32 s28, v6  }
0x1e2: {  	v8 =	vadd.f32 v8, v9;
	v9 =	vld.idx.msk [tilespmem:v12+s22+$0x0], $0xffff  }
0x1e3: {  	v12 =	vor.u32 s28, v7;
	s28 =	smov.u32 s29  }
0x1e4: {  	v8 =	vadd.f32 v11, v8;
	v11 =	vld.idx.msk [tilespmem:v13+s22+$0x0], $0xffff;
	_ =	sdelay $0x1  }
0x1e5: {  	v8 =	vadd.f32 v10, v8;
	v13 =	vld.idx.msk [tilespmem:v14+s22+$0x0], $0xffff;
	_ =	sdelay $0x1  }
0x1e6: {  	v8 =	vadd.f32 v9, v8;
	v10 =	vld.idx.msk [tilespmem:v12+s22+$0x0], $0xffff  }
.Ltmp6:
0x1e7: {  	(pc) =	sbr.rel @p1 .LBB2_10-.Ltmp6, $3  }
0x1e8: {  	v9 =	vadd.f32 v11, v8;
	_ =	sdelay $0x1  }
0x1e9: {  	v8 =	vor.u32 s29, v1;
	v11 =	vadd.f32 v13, v9  }
0x1ea: {  	s29 =	sadd.s32 $0x80, s29;
	v9 =	vor.u32 s28, v0  }
0x1eb: {  	_ = 	snop  }
0x1ec: {  	v10 =	vadd.f32 v10, v11  }
0x1ed: {  	v11 =	vor.u32 s28, v2;
	s26 =	sadd.s32 $0x10, s26  }
0x1ee: {  	[tilespmem:s26+$0x0] =	vst v10  }
0x1ef: {  	v10 =	vor.u32 s28, v3;
	v8 =	vld.idx.msk [tilespmem:v8+s22+$0x0], $0xffff  }
0x1f0: {  	v9 =	vld.idx.msk [tilespmem:v9+s22+$0x0], $0xffff  }
0x1f1: {  	v12 =	vor.u32 s28, v4  }
0x1f2: {  	v11 =	vld.idx.msk [tilespmem:v11+s22+$0x0], $0xffff  }
0x1f3: {  	v13 =	vor.u32 s28, v5  }
0x1f4: {  	v10 =	vld.idx.msk [tilespmem:v10+s22+$0x0], $0xffff  }
0x1f5: {  	v14 =	vor.u32 s28, v6;
	v8 =	vadd.f32 v8, v9  }
0x1f6: {  	v9 =	vld.idx.msk [tilespmem:v12+s22+$0x0], $0xffff  }
0x1f7: {  	v55 =	vor.u32 s28, v7;
	v8 =	vadd.f32 v11, v8  }
0x1f8: {  	v11 =	vld.idx.msk [tilespmem:v13+s22+$0x0], $0xffff  }
0x1f9: {  	v8 =	vadd.f32 v10, v8  }
0x1fa: {  	v10 =	vld.idx.msk [tilespmem:v14+s22+$0x0], $0xffff  }
0x1fb: {  	v8 =	vadd.f32 v9, v8  }
0x1fc: {  	v9 =	vld.idx.msk [tilespmem:v55+s22+$0x0], $0xffff  }
0x1fd: {  	v8 =	vadd.f32 v11, v8;
	_ =	sdelay $0x1  }
0x1fe: {  	v8 =	vadd.f32 v10, v8;
	_ =	sdelay $0x1  }
0x1ff: {  	v8 =	vadd.f32 v9, v8  }
0x200: {  	s26 =	sadd.s32 $0x10, s26  }
0x201: {  	s28 =	simm.s32 $0x0;
	[tilespmem:s26+$0x0] =	vst v8;
	s26 =	simm.s32 $0xFA00  }
0x202: {  	[hbm4b:s13+s28] =	stream.linear.scatter [tilespmem:s26], [sflag:$0x2], $0xFA0, $0x38;
	[tilespmem:$0x10A00] =	vst v63  }
0x203: {  	_ =	swait.ge [sflag:s21], $0xFA0  }
0x204: {  	[sflag:s21] =	ssyncset.done $0x0  }
0x205: {  	[sflag:s21] =	ssyncadd.s32 $0xFFFFF060  }
0x206: {  	[tilespmem:s28], [sflag:$0x2] =	stream.linear.gather [hbm4b:s14+s28], $0x7D00, $0x38;
	[tilespmem:$0x10A00] =	vst v63  }
0x207: {  	_ =	swait.ge [sflag:s21], $0x7D00  }
0x208: {  	[sflag:s21] =	ssyncset.done $0x0  }
0x209: {  	v8 =	vor.u32 s28, v1;
	[sflag:s21] =	ssyncadd.s32 $0xFFFF8300  }
0x20a: {  	v9 =	vor.u32 s28, v0;
	[tilespmem:s22], [sflag:$0x1] =	stream.indirect.gather [hbm4b:s3+s22], $0x1, s28, s22, $0xb8;
	[tilespmem:$0x10A00] =	vst v63  }
0x20b: {  	_ =	swait.ge [sflag:s23], $0x7D00  }
0x20c: {  	v10 =	vor.u32 s28, v2;
	[sflag:s23] =	ssyncset.done $0x0  }
0x20d: {  	[sflag:s23] =	ssyncadd.s32 $0xFFFF8300  }
0x20e: {  	v11 =	vor.u32 s28, v3;
	v8 =	vld.idx.msk [tilespmem:v8+s22+$0x0], $0xffff  }
0x20f: {  	v9 =	vld.idx.msk [tilespmem:v9+s22+$0x0], $0xffff  }
0x210: {  	v56 =	vor.u32 s28, v4  }
0x211: {  	v10 =	vld.idx.msk [tilespmem:v10+s22+$0x0], $0xffff  }
0x212: {  	v57 =	vor.u32 s28, v5  }
0x213: {  	v11 =	vld.idx.msk [tilespmem:v11+s22+$0x0], $0xffff  }
0x214: {  	v58 =	vor.u32 s28, v6;
	v8 =	vadd.f32 v8, v9  }
0x215: {  	v9 =	vld.idx.msk [tilespmem:v56+s22+$0x0], $0xffff  }
0x216: {  	v59 =	vor.u32 s28, v7;
	v8 =	vadd.f32 v10, v8  }
0x217: {  	v10 =	vld.idx.msk [tilespmem:v57+s22+$0x0], $0xffff  }
0x218: {  	v8 =	vadd.f32 v11, v8  }
0x219: {  	v11 =	vld.idx.msk [tilespmem:v58+s22+$0x0], $0xffff  }
0x21a: {  	v8 =	vadd.f32 v9, v8  }
0x21b: {  	v9 =	vld.idx.msk [tilespmem:v59+s22+$0x0], $0xffff  }
0x21c: {  	v8 =	vadd.f32 v10, v8  }
0x21d: {  	s28 =	simm.s32 $0x80  }
0x21e: {  	v10 =	vor.u32 s28, v1;
	v8 =	vadd.f32 v11, v8  }
0x21f: {  	v11 =	vor.u32 s28, v0  }
0x220: {  	v8 =	vadd.f32 v9, v8  }
0x221: {  	v9 =	vor.u32 s28, v2  }
0x222: {  	[tilespmem:s26+$0x0] =	vst v8  }
0x223: {  	v8 =	vld.idx.msk [tilespmem:v10+s22+$0x0], $0xffff;
	v10 =	vor.u32 s28, v3  }
0x224: {  	v11 =	vld.idx.msk [tilespmem:v11+s22+$0x0], $0xffff;
	_ =	sdelay $0x1  }
0x225: {  	v9 =	vld.idx.msk [tilespmem:v9+s22+$0x0], $0xffff  }
0x226: {  	v60 =	vor.u32 s28, v4  }
0x227: {  	v10 =	vld.idx.msk [tilespmem:v10+s22+$0x0], $0xffff  }
0x228: {  	v61 =	vor.u32 s28, v5;
	v8 =	vadd.f32 v8, v11;
	_ =	sdelay $0x1  }
0x229: {  	v62 =	vor.u32 s28, v6;
	v8 =	vadd.f32 v9, v8  }
0x22a: {  	v11 =	vld.idx.msk [tilespmem:v60+s22+$0x0], $0xffff  }
0x22b: {  	v8 =	vadd.f32 v10, v8;
	v10 =	vor.u32 s28, v7  }
0x22c: {  	v9 =	vld.idx.msk [tilespmem:v61+s22+$0x0], $0xffff;
	_ =	sdelay $0x1  }
0x22d: {  	v63 =	vld.idx.msk [tilespmem:v62+s22+$0x0], $0xffff  }
0x22e: {  	v8 =	vadd.f32 v11, v8  }
0x22f: {  	v10 =	vld.idx.msk [tilespmem:v10+s22+$0x0], $0xffff  }
0x230: {  	v9 =	vadd.f32 v9, v8  }
0x231: {  	s28 =	simm.s32 $0x100  }
0x232: {  	v8 =	vor.u32 s28, v1;
	v11 =	vadd.f32 v63, v9  }
0x233: {  	s29 =	simm.s32 $0x180;
	v9 =	vor.u32 s28, v0  }
.LBB2_12:
0x234: {  	p1 =	sne.s32 s29, $0x7C80;
	v10 =	vadd.f32 v10, v11  }
0x235: {  	v11 =	vor.u32 s28, v2;
	s26 =	sadd.s32 $0x10, s26  }
0x236: {  	[tilespmem:s26+$0x0] =	vst v10  }
0x237: {  	v10 =	vor.u32 s28, v3;
	v8 =	vld.idx.msk [tilespmem:v8+s22+$0x0], $0xffff  }
0x238: {  	v9 =	vld.idx.msk [tilespmem:v9+s22+$0x0], $0xffff  }
0x239: {  	v12 =	vor.u32 s28, v4  }
0x23a: {  	v11 =	vld.idx.msk [tilespmem:v11+s22+$0x0], $0xffff  }
0x23b: {  	v13 =	vor.u32 s28, v5  }
0x23c: {  	v10 =	vld.idx.msk [tilespmem:v10+s22+$0x0], $0xffff  }
0x23d: {  	v14 =	vor.u32 s28, v6  }
0x23e: {  	v8 =	vadd.f32 v8, v9;
	v9 =	vld.idx.msk [tilespmem:v12+s22+$0x0], $0xffff  }
0x23f: {  	v12 =	vor.u32 s28, v7;
	s28 =	smov.u32 s29  }
0x240: {  	v8 =	vadd.f32 v11, v8;
	v11 =	vld.idx.msk [tilespmem:v13+s22+$0x0], $0xffff;
	_ =	sdelay $0x1  }
0x241: {  	v8 =	vadd.f32 v10, v8;
	v13 =	vld.idx.msk [tilespmem:v14+s22+$0x0], $0xffff;
	_ =	sdelay $0x1  }
0x242: {  	v8 =	vadd.f32 v9, v8;
	v10 =	vld.idx.msk [tilespmem:v12+s22+$0x0], $0xffff  }
.Ltmp7:
0x243: {  	(pc) =	sbr.rel @p1 .LBB2_12-.Ltmp7, $3  }
0x244: {  	v9 =	vadd.f32 v11, v8;
	_ =	sdelay $0x1  }
0x245: {  	v8 =	vor.u32 s29, v1;
	v11 =	vadd.f32 v13, v9  }
0x246: {  	s29 =	sadd.s32 $0x80, s29;
	v9 =	vor.u32 s28, v0  }
0x247: {  	_ = 	snop  }
0x248: {  	v10 =	vadd.f32 v10, v11  }
0x249: {  	v11 =	vor.u32 s28, v2;
	s26 =	sadd.s32 $0x10, s26  }
0x24a: {  	[tilespmem:s26+$0x0] =	vst v10  }
0x24b: {  	v10 =	vor.u32 s28, v3;
	v8 =	vld.idx.msk [tilespmem:v8+s22+$0x0], $0xffff  }
0x24c: {  	v9 =	vld.idx.msk [tilespmem:v9+s22+$0x0], $0xffff  }
0x24d: {  	v12 =	vor.u32 s28, v4  }
0x24e: {  	v11 =	vld.idx.msk [tilespmem:v11+s22+$0x0], $0xffff  }
0x24f: {  	v13 =	vor.u32 s28, v5  }
0x250: {  	v10 =	vld.idx.msk [tilespmem:v10+s22+$0x0], $0xffff  }
0x251: {  	v14 =	vor.u32 s28, v6;
	v8 =	vadd.f32 v8, v9  }
0x252: {  	v9 =	vld.idx.msk [tilespmem:v12+s22+$0x0], $0xffff  }
0x253: {  	v55 =	vor.u32 s28, v7;
	v8 =	vadd.f32 v11, v8  }
0x254: {  	v11 =	vld.idx.msk [tilespmem:v13+s22+$0x0], $0xffff  }
0x255: {  	v8 =	vadd.f32 v10, v8  }
0x256: {  	v10 =	vld.idx.msk [tilespmem:v14+s22+$0x0], $0xffff  }
0x257: {  	v8 =	vadd.f32 v9, v8  }
0x258: {  	v9 =	vld.idx.msk [tilespmem:v55+s22+$0x0], $0xffff  }
0x259: {  	v8 =	vadd.f32 v11, v8;
	_ =	sdelay $0x1  }
0x25a: {  	v8 =	vadd.f32 v10, v8;
	_ =	sdelay $0x1  }
0x25b: {  	v8 =	vadd.f32 v9, v8  }
0x25c: {  	s26 =	sadd.s32 $0x10, s26  }
0x25d: {  	s28 =	simm.s32 $0x0;
	[tilespmem:s26+$0x0] =	vst v8;
	s26 =	simm.s32 $0xFA00  }
0x25e: {  	[hbm4b:s15+s28] =	stream.linear.scatter [tilespmem:s26], [sflag:$0x2], $0xFA0, $0x38;
	[tilespmem:$0x10A00] =	vst v63  }
0x25f: {  	_ =	swait.ge [sflag:s21], $0xFA0  }
0x260: {  	[sflag:s21] =	ssyncset.done $0x0  }
0x261: {  	[sflag:s21] =	ssyncadd.s32 $0xFFFFF060  }
0x262: {  	[tilespmem:s28], [sflag:$0x2] =	stream.linear.gather [hbm4b:s16+s28], $0x7D00, $0x38;
	[tilespmem:$0x10A00] =	vst v63  }
0x263: {  	_ =	swait.ge [sflag:s21], $0x7D00  }
0x264: {  	[sflag:s21] =	ssyncset.done $0x0  }
0x265: {  	v8 =	vor.u32 s28, v1;
	[sflag:s21] =	ssyncadd.s32 $0xFFFF8300  }
0x266: {  	v9 =	vor.u32 s28, v0;
	[tilespmem:s22], [sflag:$0x1] =	stream.indirect.gather [hbm4b:s3+s22], $0x1, s28, s22, $0xb8;
	[tilespmem:$0x10A00] =	vst v63  }
0x267: {  	_ =	swait.ge [sflag:s23], $0x7D00  }
0x268: {  	v10 =	vor.u32 s28, v2;
	[sflag:s23] =	ssyncset.done $0x0  }
0x269: {  	[sflag:s23] =	ssyncadd.s32 $0xFFFF8300  }
0x26a: {  	v11 =	vor.u32 s28, v3;
	v8 =	vld.idx.msk [tilespmem:v8+s22+$0x0], $0xffff  }
0x26b: {  	v9 =	vld.idx.msk [tilespmem:v9+s22+$0x0], $0xffff  }
0x26c: {  	v56 =	vor.u32 s28, v4  }
0x26d: {  	v10 =	vld.idx.msk [tilespmem:v10+s22+$0x0], $0xffff  }
0x26e: {  	v57 =	vor.u32 s28, v5  }
0x26f: {  	v11 =	vld.idx.msk [tilespmem:v11+s22+$0x0], $0xffff  }
0x270: {  	v58 =	vor.u32 s28, v6;
	v8 =	vadd.f32 v8, v9  }
0x271: {  	v9 =	vld.idx.msk [tilespmem:v56+s22+$0x0], $0xffff  }
0x272: {  	v59 =	vor.u32 s28, v7;
	v8 =	vadd.f32 v10, v8  }
0x273: {  	v10 =	vld.idx.msk [tilespmem:v57+s22+$0x0], $0xffff  }
0x274: {  	v8 =	vadd.f32 v11, v8  }
0x275: {  	v11 =	vld.idx.msk [tilespmem:v58+s22+$0x0], $0xffff  }
0x276: {  	v8 =	vadd.f32 v9, v8  }
0x277: {  	v9 =	vld.idx.msk [tilespmem:v59+s22+$0x0], $0xffff  }
0x278: {  	v8 =	vadd.f32 v10, v8  }
0x279: {  	s28 =	simm.s32 $0x80  }
0x27a: {  	v10 =	vor.u32 s28, v1;
	v8 =	vadd.f32 v11, v8  }
0x27b: {  	v11 =	vor.u32 s28, v0  }
0x27c: {  	v8 =	vadd.f32 v9, v8  }
0x27d: {  	v9 =	vor.u32 s28, v2  }
0x27e: {  	[tilespmem:s26+$0x0] =	vst v8  }
0x27f: {  	v8 =	vld.idx.msk [tilespmem:v10+s22+$0x0], $0xffff;
	v10 =	vor.u32 s28, v3  }
0x280: {  	v11 =	vld.idx.msk [tilespmem:v11+s22+$0x0], $0xffff;
	_ =	sdelay $0x1  }
0x281: {  	v9 =	vld.idx.msk [tilespmem:v9+s22+$0x0], $0xffff  }
0x282: {  	v60 =	vor.u32 s28, v4  }
0x283: {  	v10 =	vld.idx.msk [tilespmem:v10+s22+$0x0], $0xffff  }
0x284: {  	v61 =	vor.u32 s28, v5;
	v8 =	vadd.f32 v8, v11;
	_ =	sdelay $0x1  }
0x285: {  	v62 =	vor.u32 s28, v6;
	v8 =	vadd.f32 v9, v8  }
0x286: {  	v11 =	vld.idx.msk [tilespmem:v60+s22+$0x0], $0xffff  }
0x287: {  	v8 =	vadd.f32 v10, v8;
	v10 =	vor.u32 s28, v7  }
0x288: {  	v9 =	vld.idx.msk [tilespmem:v61+s22+$0x0], $0xffff;
	_ =	sdelay $0x1  }
0x289: {  	v63 =	vld.idx.msk [tilespmem:v62+s22+$0x0], $0xffff  }
0x28a: {  	v8 =	vadd.f32 v11, v8  }
0x28b: {  	v10 =	vld.idx.msk [tilespmem:v10+s22+$0x0], $0xffff  }
0x28c: {  	v9 =	vadd.f32 v9, v8  }
0x28d: {  	s28 =	simm.s32 $0x100  }
0x28e: {  	v8 =	vor.u32 s28, v1;
	v11 =	vadd.f32 v63, v9  }
0x28f: {  	s29 =	simm.s32 $0x180;
	v9 =	vor.u32 s28, v0  }
.LBB2_14:
0x290: {  	p1 =	sne.s32 s29, $0x7C80;
	v10 =	vadd.f32 v10, v11  }
0x291: {  	v11 =	vor.u32 s28, v2;
	s26 =	sadd.s32 $0x10, s26  }
0x292: {  	[tilespmem:s26+$0x0] =	vst v10  }
0x293: {  	v10 =	vor.u32 s28, v3;
	v8 =	vld.idx.msk [tilespmem:v8+s22+$0x0], $0xffff  }
0x294: {  	v9 =	vld.idx.msk [tilespmem:v9+s22+$0x0], $0xffff  }
0x295: {  	v12 =	vor.u32 s28, v4  }
0x296: {  	v11 =	vld.idx.msk [tilespmem:v11+s22+$0x0], $0xffff  }
0x297: {  	v13 =	vor.u32 s28, v5  }
0x298: {  	v10 =	vld.idx.msk [tilespmem:v10+s22+$0x0], $0xffff  }
0x299: {  	v14 =	vor.u32 s28, v6  }
0x29a: {  	v8 =	vadd.f32 v8, v9;
	v9 =	vld.idx.msk [tilespmem:v12+s22+$0x0], $0xffff  }
0x29b: {  	v12 =	vor.u32 s28, v7;
	s28 =	smov.u32 s29  }
0x29c: {  	v8 =	vadd.f32 v11, v8;
	v11 =	vld.idx.msk [tilespmem:v13+s22+$0x0], $0xffff;
	_ =	sdelay $0x1  }
0x29d: {  	v8 =	vadd.f32 v10, v8;
	v13 =	vld.idx.msk [tilespmem:v14+s22+$0x0], $0xffff;
	_ =	sdelay $0x1  }
0x29e: {  	v8 =	vadd.f32 v9, v8;
	v10 =	vld.idx.msk [tilespmem:v12+s22+$0x0], $0xffff  }
.Ltmp8:
0x29f: {  	(pc) =	sbr.rel @p1 .LBB2_14-.Ltmp8, $3  }
0x2a0: {  	v9 =	vadd.f32 v11, v8;
	_ =	sdelay $0x1  }
0x2a1: {  	v8 =	vor.u32 s29, v1;
	v11 =	vadd.f32 v13, v9  }
0x2a2: {  	s29 =	sadd.s32 $0x80, s29;
	v9 =	vor.u32 s28, v0  }
0x2a3: {  	_ = 	snop  }
0x2a4: {  	v10 =	vadd.f32 v10, v11  }
0x2a5: {  	v57 =	vor.u32 s28, v2;
	s26 =	sadd.s32 $0x10, s26  }
0x2a6: {  	[tilespmem:s26+$0x0] =	vst v10  }
0x2a7: {  	v58 =	vor.u32 s28, v3;
	v8 =	vld.idx.msk [tilespmem:v8+s22+$0x0], $0xffff  }
0x2a8: {  	v9 =	vld.idx.msk [tilespmem:v9+s22+$0x0], $0xffff  }
0x2a9: {  	v12 =	vor.u32 s28, v4  }
0x2aa: {  	v11 =	vld.idx.msk [tilespmem:v57+s22+$0x0], $0xffff  }
0x2ab: {  	v13 =	vor.u32 s28, v5  }
0x2ac: {  	v10 =	vld.idx.msk [tilespmem:v58+s22+$0x0], $0xffff  }
0x2ad: {  	v14 =	vor.u32 s28, v6;
	v8 =	vadd.f32 v8, v9  }
0x2ae: {  	v59 =	vld.idx.msk [tilespmem:v12+s22+$0x0], $0xffff  }
0x2af: {  	v60 =	vor.u32 s28, v7;
	v8 =	vadd.f32 v11, v8  }
0x2b0: {  	v61 =	vld.idx.msk [tilespmem:v13+s22+$0x0], $0xffff  }
0x2b1: {  	v8 =	vadd.f32 v10, v8  }
0x2b2: {  	v62 =	vld.idx.msk [tilespmem:v14+s22+$0x0], $0xffff  }
0x2b3: {  	v8 =	vadd.f32 v59, v8  }
0x2b4: {  	v63 =	vld.idx.msk [tilespmem:v60+s22+$0x0], $0xffff  }
0x2b5: {  	v8 =	vadd.f32 v61, v8;
	_ =	sdelay $0x1  }
0x2b6: {  	v8 =	vadd.f32 v62, v8;
	_ =	sdelay $0x1  }
0x2b7: {  	v8 =	vadd.f32 v63, v8  }
0x2b8: {  	s26 =	sadd.s32 $0x10, s26  }
.Ltmp9:
0x2b9: {  	[tilespmem:s26+$0x0] =	vst v8;
	(pc) =	sbr.rel @p0 .LBB2_19-.Ltmp9, $4  }
0x2ba: {  	[hbm4b:s17+s2] =	stream.linear.scatter [tilespmem:s24], [sflag:$0x2], $0xFA0, $0x38;
	[tilespmem:$0x10A00] =	vst v63  }
0x2bb: {  	_ =	swait.ge [sflag:s21], $0xFA0  }
0x2bc: {  	[sflag:s21] =	ssyncset.done $0x0  }
0x2bd: {  	[sflag:s21] =	ssyncadd.s32 $0xFFFFF060  }
0x2be: {  	s26 =	simm.s32 $0x0  }
0x2bf: {  	[tilespmem:s26], [sflag:$0x2] =	stream.linear.gather [hbm4b:s18+s26], $0x7D00, $0x38;
	[tilespmem:$0x10A00] =	vst v63  }
0x2c0: {  	_ =	swait.ge [sflag:s21], $0x7D00  }
0x2c1: {  	[sflag:s21] =	ssyncset.done $0x0  }
0x2c2: {  	v8 =	vor.u32 s26, v1;
	[sflag:s21] =	ssyncadd.s32 $0xFFFF8300  }
0x2c3: {  	v9 =	vor.u32 s26, v0;
	[tilespmem:s22], [sflag:$0x1] =	stream.indirect.gather [hbm4b:s3+s22], $0x1, s26, s22, $0xb8;
	[tilespmem:$0x10A00] =	vst v63  }
0x2c4: {  	_ =	swait.ge [sflag:s23], $0x7D00  }
0x2c5: {  	v10 =	vor.u32 s26, v2;
	[sflag:s23] =	ssyncset.done $0x0  }
0x2c6: {  	[sflag:s23] =	ssyncadd.s32 $0xFFFF8300  }
0x2c7: {  	v11 =	vor.u32 s26, v3;
	v8 =	vld.idx.msk [tilespmem:v8+s22+$0x0], $0xffff  }
0x2c8: {  	v9 =	vld.idx.msk [tilespmem:v9+s22+$0x0], $0xffff  }
0x2c9: {  	v12 =	vor.u32 s26, v4  }
0x2ca: {  	v10 =	vld.idx.msk [tilespmem:v10+s22+$0x0], $0xffff  }
0x2cb: {  	v13 =	vor.u32 s26, v5  }
0x2cc: {  	v11 =	vld.idx.msk [tilespmem:v11+s22+$0x0], $0xffff  }
0x2cd: {  	v14 =	vor.u32 s26, v6;
	v8 =	vadd.f32 v8, v9  }
0x2ce: {  	v9 =	vld.idx.msk [tilespmem:v12+s22+$0x0], $0xffff  }
0x2cf: {  	v59 =	vor.u32 s26, v7;
	v8 =	vadd.f32 v10, v8  }
0x2d0: {  	v10 =	vld.idx.msk [tilespmem:v13+s22+$0x0], $0xffff  }
0x2d1: {  	v8 =	vadd.f32 v11, v8  }
0x2d2: {  	v11 =	vld.idx.msk [tilespmem:v14+s22+$0x0], $0xffff  }
0x2d3: {  	v8 =	vadd.f32 v9, v8  }
0x2d4: {  	v9 =	vld.idx.msk [tilespmem:v59+s22+$0x0], $0xffff  }
0x2d5: {  	v8 =	vadd.f32 v10, v8  }
0x2d6: {  	s28 =	simm.s32 $0x80  }
0x2d7: {  	v10 =	vor.u32 s28, v1;
	v8 =	vadd.f32 v11, v8  }
0x2d8: {  	v11 =	vor.u32 s28, v0  }
0x2d9: {  	v8 =	vadd.f32 v9, v8  }
0x2da: {  	s26 =	simm.s32 $0xFA00;
	v9 =	vor.u32 s28, v2  }
0x2db: {  	[tilespmem:s26+$0x0] =	vst v8  }
0x2dc: {  	v8 =	vld.idx.msk [tilespmem:v10+s22+$0x0], $0xffff;
	v10 =	vor.u32 s28, v3  }
0x2dd: {  	v11 =	vld.idx.msk [tilespmem:v11+s22+$0x0], $0xffff;
	_ =	sdelay $0x1  }
0x2de: {  	v9 =	vld.idx.msk [tilespmem:v9+s22+$0x0], $0xffff  }
0x2df: {  	v60 =	vor.u32 s28, v4  }
0x2e0: {  	v10 =	vld.idx.msk [tilespmem:v10+s22+$0x0], $0xffff  }
0x2e1: {  	v61 =	vor.u32 s28, v5;
	v8 =	vadd.f32 v8, v11;
	_ =	sdelay $0x1  }
0x2e2: {  	v62 =	vor.u32 s28, v6;
	v8 =	vadd.f32 v9, v8  }
0x2e3: {  	v11 =	vld.idx.msk [tilespmem:v60+s22+$0x0], $0xffff  }
0x2e4: {  	v8 =	vadd.f32 v10, v8;
	v10 =	vor.u32 s28, v7  }
0x2e5: {  	v9 =	vld.idx.msk [tilespmem:v61+s22+$0x0], $0xffff;
	_ =	sdelay $0x1  }
0x2e6: {  	v63 =	vld.idx.msk [tilespmem:v62+s22+$0x0], $0xffff  }
0x2e7: {  	v8 =	vadd.f32 v11, v8  }
0x2e8: {  	v10 =	vld.idx.msk [tilespmem:v10+s22+$0x0], $0xffff  }
0x2e9: {  	v9 =	vadd.f32 v9, v8  }
0x2ea: {  	s28 =	simm.s32 $0x100  }
0x2eb: {  	v8 =	vor.u32 s28, v1;
	v11 =	vadd.f32 v63, v9  }
0x2ec: {  	s29 =	simm.s32 $0x180;
	v9 =	vor.u32 s28, v0  }
.LBB2_17:
0x2ed: {  	p1 =	sne.s32 s29, $0x7C80;
	v10 =	vadd.f32 v10, v11  }
0x2ee: {  	v11 =	vor.u32 s28, v2;
	s26 =	sadd.s32 $0x10, s26  }
0x2ef: {  	[tilespmem:s26+$0x0] =	vst v10  }
0x2f0: {  	v10 =	vor.u32 s28, v3;
	v8 =	vld.idx.msk [tilespmem:v8+s22+$0x0], $0xffff  }
0x2f1: {  	v9 =	vld.idx.msk [tilespmem:v9+s22+$0x0], $0xffff  }
0x2f2: {  	v12 =	vor.u32 s28, v4  }
0x2f3: {  	v11 =	vld.idx.msk [tilespmem:v11+s22+$0x0], $0xffff  }
0x2f4: {  	v13 =	vor.u32 s28, v5  }
0x2f5: {  	v10 =	vld.idx.msk [tilespmem:v10+s22+$0x0], $0xffff  }
0x2f6: {  	v14 =	vor.u32 s28, v6  }
0x2f7: {  	v8 =	vadd.f32 v8, v9;
	v9 =	vld.idx.msk [tilespmem:v12+s22+$0x0], $0xffff  }
0x2f8: {  	v12 =	vor.u32 s28, v7;
	s28 =	smov.u32 s29  }
0x2f9: {  	v8 =	vadd.f32 v11, v8;
	v11 =	vld.idx.msk [tilespmem:v13+s22+$0x0], $0xffff;
	_ =	sdelay $0x1  }
0x2fa: {  	v8 =	vadd.f32 v10, v8;
	v13 =	vld.idx.msk [tilespmem:v14+s22+$0x0], $0xffff;
	_ =	sdelay $0x1  }
0x2fb: {  	v8 =	vadd.f32 v9, v8;
	v10 =	vld.idx.msk [tilespmem:v12+s22+$0x0], $0xffff  }
.Ltmp10:
0x2fc: {  	(pc) =	sbr.rel @p1 .LBB2_17-.Ltmp10, $3  }
0x2fd: {  	v9 =	vadd.f32 v11, v8;
	_ =	sdelay $0x1  }
0x2fe: {  	v8 =	vor.u32 s29, v1;
	v11 =	vadd.f32 v13, v9  }
0x2ff: {  	s29 =	sadd.s32 $0x80, s29;
	v9 =	vor.u32 s28, v0  }
.Ltmp11:
0x300: {  	_ = 	snop;
	(pc) =	sbr.rel .LBB2_18-.Ltmp11, $1  }
0x301: {  	_ =	sdelay $0x3  }
.LBB2_20:
0x302: {  	_ =	sfence.sel $0x180000  }
0x303: {  	[bflag:$0x0] =	sbarrier.arrive $0xFFFF  }
0x304: {  	p0 =	sne.s32 s0, $0x0;
	_ =	strace $0x90000047  }
0x305: {  	s0 =	sadd.s32 @!p0 $0x100000, s1;
	[bflag:$0x2] =	sbarrier.arrive $0xFFFF  }
0x306: {  	[sflag:s0] =	ssyncadd.tile.s32 @!p0 $0x1;
	_ =	shalt  }
.Lfunc_end2:
_tile_overlayer_lowered:
.L_overlay_start_2:
0x307: {  	(tag) =	ssettag $0x2  }
0x308: {  	s0 =	rddreg [dreg:$0x0];
	s2 =	stileid.u32  }
0x309: {  	s1 =	rddreg [dreg:$0x1];
	p0 =	sne.s32 s2, $0x0  }
0x30a: {  	s3 =	rddreg [dreg:$0x2];
	[bflag:$0x3] =	sbarrier.arrive $0xFFFF;
	s2 =	simm.s32 @!p0 $0x1C02  }
0x30b: {  	[timem:s3], [sflag:s2] =	dma.local @!p0 [hbm:s0], s1  }
0x30c: {  	s0 =	simm.s32 @!p0 $0x2  }
0x30d: {  	_ =	swait.ge @!p0 [sflag:s0], s1  }
0x30e: {  	s1 =	ssub.s32 @!p0 $0x0, s1;
	[sflag:s0] =	ssyncset.done @!p0 $0x0  }
0x30f: {  	[sflag:s0] =	ssyncadd.s32 @!p0 s1  }
0x310: {  	[bflag:$0x3] =	sbarrier.arrive $0xFFFF  }
0x311: {  	_ =	shalt  }

// kernel: kernel.8.cloned.1.call-start
scs
__scs_entry_jumppad:
0x0: {  	(pc) =	sbr.rel $0x88, $3  }
0x1: {  	(tag) =	ssettag $0x0;
	lr =	simm.s32 $0x1  }
0x2: {  	[smem:$0x3F9D] =	sst lr;
	_ =	strace $0xD0000000  }
0x3: {  	_ = 	snop  }
0x4: {  	_ = 	snop  }
0x5: {  	_ = 	snop  }
0x6: {  	_ = 	snop  }
0x7: {  	_ = 	snop  }
__scs_overlays_trampoline_lowered:
0x8: {  	[smem:$0x3FAC] =	sst s0  }
0x9: {  	[smem:$0x3FAD] =	sst s1  }
0xa: {  	[smem:$0x3FAE] =	sst s2  }
0xb: {  	[smem:$0x3FAF] =	sst s3  }
0xc: {  	[smem:$0x3FB0] =	sst s4  }
0xd: {  	[smem:$0x3FB1] =	sst s5  }
0xe: {  	[smem:$0x3FB2] =	sst s6  }
0xf: {  	[smem:$0x3FB3] =	sst s7  }
0x10: {  	[smem:$0x3FB4] =	sst s8  }
0x11: {  	[smem:$0x3FB5] =	sst s9;
	s0 =	simm.s32 @!p0 $0x0  }
0x12: {  	s1 =	sld [smem:$0x3F9B];
	s0 =	simm.s32 @p0 $0x1  }
0x13: {  	[smem:$0x3FB6] =	sst s0;
	s0 =	simm.s32 @!p1 $0x0  }
0x14: {  	s2 =	sld [smem:$0x3F9A];
	s0 =	simm.s32 @p1 $0x1  }
0x15: {  	[smem:$0x3FB7] =	sst s0;
	s0 =	simm.s32 @!p2 $0x0  }
0x16: {  	s3 =	sld [smem:$0x3FDB];
	s0 =	simm.s32 @p2 $0x1  }
0x17: {  	s4 =	simm.s32 $0x1BF5;
	[smem:$0x3FB9] =	sst s0  }
0x18: {  	s0 =	sld [smem:$0x3F9C];
	_ =	swait.ge [sflag:s4], $0x0  }
0x19: {  	s7 =	sld [smem:$0x3F9D]  }
0x1a: {  	s8 =	sadd.s32 $0xFFFFE003, lr  }
0x1b: {  	s9 =	sadd.s32 $0xFFFFFEF7, lr;
	s5 =	simm.s32 $0xFFFFFFFF;
	p2 =	slt.u32 s8, $0xFFFFF086  }
0x1c: {  	p1 =	slt.u32 s9, $0xF7A;
	s5 =	simm.s32 @!p2 $0x0  }
0x1d: {  	s5 =	simm.s32 @p1 $0x1;
	p0 =	seq.s32 s7, s2  }
0x1e: {  	s7 =	smul.u32 @!p0 $0xF7A, s2;
	p2 =	seq.s32 @!p0 s5, $0x0  }
0x1f: {  	s9 =	smul.u32 $0xF7A, s1;
	s8 =	simm.s32 @!p0 $0x1BF5;
	p2 =	por !p2, p0  }
0x20: {  	[sflag:s8] =	ssyncset.s32 @!p0 $0xFFFFF086;
	s6 =	sadd.s32 @!p0 s3, s7;
	s7 =	simm.s32 @!p0 $0x108  }
0x21: {  	s3 =	sadd.s32 s3, s9;
	s6 =	sadd.s32 @!p0 $0x88, s6;
	s7 =	simm.s32 @p2 $0x1082  }
0x22: {  	[simem:s7], [sflag:s8] =	dma.local @!p0 [hbm:s6], $0xF7A  }
0x23: {  	s9 =	sor.u32 $0xD0000000, s2;
	s6 =	simm.s32 $0x108;
	_ =	swait.ge @!p0 [sflag:s8], $0x0  }
0x24: {  	s3 =	sadd.s32 $0x88, s3;
	s6 =	simm.s32 @!p1 $0x1082;
	[sflag:s4] =	ssyncset.s32 $0xFFFFF086  }
0x25: {  	[simem:s6], [sflag:s4] =	dma.local [hbm:s3], $0xF7A  }
0x26: {  	[smem:$0x3F9D] =	sst s1;
	(tag) =	ssettag s2;
	_ =	strace s9  }
0x27: {  	s1 =	sld [smem:$0x3FAD]  }
0x28: {  	s2 =	sld [smem:$0x3FAE]  }
0x29: {  	s4 =	sld [smem:$0x3FB0]  }
0x2a: {  	p0 =	seq.s32 s5, $0x0;
	s5 =	sld [smem:$0x3FB1]  }
0x2b: {  	s6 =	sld [smem:$0x3FB2]  }
0x2c: {  	s7 =	sld [smem:$0x3FB3]  }
0x2d: {  	s3 =	simm.s32 $0x108;
	s8 =	sld [smem:$0x3FB4]  }
0x2e: {  	s3 =	simm.s32 @!p0 $0x1082;
	s9 =	sld [smem:$0x3FB5]  }
0x2f: {  	lr =	sadd.s32 s0, s3;
	s0 =	sld [smem:$0x3FAC]  }
0x30: {  	s3 =	sld [smem:$0x3FAF]  }
0x31: {  	[smem:$0x3FB8] =	sst s10  }
0x32: {  	s10 =	sld [smem:$0x3FB6];
	_ =	sdelay $0x3  }
0x33: {  	p0 =	seq.s32 s10, $0x1;
	s10 =	sld [smem:$0x3FB8];
	_ =	sdelay $0x3  }
0x34: {  	[smem:$0x3FB8] =	sst s10  }
0x35: {  	s10 =	sld [smem:$0x3FB7];
	_ =	sdelay $0x3  }
0x36: {  	p1 =	seq.s32 s10, $0x1;
	s10 =	sld [smem:$0x3FB8];
	_ =	sdelay $0x3  }
0x37: {  	[smem:$0x3FB8] =	sst s10  }
0x38: {  	s10 =	sld [smem:$0x3FB9]  }
0x39: {  	_ = 	snop;
	(pc) =	sbr.ind lr, $3  }
0x3a: {  	_ = 	snop  }
0x3b: {  	_ = 	snop  }
0x3c: {  	p2 =	seq.s32 s10, $0x1;
	s10 =	sld [smem:$0x3FB8]  }
0x3d: {  	_ =	shalt  }
0x3e: {  	_ =	shalt  }
0x3f: {  	_ =	shalt  }
0x40: {  	_ =	shalt  }
0x41: {  	_ =	shalt  }
0x42: {  	_ =	shalt  }
0x43: {  	_ =	shalt  }
0x44: {  	_ =	shalt  }
0x45: {  	_ =	shalt  }
0x46: {  	_ =	shalt  }
0x47: {  	_ =	shalt  }
0x48: {  	_ =	shalt  }
0x49: {  	_ =	shalt  }
0x4a: {  	_ =	shalt  }
0x4b: {  	_ =	shalt  }
0x4c: {  	_ =	shalt  }
0x4d: {  	_ =	shalt  }
0x4e: {  	_ =	shalt  }
0x4f: {  	_ =	shalt  }
0x50: {  	_ =	shalt  }
0x51: {  	_ =	shalt  }
0x52: {  	_ =	shalt  }
0x53: {  	_ =	shalt  }
0x54: {  	_ =	shalt  }
0x55: {  	_ =	shalt  }
0x56: {  	_ =	shalt  }
0x57: {  	_ =	shalt  }
0x58: {  	_ =	shalt  }
0x59: {  	_ =	shalt  }
0x5a: {  	_ =	shalt  }
0x5b: {  	_ =	shalt  }
0x5c: {  	_ =	shalt  }
0x5d: {  	_ =	shalt  }
0x5e: {  	_ =	shalt  }
0x5f: {  	_ =	shalt  }
0x60: {  	_ =	shalt  }
0x61: {  	_ =	shalt  }
0x62: {  	_ =	shalt  }
0x63: {  	_ =	shalt  }
0x64: {  	_ =	shalt  }
0x65: {  	_ =	shalt  }
0x66: {  	_ =	shalt  }
0x67: {  	_ =	shalt  }
0x68: {  	_ =	shalt  }
0x69: {  	_ =	shalt  }
0x6a: {  	_ =	shalt  }
0x6b: {  	_ =	shalt  }
0x6c: {  	_ =	shalt  }
0x6d: {  	_ =	shalt  }
0x6e: {  	_ =	shalt  }
0x6f: {  	_ =	shalt  }
0x70: {  	_ =	shalt  }
0x71: {  	_ =	shalt  }
0x72: {  	_ =	shalt  }
0x73: {  	_ =	shalt  }
0x74: {  	_ =	shalt  }
0x75: {  	_ =	shalt  }
0x76: {  	_ =	shalt  }
0x77: {  	_ =	shalt  }
0x78: {  	_ =	shalt  }
0x79: {  	_ =	shalt  }
0x7a: {  	_ =	shalt  }
0x7b: {  	_ =	shalt  }
0x7c: {  	_ =	shalt  }
0x7d: {  	_ =	shalt  }
0x7e: {  	_ =	shalt  }
0x7f: {  	_ =	shalt  }
0x80: {  	_ =	shalt  }
0x81: {  	_ =	shalt  }
0x82: {  	_ =	shalt  }
0x83: {  	_ =	shalt  }
0x84: {  	_ =	shalt  }
0x85: {  	_ =	shalt  }
0x86: {  	_ =	shalt  }
0x87: {  	_ =	shalt  }
.Lfunc_end0:
.L_simem_size_0:
called_computation.1_lowered:
.L_overlay_start_0:
0x88: {  	s2 =	sld [smem:$0x3FD9]  }
0x89: {  	s3 =	sld [smem:$0x3FFE];
	_ =	sdelay $0x1  }
0x8a: {  	s1 =	srdreg.scid  }
0x8b: {  	s0 =	sand.u32 $0x1, s1  }
0x8c: {  	s17 =	sshll.u32 s0, $0xA;
	s2 =	sadd.s32 s3, s2  }
0x8d: {  	s2 =	sadd.s32 s2, s17  }
0x8e: {  	[smem:$0x3FC4] =	sst s2  }
0x8f: {  	_ = 	snop  }
0x90: {  	s2 =	sld [smem:$0x3FC6]  }
0x91: {  	s18 =	sld [smem:$0x3FD0];
	(tm) =	ssettm $0x1  }
0x92: {  	s4 =	sld [smem:$0x3FFB];
	_ =	sdelay $0x3  }
0x93: {  	_ =	strace s4  }
0x94: {  	s4 =	sld [smem:$0x3FFC];
	_ =	sdelay $0x3  }
0x95: {  	_ =	strace s4  }
0x96: {  	s4 =	sld [smem:$0x3FFD];
	_ =	sdelay $0x3  }
0x97: {  	_ =	strace s4  }
0x98: {  	_ =	strace $0x8FFFFFFF  }
0x99: {  	s19 =	sld [smem:$0x3FDB];
	_ =	sdelay $0x1  }
0x9a: {  	s5 =	simm.s32 $_scs_section_size  }
0x9b: {  	s6 =	simm.s32 $_size__tile_overlayer_lowered;
	s7 =	simm.s32 $_tile_overlayer_lowered  }
0x9c: {  	s22 =	simm.s32 $0x1BFF;
	s21 =	sshll.u32 s7, $0x1;
	s4 =	sadd.s32 s5, s19  }
0x9d: {  	s8 =	simm.s32 $0x0;
	s20 =	sshll.u32 s6, $0x1;
	s6 =	sadd.s32 s21, s4  }
0x9e: {  	[timem:s8], [sflag:s22] =	dma.local [hbm:s6], s20  }
0x9f: {  	_ =	swait.ge [sflag:s22], s20  }
0xa0: {  	s5 =	ssub.s32 $0x0, s20;
	[sflag:s22] =	ssyncset.done $0x0  }
0xa1: {  	[sflag:s22] =	ssyncadd.s32 s5;
	_ =	sdelay $0x1  }
0xa2: {  	s23 =	simm.s32 $0x1B8B  }
0xa3: {  	_ =	swait.ge [sflag:s23], $0x1  }
0xa4: {  	[sflag:s23] =	ssyncset.done $0x0  }
0xa5: {  	s25 =	simm.s32 $0x1B8E;
	s24 =	sld [smem:$0x3FFE];
	[sflag:s23] =	ssyncadd.s32 $0xFFFFFFFF  }
0xa6: {  	s26 =	simm.s32 $execute0_lowered;
	[smem:$0x3FD2] =	sst s25  }
0xa7: {  	s6 =	sshll.u32 s26, $0x1;
	_ =	strace $0x80000049;
	[dreg:$0x1] =	wrdreg $0xFFFFFFFF  }
0xa8: {  	s28 =	simm.s32 $_size_execute0_lowered;
	s4 =	sadd.s32 s4, s6;
	[dreg:$0x0] =	wrdreg $0x0  }
0xa9: {  	s6 =	sshll.u32 s28, $0x1;
	[dreg:$0x2] =	wrdreg s4  }
0xaa: {  	[dreg:$0x3] =	wrdreg s6  }
0xab: {  	[dreg:$0x4] =	wrdreg $0xC0  }
0xac: {  	_ =	task [dreg:s8], $0x5FFFF  }
0xad: {  	[dreg:$0x1] =	wrdreg $0xFFFFFFFF  }
0xae: {  	[dreg:$0x0] =	wrdreg $0x60  }
0xaf: {  	[dreg:$0x2] =	wrdreg s24  }
0xb0: {  	[dreg:$0x3] =	wrdreg s2  }
0xb1: {  	[dreg:$0x4] =	wrdreg s18  }
0xb2: {  	[dreg:$0x5] =	wrdreg $0x9  }
0xb3: {  	_ =	task.clear_ibuf [dreg:s8], $0x6FFFF;
	_ =	strace $0x90000049  }
0xb4: {  	s29 =	simm.s32 $0x9;
	_ =	strace $0x8000004B  }
0xb5: {  	_ =	swait.ge [sflag:s29], $0x1  }
0xb6: {  	[sflag:s29] =	ssyncadd.s32 $0xFFFFFFFF  }
0xb7: {  	_ =	strace $0x9000004B  }
0xb8: {  	_ =	sfence  }
0xb9: {  	s30 =	sld [smem:$0x0];
	_ =	sdelay $0x2  }
0xba: {  	s31 =	sshll.u32 s1, $0xD;
	s1 =	sshrl.u32 s1, $0x2  }
0xbb: {  	s3 =	sand.u32 $0x4000, s31;
	s1 =	sadd.s32 s1, s30  }
0xbc: {  	s0 =	sor.u32 s3, s0;
	s1 =	sshll.u32 s1, $0x11  }
0xbd: {  	s0 =	sor.u32 s1, s0  }
0xbe: {  	s0 =	sadd.s32 $0x8F2B, s0  }
0xbf: {  	[sflag:s0] =	ssyncadd.remote.s32 $0x1  }
0xc0: {  	_ =	sfence.sel $0xFFFF  }
0xc1: {  	[dreg:$0x0] =	wrdreg $0xFFFFFFFF;
	(pc) =	sbr.abs _section_cstart, $3  }
0xc2: {  	[dreg:$0x1] =	wrdreg $0xFFFFFFFF  }
0xc3: {  	_ =	task.clear_ibuf [dreg:s8], $0x2FFFF;
	_ =	strace $0x9FFFFFFF  }
0xc4: {  	(tm) =	ssettm $0x7FFFFFFF  }
0xc5: {  	_ =	shalt  }
tec
execute0_lowered:
.L_overlay_start_1:
0x0: {  	(tag) =	ssettag $0x1  }
0x1: {  	s4 =	rddreg [dreg:$0x0]  }
0x2: {  	s13 =	rddreg [dreg:$0x1]  }
0x3: {  	s1 =	srdreg.scid;
	s0 =	stileid.u32  }
0x4: {  	s14 =	rddreg [dreg:$0x2];
	s5 =	sand.u32 $0x1, s1;
	s3 =	sshll.u32 s0, $0x1  }
0x5: {  	s2 =	simm.s32 $0x0;
	s19 =	simm.s32 $0x1;
	s20 =	sor.u32 s5, s3  }
0x6: {  	s21 =	simm.s32 $0x10A00;
	s22 =	simm.s32 $0x0;
	s6 =	smul.u32 $0xFA0, s20  }
0x7: {  	s1 =	rddreg [dreg:$0x3];
	s7 =	smul.u32 $0x1F4, s20;
	s8 =	sor.u32 $0x20, s20  }
0x8: {  	[smem:$0x7FF] =	sst s2;
	s15 =	sadd.s32 $0x1200, s4;
	s9 =	smul.u32 $0xFA0, s8  }
0x9: {  	_ =	strace $0x8000004A;
	s30 =	sor.u32 $0x40, s20;
	s11 =	smul.u32 $0x1F4, s8  }
0xa: {  	s3 =	sadd.s32 $0x3E400, s4;
	s5 =	ssub.s32 $0x2, s5;
	s31 =	smul.u32 $0xFA0, s30  }
0xb: {  	s10 =	sshrl.u32 s5, $0x1;
	s17 =	sor.u32 $0x60, s20;
	s12 =	smul.u32 $0x1F4, s30  }
0xc: {  	p0 =	sgt.u32 s20, $0x1C;
	s20 =	simm.s32 $0xFA00;
	s18 =	smul.u32 $0xFA0, s17  }
0xd: {  	v0 =	vlaneseq.u32;
	s16 =	ssub.s32 s5, s10;
	s17 =	smul.u32 $0x1F4, s17;
	s4 =	sadd.s32 s13, s6  }
.Ltmp0:
0xe: {  	v0 =	vmul.u32 $0x8, v0;
	s5 =	sadd.s32 s14, s7;
	s6 =	sadd.s32 s15, s7;
	(pc) =	sbr.rel .LBB2_1-.Ltmp0, $4  }
0xf: {  	s16 =	smax.u32 s16, $0x1;
	s7 =	sadd.s32 s13, s9;
	s8 =	sadd.s32 s14, s11  }
0x10: {  	v1 =	vor.u32 $0x1, v0;
	s9 =	sadd.s32 s15, s11;
	s10 =	sadd.s32 s13, s31;
	s11 =	sadd.s32 s14, s12  }
0x11: {  	v2 =	vor.u32 $0x2, v0;
	v3 =	vor.u32 $0x3, v0;
	v4 =	vor.u32 $0x4, v0;
	s12 =	sadd.s32 s15, s12;
	s13 =	sadd.s32 s13, s18;
	s14 =	sadd.s32 s14, s17  }
0x12: {  	v5 =	vor.u32 $0x5, v0;
	v6 =	vor.u32 $0x6, v0;
	v7 =	vor.u32 $0x7, v0;
	s15 =	sadd.s32 s15, s17;
	s17 =	simm.s32 $0x2;
	s18 =	simm.s32 $0x7D00  }
.LBB2_10:
0x13: {  	_ =	sdelay $0x1  }
0x14: {  	v12 =	vor.u32 s25, v3;
	s23 =	sadd.s32 $0x10, s23  }
0x15: {  	v13 =	vor.u32 s25, v4;
	[tilespmem:s23+$0x0] =	vst v11  }
0x16: {  	v49 =	vor.u32 s25, v5;
	v8 =	vld.idx.msk [tilespmem:v8+s18+$0x0], $0xffff  }
0x17: {  	v14 =	vor.u32 s25, v6;
	v10 =	vld.idx.msk [tilespmem:v10+s18+$0x0], $0xffff  }
0x18: {  	v15 =	vor.u32 s25, v7;
	v9 =	vld.idx.msk [tilespmem:v9+s18+$0x0], $0xffff  }
0x19: {  	v12 =	vld.idx.msk [tilespmem:v12+s18+$0x0], $0xffff  }
0x1a: {  	v13 =	vld.idx.msk [tilespmem:v13+s18+$0x0], $0xffff  }
0x1b: {  	v11 =	vld.idx.msk [tilespmem:v49+s18+$0x0], $0xffff  }
0x1c: {  	v14 =	vld.idx.msk [tilespmem:v14+s18+$0x0], $0xffff;
	v16 =	vmax.f32 v10, v8  }
0x1d: {  	v15 =	vld.idx.msk [tilespmem:v15+s18+$0x0], $0xffff;
	v16 =	vmax.f32 v16, v9  }
0x1e: {  	v16 =	vmax.f32 v16, v12  }
0x1f: {  	v16 =	vmax.f32 v16, v13  }
0x20: {  	v16 =	vmax.f32 v16, v11  }
0x21: {  	v16 =	vmax.f32 v16, v14  }
0x22: {  	v16 =	vmax.f32 v16, v15  }
0x23: {  	v10 =	vsub.f32 v10, v16  }
0x24: {  	v8 =	vsub.f32 v8, v16  }
0x25: {  	v10 =	vmul.f32 $1.442695020e+00, v10  }
0x26: {  	v9 =	vsub.f32 v9, v16;
	v8 =	vmul.f32 $1.442695020e+00, v8  }
0x27: {  	(erf) = vpow2.f32 v10  }
0x28: {  	v50 =	vsub.f32 v12, v16;
	v9 =	vmul.f32 $1.442695020e+00, v9;
	(erf) = vpow2.f32 v8;
	_ =	sdelay $0x1  }
0x29: {  	v51 =	vsub.f32 v13, v16;
	v8 =	vmul.f32 $1.442695020e+00, v50;
	(erf) = vpow2.f32 v9  }
0x2a: {  	v53 =	vsub.f32 v11, v16  }
0x2b: {  	v52 =	vmul.f32 $1.442695020e+00, v51;
	(erf) = vpow2.f32 v8  }
0x2c: {  	v8 =	vmul.f32 $1.442695020e+00, v53  }
0x2d: {  	v54 =	vsub.f32 v14, v16;
	(erf) = vpow2.f32 v52;
	_ =	sdelay $0x1  }
0x2e: {  	v56 =	vsub.f32 v15, v16;
	v55 =	vmul.f32 $1.442695020e+00, v54;
	v57 =	vpop (erf);
	(erf) = vpow2.f32 v8  }
0x2f: {  	v8 =	vpop (erf)  }
0x30: {  	v10 =	vmul.f32 $1.442695020e+00, v56;
	(erf) = vpow2.f32 v55;
	v8 =	vadd.f32 v8, v57  }
0x31: {  	v58 =	vpop (erf)  }
0x32: {  	(erf) = vpow2.f32 v10;
	v8 =	vadd.f32 v8, v58  }
0x33: {  	v59 =	vpop (erf)  }
0x34: {  	v8 =	vadd.f32 v8, v59  }
0x35: {  	v60 =	vpop (erf)  }
0x36: {  	v8 =	vadd.f32 v8, v60  }
0x37: {  	v61 =	vpop (erf)  }
0x38: {  	v8 =	vadd.f32 v8, v61  }
0x39: {  	v62 =	vpop (erf)  }
0x3a: {  	v8 =	vadd.f32 v8, v62  }
0x3b: {  	v63 =	vpop (erf)  }
0x3c: {  	s24 =	sadd.s32 $0x10, s24;
	v8 =	vadd.f32 v8, v63  }
0x3d: {  	s23 =	sadd.s32 $0x10, s23;
	[tilespmem:s24+$0x0] =	vst v16  }
0x3e: {  	[tilespmem:s23+$0x0] =	vst v8  }
0x3f: {  	[hbm4b:s14+s2] =	stream.linear.scatter [tilespmem:s20], [sflag:$0x2], $0xFA0, $0x38;
	[tilespmem:$0x11A00] =	vst v63  }
0x40: {  	_ =	swait.ge [sflag:s17], $0xFA0  }
0x41: {  	[sflag:s17] =	ssyncset.done $0x0  }
0x42: {  	[sflag:s17] =	ssyncadd.s32 $0xFFFFF060  }
0x43: {  	[hbm4b:s15+s2] =	stream.linear.scatter [tilespmem:s21], [sflag:$0x2], $0xFA0, $0x38;
	[tilespmem:$0x11A00] =	vst v63  }
0x44: {  	_ =	swait.ge [sflag:s17], $0xFA0  }
0x45: {  	[sflag:s17] =	ssyncset.done $0x0  }
0x46: {  	[sflag:s17] =	ssyncadd.s32 $0xFFFFF060  }
.LBB2_11:
0x47: {  	s22 =	sadd.s32 $0x1, s22  }
0x48: {  	p1 =	sne.s32 s22, s16  }
.Ltmp1:
0x49: {  	_ = 	snop;
	(pc) =	sbr.rel @!p1 .LBB2_12-.Ltmp1, $1  }
0x4a: {  	_ =	sdelay $0x3  }
.LBB2_1:
0x4b: {  	[tilespmem:s2], [sflag:$0x2] =	stream.linear.gather [hbm4b:s4+s2], $0x7D00, $0x38;
	[tilespmem:$0x11A00] =	vst v63  }
0x4c: {  	_ =	swait.ge [sflag:s17], $0x7D00  }
0x4d: {  	[sflag:s17] =	ssyncset.done $0x0  }
0x4e: {  	v8 =	vor.u32 s2, v1;
	[sflag:s17] =	ssyncadd.s32 $0xFFFF8300  }
0x4f: {  	v9 =	vor.u32 s2, v0;
	[tilespmem:s18], [sflag:$0x1] =	stream.indirect.gather [hbm4b:s3+s18], $0x1, s2, s18, $0xb8;
	[tilespmem:$0x11A00] =	vst v63  }
0x50: {  	v10 =	vor.u32 s2, v2;
	_ =	swait.ge [sflag:s19], $0x7D00  }
0x51: {  	v11 =	vor.u32 s2, v3;
	[sflag:s19] =	ssyncset.done $0x0  }
0x52: {  	v12 =	vor.u32 s2, v4;
	[sflag:s19] =	ssyncadd.s32 $0xFFFF8300  }
0x53: {  	v13 =	vor.u32 s2, v5;
	v8 =	vld.idx.msk [tilespmem:v8+s18+$0x0], $0xffff  }
0x54: {  	v14 =	vor.u32 s2, v6;
	v9 =	vld.idx.msk [tilespmem:v9+s18+$0x0], $0xffff  }
0x55: {  	v15 =	vor.u32 s2, v7;
	v10 =	vld.idx.msk [tilespmem:v10+s18+$0x0], $0xffff  }
0x56: {  	v11 =	vld.idx.msk [tilespmem:v11+s18+$0x0], $0xffff  }
0x57: {  	v12 =	vld.idx.msk [tilespmem:v12+s18+$0x0], $0xffff  }
0x58: {  	v13 =	vld.idx.msk [tilespmem:v13+s18+$0x0], $0xffff  }
0x59: {  	v14 =	vld.idx.msk [tilespmem:v14+s18+$0x0], $0xffff;
	v16 =	vmax.f32 v9, v8  }
0x5a: {  	v15 =	vld.idx.msk [tilespmem:v15+s18+$0x0], $0xffff;
	v16 =	vmax.f32 v16, v10  }
0x5b: {  	v16 =	vmax.f32 v16, v11  }
0x5c: {  	v16 =	vmax.f32 v16, v12  }
0x5d: {  	v16 =	vmax.f32 v16, v13  }
0x5e: {  	v16 =	vmax.f32 v16, v14  }
0x5f: {  	v16 =	vmax.f32 v16, v15  }
0x60: {  	v9 =	vsub.f32 v9, v16  }
0x61: {  	v8 =	vsub.f32 v8, v16  }
0x62: {  	v10 =	vsub.f32 v10, v16;
	v9 =	vmul.f32 $1.442695020e+00, v9  }
0x63: {  	v8 =	vmul.f32 $1.442695020e+00, v8  }
0x64: {  	(erf) = vpow2.f32 v9;
	v9 =	vmul.f32 $1.442695020e+00, v10;
	v10 =	vsub.f32 v11, v16  }
0x65: {  	(erf) = vpow2.f32 v8  }
0x66: {  	v8 =	vmul.f32 $1.442695020e+00, v10;
	v10 =	vsub.f32 v12, v16  }
0x67: {  	(erf) = vpow2.f32 v9  }
0x68: {  	v9 =	vmul.f32 $1.442695020e+00, v10;
	v10 =	vsub.f32 v13, v16  }
0x69: {  	(erf) = vpow2.f32 v8  }
0x6a: {  	v8 =	vmul.f32 $1.442695020e+00, v10;
	v10 =	vsub.f32 v14, v16  }
0x6b: {  	(erf) = vpow2.f32 v9  }
0x6c: {  	v9 =	vmul.f32 $1.442695020e+00, v10  }
0x6d: {  	v10 =	vsub.f32 v15, v16;
	v11 =	vpop (erf);
	(erf) = vpow2.f32 v8  }
0x6e: {  	v8 =	vpop (erf)  }
0x6f: {  	v10 =	vmul.f32 $1.442695020e+00, v10;
	(erf) = vpow2.f32 v9;
	v8 =	vadd.f32 v8, v11  }
0x70: {  	v9 =	vpop (erf)  }
0x71: {  	(erf) = vpow2.f32 v10;
	v8 =	vadd.f32 v8, v9  }
0x72: {  	v9 =	vpop (erf)  }
0x73: {  	v8 =	vadd.f32 v8, v9  }
0x74: {  	v9 =	vpop (erf)  }
0x75: {  	v8 =	vadd.f32 v8, v9  }
0x76: {  	v9 =	vpop (erf)  }
0x77: {  	v8 =	vadd.f32 v8, v9  }
0x78: {  	s23 =	simm.s32 $0x80;
	v9 =	vpop (erf)  }
0x79: {  	v10 =	vor.u32 s23, v1;
	v8 =	vadd.f32 v8, v9  }
0x7a: {  	v9 =	vor.u32 s23, v0;
	v11 =	vpop (erf)  }
0x7b: {  	v58 =	vor.u32 s23, v2;
	v8 =	vadd.f32 v8, v11  }
0x7c: {  	[tilespmem:s20+$0x0] =	vst v16;
	v11 =	vor.u32 s23, v3  }
0x7d: {  	v59 =	vor.u32 s23, v4;
	[tilespmem:s21+$0x0] =	vst v8  }
0x7e: {  	v8 =	vld.idx.msk [tilespmem:v10+s18+$0x0], $0xffff;
	v10 =	vor.u32 s23, v5  }
0x7f: {  	v60 =	vor.u32 s23, v6;
	v9 =	vld.idx.msk [tilespmem:v9+s18+$0x0], $0xffff  }
0x80: {  	v61 =	vor.u32 s23, v7;
	v12 =	vld.idx.msk [tilespmem:v58+s18+$0x0], $0xffff  }
0x81: {  	v11 =	vld.idx.msk [tilespmem:v11+s18+$0x0], $0xffff  }
0x82: {  	v13 =	vld.idx.msk [tilespmem:v59+s18+$0x0], $0xffff  }
0x83: {  	v10 =	vld.idx.msk [tilespmem:v10+s18+$0x0], $0xffff  }
0x84: {  	v14 =	vld.idx.msk [tilespmem:v60+s18+$0x0], $0xffff;
	v62 =	vmax.f32 v9, v8  }
0x85: {  	v15 =	vld.idx.msk [tilespmem:v61+s18+$0x0], $0xffff;
	v16 =	vmax.f32 v62, v12  }
0x86: {  	v16 =	vmax.f32 v16, v11  }
0x87: {  	v16 =	vmax.f32 v16, v13  }
0x88: {  	v16 =	vmax.f32 v16, v10  }
0x89: {  	v16 =	vmax.f32 v16, v14  }
0x8a: {  	v16 =	vmax.f32 v16, v15  }
0x8b: {  	v9 =	vsub.f32 v9, v16  }
0x8c: {  	v8 =	vsub.f32 v8, v16  }
0x8d: {  	v9 =	vmul.f32 $1.442695020e+00, v9  }
0x8e: {  	v12 =	vsub.f32 v12, v16;
	v8 =	vmul.f32 $1.442695020e+00, v8  }
0x8f: {  	(erf) = vpow2.f32 v9  }
0x90: {  	v11 =	vsub.f32 v11, v16;
	v9 =	vmul.f32 $1.442695020e+00, v12;
	(erf) = vpow2.f32 v8;
	_ =	sdelay $0x1  }
0x91: {  	v8 =	vmul.f32 $1.442695020e+00, v11;
	v11 =	vsub.f32 v13, v16;
	(erf) = vpow2.f32 v9  }
0x92: {  	v10 =	vsub.f32 v10, v16  }
0x93: {  	v9 =	vmul.f32 $1.442695020e+00, v11;
	(erf) = vpow2.f32 v8  }
0x94: {  	v8 =	vmul.f32 $1.442695020e+00, v10;
	v10 =	vsub.f32 v14, v16  }
0x95: {  	(erf) = vpow2.f32 v9  }
0x96: {  	v9 =	vmul.f32 $1.442695020e+00, v10  }
0x97: {  	v10 =	vsub.f32 v15, v16;
	v11 =	vpop (erf);
	(erf) = vpow2.f32 v8  }
0x98: {  	v8 =	vpop (erf)  }
0x99: {  	v10 =	vmul.f32 $1.442695020e+00, v10;
	(erf) = vpow2.f32 v9;
	v8 =	vadd.f32 v8, v11  }
0x9a: {  	v9 =	vpop (erf)  }
0x9b: {  	(erf) = vpow2.f32 v10;
	v8 =	vadd.f32 v8, v9  }
0x9c: {  	v9 =	vpop (erf)  }
0x9d: {  	v8 =	vadd.f32 v8, v9  }
0x9e: {  	v9 =	vpop (erf)  }
0x9f: {  	v8 =	vadd.f32 v8, v9  }
0xa0: {  	v9 =	vpop (erf)  }
0xa1: {  	v8 =	vadd.f32 v8, v9  }
0xa2: {  	s24 =	simm.s32 $0x100;
	v9 =	vpop (erf)  }
0xa3: {  	v11 =	vadd.f32 v8, v9;
	v8 =	vor.u32 s24, v1  }
0xa4: {  	s23 =	simm.s32 $0xFA10;
	v10 =	vor.u32 s24, v0;
	v63 =	vpop (erf)  }
0xa5: {  	s26 =	simm.s32 $0x180;
	s25 =	simm.s32 $0x10A00;
	[tilespmem:s23+$0x0] =	vst v16;
	v9 =	vor.u32 s24, v2;
	v11 =	vadd.f32 v11, v63  }
.LBB2_2:
0xa6: {  	p1 =	sne.s32 s26, $0x7C80;
	v12 =	vor.u32 s24, v3;
	s25 =	sadd.s32 $0x10, s25  }
0xa7: {  	v13 =	vor.u32 s24, v4;
	[tilespmem:s25+$0x0] =	vst v11  }
0xa8: {  	v11 =	vor.u32 s24, v5;
	v8 =	vld.idx.msk [tilespmem:v8+s18+$0x0], $0xffff  }
0xa9: {  	v14 =	vor.u32 s24, v6;
	v10 =	vld.idx.msk [tilespmem:v10+s18+$0x0], $0xffff  }
0xaa: {  	v15 =	vor.u32 s24, v7;
	s24 =	smov.u32 s26;
	v9 =	vld.idx.msk [tilespmem:v9+s18+$0x0], $0xffff  }
0xab: {  	v12 =	vld.idx.msk [tilespmem:v12+s18+$0x0], $0xffff  }
0xac: {  	v13 =	vld.idx.msk [tilespmem:v13+s18+$0x0], $0xffff  }
0xad: {  	v11 =	vld.idx.msk [tilespmem:v11+s18+$0x0], $0xffff  }
0xae: {  	v14 =	vld.idx.msk [tilespmem:v14+s18+$0x0], $0xffff  }
0xaf: {  	v16 =	vmax.f32 v10, v8;
	v15 =	vld.idx.msk [tilespmem:v15+s18+$0x0], $0xffff  }
0xb0: {  	v16 =	vmax.f32 v16, v9  }
0xb1: {  	v16 =	vmax.f32 v16, v12  }
0xb2: {  	v16 =	vmax.f32 v16, v13  }
0xb3: {  	v16 =	vmax.f32 v16, v11  }
0xb4: {  	v16 =	vmax.f32 v16, v14  }
0xb5: {  	s23 =	sadd.s32 $0x10, s23;
	v16 =	vmax.f32 v16, v15  }
0xb6: {  	v10 =	vsub.f32 v10, v16;
	[tilespmem:s23+$0x0] =	vst v16  }
0xb7: {  	v8 =	vsub.f32 v8, v16  }
0xb8: {  	v10 =	vmul.f32 $1.442695020e+00, v10  }
0xb9: {  	v9 =	vsub.f32 v9, v16;
	v8 =	vmul.f32 $1.442695020e+00, v8  }
0xba: {  	(erf) = vpow2.f32 v10  }
0xbb: {  	v9 =	vmul.f32 $1.442695020e+00, v9;
	v10 =	vsub.f32 v12, v16;
	(erf) = vpow2.f32 v8;
	_ =	sdelay $0x1  }
0xbc: {  	v8 =	vmul.f32 $1.442695020e+00, v10;
	v10 =	vsub.f32 v13, v16;
	(erf) = vpow2.f32 v9;
	_ =	sdelay $0x1  }
0xbd: {  	v9 =	vmul.f32 $1.442695020e+00, v10;
	v10 =	vsub.f32 v11, v16;
	(erf) = vpow2.f32 v8;
	_ =	sdelay $0x1  }
0xbe: {  	v12 =	vmul.f32 $1.442695020e+00, v10;
	v10 =	vsub.f32 v14, v16;
	(erf) = vpow2.f32 v9;
	_ =	sdelay $0x1  }
0xbf: {  	v13 =	vmul.f32 $1.442695020e+00, v10;
	v10 =	vsub.f32 v15, v16;
	v11 =	vpop (erf);
	(erf) = vpow2.f32 v12  }
0xc0: {  	v8 =	vpop (erf)  }
0xc1: {  	v10 =	vmul.f32 $1.442695020e+00, v10;
	v8 =	vadd.f32 v8, v11;
	(erf) = vpow2.f32 v13  }
0xc2: {  	v9 =	vpop (erf)  }
0xc3: {  	v8 =	vadd.f32 v8, v9;
	(erf) = vpow2.f32 v10  }
0xc4: {  	v9 =	vpop (erf)  }
0xc5: {  	v8 =	vadd.f32 v8, v9  }
0xc6: {  	v9 =	vpop (erf)  }
0xc7: {  	v8 =	vadd.f32 v8, v9  }
0xc8: {  	v9 =	vpop (erf)  }
.Ltmp2:
0xc9: {  	v9 =	vadd.f32 v8, v9;
	(pc) =	sbr.rel @p1 .LBB2_2-.Ltmp2, $4  }
0xca: {  	v10 =	vpop (erf)  }
0xcb: {  	v8 =	vor.u32 s26, v1;
	v11 =	vadd.f32 v9, v10  }
0xcc: {  	v10 =	vor.u32 s26, v0;
	v12 =	vpop (erf)  }
0xcd: {  	v9 =	vor.u32 s24, v2;
	s26 =	sadd.s32 $0x80, s26;
	v11 =	vadd.f32 v11, v12  }
0xce: {  	_ =	sdelay $0x1  }
0xcf: {  	v12 =	vor.u32 s24, v3;
	s25 =	sadd.s32 $0x10, s25  }
0xd0: {  	v13 =	vor.u32 s24, v4;
	[tilespmem:s25+$0x0] =	vst v11  }
0xd1: {  	v11 =	vor.u32 s24, v5;
	v8 =	vld.idx.msk [tilespmem:v8+s18+$0x0], $0xffff  }
0xd2: {  	v14 =	vor.u32 s24, v6;
	v10 =	vld.idx.msk [tilespmem:v10+s18+$0x0], $0xffff  }
0xd3: {  	v15 =	vor.u32 s24, v7;
	v9 =	vld.idx.msk [tilespmem:v9+s18+$0x0], $0xffff  }
0xd4: {  	v12 =	vld.idx.msk [tilespmem:v12+s18+$0x0], $0xffff  }
0xd5: {  	v13 =	vld.idx.msk [tilespmem:v13+s18+$0x0], $0xffff  }
0xd6: {  	v11 =	vld.idx.msk [tilespmem:v11+s18+$0x0], $0xffff  }
0xd7: {  	v14 =	vld.idx.msk [tilespmem:v14+s18+$0x0], $0xffff;
	v16 =	vmax.f32 v10, v8  }
0xd8: {  	v15 =	vld.idx.msk [tilespmem:v15+s18+$0x0], $0xffff;
	v16 =	vmax.f32 v16, v9  }
0xd9: {  	v16 =	vmax.f32 v16, v12  }
0xda: {  	v16 =	vmax.f32 v16, v13  }
0xdb: {  	v16 =	vmax.f32 v16, v11  }
0xdc: {  	v16 =	vmax.f32 v16, v14  }
0xdd: {  	v16 =	vmax.f32 v16, v15  }
0xde: {  	v10 =	vsub.f32 v10, v16  }
0xdf: {  	v8 =	vsub.f32 v8, v16  }
0xe0: {  	v10 =	vmul.f32 $1.442695020e+00, v10  }
0xe1: {  	v9 =	vsub.f32 v9, v16;
	v8 =	vmul.f32 $1.442695020e+00, v8  }
0xe2: {  	(erf) = vpow2.f32 v10;
	v10 =	vsub.f32 v12, v16  }
0xe3: {  	v9 =	vmul.f32 $1.442695020e+00, v9;
	(erf) = vpow2.f32 v8  }
0xe4: {  	v8 =	vmul.f32 $1.442695020e+00, v10;
	v10 =	vsub.f32 v13, v16  }
0xe5: {  	(erf) = vpow2.f32 v9  }
0xe6: {  	v9 =	vmul.f32 $1.442695020e+00, v10;
	v10 =	vsub.f32 v11, v16  }
0xe7: {  	(erf) = vpow2.f32 v8  }
0xe8: {  	v8 =	vmul.f32 $1.442695020e+00, v10;
	v10 =	vsub.f32 v14, v16  }
0xe9: {  	(erf) = vpow2.f32 v9  }
0xea: {  	v9 =	vmul.f32 $1.442695020e+00, v10  }
0xeb: {  	v10 =	vsub.f32 v15, v16;
	v11 =	vpop (erf);
	(erf) = vpow2.f32 v8  }
0xec: {  	v8 =	vpop (erf)  }
0xed: {  	v10 =	vmul.f32 $1.442695020e+00, v10;
	(erf) = vpow2.f32 v9;
	v8 =	vadd.f32 v8, v11  }
0xee: {  	v9 =	vpop (erf)  }
0xef: {  	(erf) = vpow2.f32 v10;
	v8 =	vadd.f32 v8, v9  }
0xf0: {  	v9 =	vpop (erf)  }
0xf1: {  	v8 =	vadd.f32 v8, v9  }
0xf2: {  	v9 =	vpop (erf)  }
0xf3: {  	v8 =	vadd.f32 v8, v9  }
0xf4: {  	v9 =	vpop (erf)  }
0xf5: {  	v8 =	vadd.f32 v8, v9  }
0xf6: {  	v9 =	vpop (erf)  }
0xf7: {  	v8 =	vadd.f32 v8, v9  }
0xf8: {  	v9 =	vpop (erf)  }
0xf9: {  	s23 =	sadd.s32 $0x10, s23;
	v8 =	vadd.f32 v8, v9  }
0xfa: {  	s28 =	sadd.s32 $0x10, s25;
	[tilespmem:s23+$0x0] =	vst v16  }
0xfb: {  	s29 =	simm.s32 $0x0;
	s30 =	simm.s32 $0xFA00;
	[tilespmem:s28+$0x0] =	vst v8  }
0xfc: {  	[hbm4b:s5+s29] =	stream.linear.scatter [tilespmem:s30], [sflag:$0x2], $0xFA0, $0x38;
	[tilespmem:$0x11A00] =	vst v63  }
0xfd: {  	_ =	swait.ge [sflag:s17], $0xFA0  }
0xfe: {  	[sflag:s17] =	ssyncset.done $0x0  }
0xff: {  	s23 =	simm.s32 $0x10A00;
	[sflag:s17] =	ssyncadd.s32 $0xFFFFF060  }
0x100: {  	[hbm4b:s6+s29] =	stream.linear.scatter [tilespmem:s23], [sflag:$0x2], $0xFA0, $0x38;
	[tilespmem:$0x11A00] =	vst v63  }
0x101: {  	_ =	swait.ge [sflag:s17], $0xFA0  }
0x102: {  	[sflag:s17] =	ssyncset.done $0x0  }
0x103: {  	[sflag:s17] =	ssyncadd.s32 $0xFFFFF060  }
0x104: {  	[tilespmem:s29], [sflag:$0x2] =	stream.linear.gather [hbm4b:s7+s29], $0x7D00, $0x38;
	[tilespmem:$0x11A00] =	vst v63  }
0x105: {  	_ =	swait.ge [sflag:s17], $0x7D00  }
0x106: {  	[sflag:s17] =	ssyncset.done $0x0  }
0x107: {  	v8 =	vor.u32 s29, v1;
	[sflag:s17] =	ssyncadd.s32 $0xFFFF8300  }
0x108: {  	v9 =	vor.u32 s29, v0;
	[tilespmem:s18], [sflag:$0x1] =	stream.indirect.gather [hbm4b:s3+s18], $0x1, s29, s18, $0xb8;
	[tilespmem:$0x11A00] =	vst v63  }
0x109: {  	v10 =	vor.u32 s29, v2;
	_ =	swait.ge [sflag:s19], $0x7D00  }
0x10a: {  	v11 =	vor.u32 s29, v3;
	[sflag:s19] =	ssyncset.done $0x0  }
0x10b: {  	v53 =	vor.u32 s29, v4;
	[sflag:s19] =	ssyncadd.s32 $0xFFFF8300  }
0x10c: {  	v54 =	vor.u32 s29, v5;
	v8 =	vld.idx.msk [tilespmem:v8+s18+$0x0], $0xffff  }
0x10d: {  	v55 =	vor.u32 s29, v6;
	v9 =	vld.idx.msk [tilespmem:v9+s18+$0x0], $0xffff  }
0x10e: {  	v56 =	vor.u32 s29, v7;
	v10 =	vld.idx.msk [tilespmem:v10+s18+$0x0], $0xffff  }
0x10f: {  	v11 =	vld.idx.msk [tilespmem:v11+s18+$0x0], $0xffff  }
0x110: {  	v12 =	vld.idx.msk [tilespmem:v53+s18+$0x0], $0xffff  }
0x111: {  	v13 =	vld.idx.msk [tilespmem:v54+s18+$0x0], $0xffff  }
0x112: {  	v14 =	vld.idx.msk [tilespmem:v55+s18+$0x0], $0xffff;
	v57 =	vmax.f32 v9, v8  }
0x113: {  	v15 =	vld.idx.msk [tilespmem:v56+s18+$0x0], $0xffff;
	v16 =	vmax.f32 v57, v10  }
0x114: {  	v16 =	vmax.f32 v16, v11  }
0x115: {  	v16 =	vmax.f32 v16, v12  }
0x116: {  	v16 =	vmax.f32 v16, v13  }
0x117: {  	v16 =	vmax.f32 v16, v14  }
0x118: {  	v16 =	vmax.f32 v16, v15  }
0x119: {  	v9 =	vsub.f32 v9, v16  }
0x11a: {  	v8 =	vsub.f32 v8, v16  }
0x11b: {  	v10 =	vsub.f32 v10, v16;
	v9 =	vmul.f32 $1.442695020e+00, v9  }
0x11c: {  	v8 =	vmul.f32 $1.442695020e+00, v8  }
0x11d: {  	(erf) = vpow2.f32 v9;
	v9 =	vmul.f32 $1.442695020e+00, v10;
	v10 =	vsub.f32 v11, v16  }
0x11e: {  	(erf) = vpow2.f32 v8  }
0x11f: {  	v8 =	vmul.f32 $1.442695020e+00, v10;
	v10 =	vsub.f32 v12, v16  }
0x120: {  	(erf) = vpow2.f32 v9  }
0x121: {  	v9 =	vmul.f32 $1.442695020e+00, v10;
	v10 =	vsub.f32 v13, v16  }
0x122: {  	(erf) = vpow2.f32 v8  }
0x123: {  	v8 =	vmul.f32 $1.442695020e+00, v10;
	v10 =	vsub.f32 v14, v16  }
0x124: {  	(erf) = vpow2.f32 v9  }
0x125: {  	v9 =	vmul.f32 $1.442695020e+00, v10  }
0x126: {  	v10 =	vsub.f32 v15, v16;
	v11 =	vpop (erf);
	(erf) = vpow2.f32 v8  }
0x127: {  	v8 =	vpop (erf)  }
0x128: {  	v10 =	vmul.f32 $1.442695020e+00, v10;
	(erf) = vpow2.f32 v9;
	v8 =	vadd.f32 v8, v11  }
0x129: {  	v9 =	vpop (erf)  }
0x12a: {  	(erf) = vpow2.f32 v10;
	v8 =	vadd.f32 v8, v9  }
0x12b: {  	v9 =	vpop (erf)  }
0x12c: {  	v8 =	vadd.f32 v8, v9  }
0x12d: {  	v9 =	vpop (erf)  }
0x12e: {  	v8 =	vadd.f32 v8, v9  }
0x12f: {  	v9 =	vpop (erf)  }
0x130: {  	v8 =	vadd.f32 v8, v9  }
0x131: {  	s31 =	simm.s32 $0x80;
	v9 =	vpop (erf)  }
0x132: {  	v10 =	vor.u32 s31, v1;
	v8 =	vadd.f32 v8, v9  }
0x133: {  	v9 =	vor.u32 s31, v0;
	v11 =	vpop (erf)  }
0x134: {  	v58 =	vor.u32 s31, v2;
	v8 =	vadd.f32 v8, v11  }
0x135: {  	[tilespmem:s30+$0x0] =	vst v16;
	v11 =	vor.u32 s31, v3  }
0x136: {  	v59 =	vor.u32 s31, v4;
	[tilespmem:s23+$0x0] =	vst v8  }
0x137: {  	v8 =	vld.idx.msk [tilespmem:v10+s18+$0x0], $0xffff;
	v10 =	vor.u32 s31, v5  }
0x138: {  	v60 =	vor.u32 s31, v6;
	v9 =	vld.idx.msk [tilespmem:v9+s18+$0x0], $0xffff  }
0x139: {  	v61 =	vor.u32 s31, v7;
	v12 =	vld.idx.msk [tilespmem:v58+s18+$0x0], $0xffff  }
0x13a: {  	v11 =	vld.idx.msk [tilespmem:v11+s18+$0x0], $0xffff  }
0x13b: {  	v13 =	vld.idx.msk [tilespmem:v59+s18+$0x0], $0xffff  }
0x13c: {  	v10 =	vld.idx.msk [tilespmem:v10+s18+$0x0], $0xffff  }
0x13d: {  	v14 =	vld.idx.msk [tilespmem:v60+s18+$0x0], $0xffff;
	v62 =	vmax.f32 v9, v8  }
0x13e: {  	v15 =	vld.idx.msk [tilespmem:v61+s18+$0x0], $0xffff;
	v16 =	vmax.f32 v62, v12  }
0x13f: {  	v16 =	vmax.f32 v16, v11  }
0x140: {  	v16 =	vmax.f32 v16, v13  }
0x141: {  	v16 =	vmax.f32 v16, v10  }
0x142: {  	v16 =	vmax.f32 v16, v14  }
0x143: {  	v16 =	vmax.f32 v16, v15  }
0x144: {  	v9 =	vsub.f32 v9, v16  }
0x145: {  	v8 =	vsub.f32 v8, v16  }
0x146: {  	v9 =	vmul.f32 $1.442695020e+00, v9  }
0x147: {  	v12 =	vsub.f32 v12, v16;
	v8 =	vmul.f32 $1.442695020e+00, v8  }
0x148: {  	(erf) = vpow2.f32 v9  }
0x149: {  	v11 =	vsub.f32 v11, v16;
	v9 =	vmul.f32 $1.442695020e+00, v12;
	(erf) = vpow2.f32 v8;
	_ =	sdelay $0x1  }
0x14a: {  	v8 =	vmul.f32 $1.442695020e+00, v11;
	v11 =	vsub.f32 v13, v16;
	(erf) = vpow2.f32 v9  }
0x14b: {  	v10 =	vsub.f32 v10, v16  }
0x14c: {  	v9 =	vmul.f32 $1.442695020e+00, v11;
	(erf) = vpow2.f32 v8  }
0x14d: {  	v8 =	vmul.f32 $1.442695020e+00, v10;
	v10 =	vsub.f32 v14, v16  }
0x14e: {  	(erf) = vpow2.f32 v9  }
0x14f: {  	v9 =	vmul.f32 $1.442695020e+00, v10  }
0x150: {  	v10 =	vsub.f32 v15, v16;
	v11 =	vpop (erf);
	(erf) = vpow2.f32 v8  }
0x151: {  	v8 =	vpop (erf)  }
0x152: {  	v10 =	vmul.f32 $1.442695020e+00, v10;
	(erf) = vpow2.f32 v9;
	v8 =	vadd.f32 v8, v11  }
0x153: {  	v9 =	vpop (erf)  }
0x154: {  	(erf) = vpow2.f32 v10;
	v8 =	vadd.f32 v8, v9  }
0x155: {  	v9 =	vpop (erf)  }
0x156: {  	v8 =	vadd.f32 v8, v9  }
0x157: {  	v9 =	vpop (erf)  }
0x158: {  	v8 =	vadd.f32 v8, v9  }
0x159: {  	v9 =	vpop (erf)  }
0x15a: {  	v8 =	vadd.f32 v8, v9  }
0x15b: {  	s25 =	simm.s32 $0x100;
	v9 =	vpop (erf)  }
0x15c: {  	v11 =	vadd.f32 v8, v9;
	v8 =	vor.u32 s25, v1  }
0x15d: {  	s24 =	simm.s32 $0xFA10;
	v10 =	vor.u32 s25, v0;
	v63 =	vpop (erf)  }
0x15e: {  	s26 =	simm.s32 $0x180;
	[tilespmem:s24+$0x0] =	vst v16;
	v9 =	vor.u32 s25, v2;
	v11 =	vadd.f32 v11, v63  }
.LBB2_4:
0x15f: {  	p1 =	sne.s32 s26, $0x7C80;
	v12 =	vor.u32 s25, v3;
	s23 =	sadd.s32 $0x10, s23  }
0x160: {  	v13 =	vor.u32 s25, v4;
	[tilespmem:s23+$0x0] =	vst v11  }
0x161: {  	v11 =	vor.u32 s25, v5;
	v8 =	vld.idx.msk [tilespmem:v8+s18+$0x0], $0xffff  }
0x162: {  	v14 =	vor.u32 s25, v6;
	v10 =	vld.idx.msk [tilespmem:v10+s18+$0x0], $0xffff  }
0x163: {  	v15 =	vor.u32 s25, v7;
	s25 =	smov.u32 s26;
	v9 =	vld.idx.msk [tilespmem:v9+s18+$0x0], $0xffff  }
0x164: {  	v12 =	vld.idx.msk [tilespmem:v12+s18+$0x0], $0xffff  }
0x165: {  	v13 =	vld.idx.msk [tilespmem:v13+s18+$0x0], $0xffff  }
0x166: {  	v11 =	vld.idx.msk [tilespmem:v11+s18+$0x0], $0xffff  }
0x167: {  	v14 =	vld.idx.msk [tilespmem:v14+s18+$0x0], $0xffff  }
0x168: {  	v16 =	vmax.f32 v10, v8;
	v15 =	vld.idx.msk [tilespmem:v15+s18+$0x0], $0xffff  }
0x169: {  	v16 =	vmax.f32 v16, v9  }
0x16a: {  	v16 =	vmax.f32 v16, v12  }
0x16b: {  	v16 =	vmax.f32 v16, v13  }
0x16c: {  	v16 =	vmax.f32 v16, v11  }
0x16d: {  	v16 =	vmax.f32 v16, v14  }
0x16e: {  	s24 =	sadd.s32 $0x10, s24;
	v16 =	vmax.f32 v16, v15  }
0x16f: {  	v10 =	vsub.f32 v10, v16;
	[tilespmem:s24+$0x0] =	vst v16  }
0x170: {  	v8 =	vsub.f32 v8, v16  }
0x171: {  	v10 =	vmul.f32 $1.442695020e+00, v10  }
0x172: {  	v9 =	vsub.f32 v9, v16;
	v8 =	vmul.f32 $1.442695020e+00, v8  }
0x173: {  	(erf) = vpow2.f32 v10  }
0x174: {  	v9 =	vmul.f32 $1.442695020e+00, v9;
	v10 =	vsub.f32 v12, v16;
	(erf) = vpow2.f32 v8;
	_ =	sdelay $0x1  }
0x175: {  	v8 =	vmul.f32 $1.442695020e+00, v10;
	v10 =	vsub.f32 v13, v16;
	(erf) = vpow2.f32 v9;
	_ =	sdelay $0x1  }
0x176: {  	v9 =	vmul.f32 $1.442695020e+00, v10;
	v10 =	vsub.f32 v11, v16;
	(erf) = vpow2.f32 v8;
	_ =	sdelay $0x1  }
0x177: {  	v12 =	vmul.f32 $1.442695020e+00, v10;
	v10 =	vsub.f32 v14, v16;
	(erf) = vpow2.f32 v9;
	_ =	sdelay $0x1  }
0x178: {  	v13 =	vmul.f32 $1.442695020e+00, v10;
	v10 =	vsub.f32 v15, v16;
	v11 =	vpop (erf);
	(erf) = vpow2.f32 v12  }
0x179: {  	v8 =	vpop (erf)  }
0x17a: {  	v10 =	vmul.f32 $1.442695020e+00, v10;
	v8 =	vadd.f32 v8, v11;
	(erf) = vpow2.f32 v13  }
0x17b: {  	v9 =	vpop (erf)  }
0x17c: {  	v8 =	vadd.f32 v8, v9;
	(erf) = vpow2.f32 v10  }
0x17d: {  	v9 =	vpop (erf)  }
0x17e: {  	v8 =	vadd.f32 v8, v9  }
0x17f: {  	v9 =	vpop (erf)  }
0x180: {  	v8 =	vadd.f32 v8, v9  }
0x181: {  	v9 =	vpop (erf)  }
.Ltmp3:
0x182: {  	v9 =	vadd.f32 v8, v9;
	(pc) =	sbr.rel @p1 .LBB2_4-.Ltmp3, $4  }
0x183: {  	v10 =	vpop (erf)  }
0x184: {  	v8 =	vor.u32 s26, v1;
	v11 =	vadd.f32 v9, v10  }
0x185: {  	v10 =	vor.u32 s26, v0;
	v12 =	vpop (erf)  }
0x186: {  	v9 =	vor.u32 s25, v2;
	s26 =	sadd.s32 $0x80, s26;
	v11 =	vadd.f32 v11, v12  }
0x187: {  	_ =	sdelay $0x1  }
0x188: {  	v12 =	vor.u32 s25, v3;
	s23 =	sadd.s32 $0x10, s23  }
0x189: {  	v13 =	vor.u32 s25, v4;
	[tilespmem:s23+$0x0] =	vst v11  }
0x18a: {  	v11 =	vor.u32 s25, v5;
	v8 =	vld.idx.msk [tilespmem:v8+s18+$0x0], $0xffff  }
0x18b: {  	v14 =	vor.u32 s25, v6;
	v10 =	vld.idx.msk [tilespmem:v10+s18+$0x0], $0xffff  }
0x18c: {  	v15 =	vor.u32 s25, v7;
	v9 =	vld.idx.msk [tilespmem:v9+s18+$0x0], $0xffff  }
0x18d: {  	v12 =	vld.idx.msk [tilespmem:v12+s18+$0x0], $0xffff  }
0x18e: {  	v13 =	vld.idx.msk [tilespmem:v13+s18+$0x0], $0xffff  }
0x18f: {  	v11 =	vld.idx.msk [tilespmem:v11+s18+$0x0], $0xffff  }
0x190: {  	v14 =	vld.idx.msk [tilespmem:v14+s18+$0x0], $0xffff;
	v16 =	vmax.f32 v10, v8  }
0x191: {  	v15 =	vld.idx.msk [tilespmem:v15+s18+$0x0], $0xffff;
	v16 =	vmax.f32 v16, v9  }
0x192: {  	v16 =	vmax.f32 v16, v12  }
0x193: {  	v16 =	vmax.f32 v16, v13  }
0x194: {  	v16 =	vmax.f32 v16, v11  }
0x195: {  	v16 =	vmax.f32 v16, v14  }
0x196: {  	v16 =	vmax.f32 v16, v15  }
0x197: {  	v10 =	vsub.f32 v10, v16  }
0x198: {  	v8 =	vsub.f32 v8, v16  }
0x199: {  	v10 =	vmul.f32 $1.442695020e+00, v10  }
0x19a: {  	v9 =	vsub.f32 v9, v16;
	v8 =	vmul.f32 $1.442695020e+00, v8  }
0x19b: {  	(erf) = vpow2.f32 v10;
	v10 =	vsub.f32 v12, v16  }
0x19c: {  	v9 =	vmul.f32 $1.442695020e+00, v9;
	(erf) = vpow2.f32 v8  }
0x19d: {  	v8 =	vmul.f32 $1.442695020e+00, v10;
	v10 =	vsub.f32 v13, v16  }
0x19e: {  	(erf) = vpow2.f32 v9  }
0x19f: {  	v9 =	vmul.f32 $1.442695020e+00, v10;
	v10 =	vsub.f32 v11, v16  }
0x1a0: {  	(erf) = vpow2.f32 v8  }
0x1a1: {  	v8 =	vmul.f32 $1.442695020e+00, v10;
	v10 =	vsub.f32 v14, v16  }
0x1a2: {  	(erf) = vpow2.f32 v9  }
0x1a3: {  	v9 =	vmul.f32 $1.442695020e+00, v10  }
0x1a4: {  	v10 =	vsub.f32 v15, v16;
	v11 =	vpop (erf);
	(erf) = vpow2.f32 v8  }
0x1a5: {  	v8 =	vpop (erf)  }
0x1a6: {  	v10 =	vmul.f32 $1.442695020e+00, v10;
	(erf) = vpow2.f32 v9;
	v8 =	vadd.f32 v8, v11  }
0x1a7: {  	v9 =	vpop (erf)  }
0x1a8: {  	(erf) = vpow2.f32 v10;
	v8 =	vadd.f32 v8, v9  }
0x1a9: {  	v9 =	vpop (erf)  }
0x1aa: {  	v8 =	vadd.f32 v8, v9  }
0x1ab: {  	v9 =	vpop (erf)  }
0x1ac: {  	v8 =	vadd.f32 v8, v9  }
0x1ad: {  	v9 =	vpop (erf)  }
0x1ae: {  	v8 =	vadd.f32 v8, v9  }
0x1af: {  	v9 =	vpop (erf)  }
0x1b0: {  	v8 =	vadd.f32 v8, v9  }
0x1b1: {  	v9 =	vpop (erf)  }
0x1b2: {  	s24 =	sadd.s32 $0x10, s24;
	v8 =	vadd.f32 v8, v9  }
0x1b3: {  	s23 =	sadd.s32 $0x10, s23;
	[tilespmem:s24+$0x0] =	vst v16  }
0x1b4: {  	s29 =	simm.s32 $0x0;
	s30 =	simm.s32 $0xFA00;
	[tilespmem:s23+$0x0] =	vst v8  }
0x1b5: {  	[hbm4b:s8+s29] =	stream.linear.scatter [tilespmem:s30], [sflag:$0x2], $0xFA0, $0x38;
	[tilespmem:$0x11A00] =	vst v63  }
0x1b6: {  	_ =	swait.ge [sflag:s17], $0xFA0  }
0x1b7: {  	[sflag:s17] =	ssyncset.done $0x0  }
0x1b8: {  	s23 =	simm.s32 $0x10A00;
	[sflag:s17] =	ssyncadd.s32 $0xFFFFF060  }
0x1b9: {  	[hbm4b:s9+s29] =	stream.linear.scatter [tilespmem:s23], [sflag:$0x2], $0xFA0, $0x38;
	[tilespmem:$0x11A00] =	vst v63  }
0x1ba: {  	_ =	swait.ge [sflag:s17], $0xFA0  }
0x1bb: {  	[sflag:s17] =	ssyncset.done $0x0  }
0x1bc: {  	[sflag:s17] =	ssyncadd.s32 $0xFFFFF060  }
0x1bd: {  	[tilespmem:s29], [sflag:$0x2] =	stream.linear.gather [hbm4b:s10+s29], $0x7D00, $0x38;
	[tilespmem:$0x11A00] =	vst v63  }
0x1be: {  	_ =	swait.ge [sflag:s17], $0x7D00  }
0x1bf: {  	[sflag:s17] =	ssyncset.done $0x0  }
0x1c0: {  	v8 =	vor.u32 s29, v1;
	[sflag:s17] =	ssyncadd.s32 $0xFFFF8300  }
0x1c1: {  	v9 =	vor.u32 s29, v0;
	[tilespmem:s18], [sflag:$0x1] =	stream.indirect.gather [hbm4b:s3+s18], $0x1, s29, s18, $0xb8;
	[tilespmem:$0x11A00] =	vst v63  }
0x1c2: {  	v10 =	vor.u32 s29, v2;
	_ =	swait.ge [sflag:s19], $0x7D00  }
0x1c3: {  	v11 =	vor.u32 s29, v3;
	[sflag:s19] =	ssyncset.done $0x0  }
0x1c4: {  	v53 =	vor.u32 s29, v4;
	[sflag:s19] =	ssyncadd.s32 $0xFFFF8300  }
0x1c5: {  	v54 =	vor.u32 s29, v5;
	v8 =	vld.idx.msk [tilespmem:v8+s18+$0x0], $0xffff  }
0x1c6: {  	v55 =	vor.u32 s29, v6;
	v9 =	vld.idx.msk [tilespmem:v9+s18+$0x0], $0xffff  }
0x1c7: {  	v56 =	vor.u32 s29, v7;
	v10 =	vld.idx.msk [tilespmem:v10+s18+$0x0], $0xffff  }
0x1c8: {  	v11 =	vld.idx.msk [tilespmem:v11+s18+$0x0], $0xffff  }
0x1c9: {  	v12 =	vld.idx.msk [tilespmem:v53+s18+$0x0], $0xffff  }
0x1ca: {  	v13 =	vld.idx.msk [tilespmem:v54+s18+$0x0], $0xffff  }
0x1cb: {  	v14 =	vld.idx.msk [tilespmem:v55+s18+$0x0], $0xffff;
	v57 =	vmax.f32 v9, v8  }
0x1cc: {  	v15 =	vld.idx.msk [tilespmem:v56+s18+$0x0], $0xffff;
	v16 =	vmax.f32 v57, v10  }
0x1cd: {  	v16 =	vmax.f32 v16, v11  }
0x1ce: {  	v16 =	vmax.f32 v16, v12  }
0x1cf: {  	v16 =	vmax.f32 v16, v13  }
0x1d0: {  	v16 =	vmax.f32 v16, v14  }
0x1d1: {  	v16 =	vmax.f32 v16, v15  }
0x1d2: {  	v9 =	vsub.f32 v9, v16  }
0x1d3: {  	v8 =	vsub.f32 v8, v16  }
0x1d4: {  	v10 =	vsub.f32 v10, v16;
	v9 =	vmul.f32 $1.442695020e+00, v9  }
0x1d5: {  	v8 =	vmul.f32 $1.442695020e+00, v8  }
0x1d6: {  	(erf) = vpow2.f32 v9;
	v9 =	vmul.f32 $1.442695020e+00, v10;
	v10 =	vsub.f32 v11, v16  }
0x1d7: {  	(erf) = vpow2.f32 v8  }
0x1d8: {  	v8 =	vmul.f32 $1.442695020e+00, v10;
	v10 =	vsub.f32 v12, v16  }
0x1d9: {  	(erf) = vpow2.f32 v9  }
0x1da: {  	v9 =	vmul.f32 $1.442695020e+00, v10;
	v10 =	vsub.f32 v13, v16  }
0x1db: {  	(erf) = vpow2.f32 v8  }
0x1dc: {  	v8 =	vmul.f32 $1.442695020e+00, v10;
	v10 =	vsub.f32 v14, v16  }
0x1dd: {  	(erf) = vpow2.f32 v9  }
0x1de: {  	v9 =	vmul.f32 $1.442695020e+00, v10  }
0x1df: {  	v10 =	vsub.f32 v15, v16;
	v11 =	vpop (erf);
	(erf) = vpow2.f32 v8  }
0x1e0: {  	v8 =	vpop (erf)  }
0x1e1: {  	v10 =	vmul.f32 $1.442695020e+00, v10;
	(erf) = vpow2.f32 v9;
	v8 =	vadd.f32 v8, v11  }
0x1e2: {  	v9 =	vpop (erf)  }
0x1e3: {  	(erf) = vpow2.f32 v10;
	v8 =	vadd.f32 v8, v9  }
0x1e4: {  	v9 =	vpop (erf)  }
0x1e5: {  	v8 =	vadd.f32 v8, v9  }
0x1e6: {  	v9 =	vpop (erf)  }
0x1e7: {  	v8 =	vadd.f32 v8, v9  }
0x1e8: {  	v9 =	vpop (erf)  }
0x1e9: {  	v8 =	vadd.f32 v8, v9  }
0x1ea: {  	s31 =	simm.s32 $0x80;
	v9 =	vpop (erf)  }
0x1eb: {  	v10 =	vor.u32 s31, v1;
	v8 =	vadd.f32 v8, v9  }
0x1ec: {  	v9 =	vor.u32 s31, v0;
	v11 =	vpop (erf)  }
0x1ed: {  	v58 =	vor.u32 s31, v2;
	v8 =	vadd.f32 v8, v11  }
0x1ee: {  	[tilespmem:s30+$0x0] =	vst v16;
	v11 =	vor.u32 s31, v3  }
0x1ef: {  	v59 =	vor.u32 s31, v4;
	[tilespmem:s23+$0x0] =	vst v8  }
0x1f0: {  	v8 =	vld.idx.msk [tilespmem:v10+s18+$0x0], $0xffff;
	v10 =	vor.u32 s31, v5  }
0x1f1: {  	v60 =	vor.u32 s31, v6;
	v9 =	vld.idx.msk [tilespmem:v9+s18+$0x0], $0xffff  }
0x1f2: {  	v61 =	vor.u32 s31, v7;
	v12 =	vld.idx.msk [tilespmem:v58+s18+$0x0], $0xffff  }
0x1f3: {  	v11 =	vld.idx.msk [tilespmem:v11+s18+$0x0], $0xffff  }
0x1f4: {  	v13 =	vld.idx.msk [tilespmem:v59+s18+$0x0], $0xffff  }
0x1f5: {  	v10 =	vld.idx.msk [tilespmem:v10+s18+$0x0], $0xffff  }
0x1f6: {  	v14 =	vld.idx.msk [tilespmem:v60+s18+$0x0], $0xffff;
	v62 =	vmax.f32 v9, v8  }
0x1f7: {  	v15 =	vld.idx.msk [tilespmem:v61+s18+$0x0], $0xffff;
	v16 =	vmax.f32 v62, v12  }
0x1f8: {  	v16 =	vmax.f32 v16, v11  }
0x1f9: {  	v16 =	vmax.f32 v16, v13  }
0x1fa: {  	v16 =	vmax.f32 v16, v10  }
0x1fb: {  	v16 =	vmax.f32 v16, v14  }
0x1fc: {  	v16 =	vmax.f32 v16, v15  }
0x1fd: {  	v9 =	vsub.f32 v9, v16  }
0x1fe: {  	v8 =	vsub.f32 v8, v16  }
0x1ff: {  	v9 =	vmul.f32 $1.442695020e+00, v9  }
0x200: {  	v12 =	vsub.f32 v12, v16;
	v8 =	vmul.f32 $1.442695020e+00, v8  }
0x201: {  	(erf) = vpow2.f32 v9  }
0x202: {  	v11 =	vsub.f32 v11, v16;
	v9 =	vmul.f32 $1.442695020e+00, v12;
	(erf) = vpow2.f32 v8;
	_ =	sdelay $0x1  }
0x203: {  	v8 =	vmul.f32 $1.442695020e+00, v11;
	v11 =	vsub.f32 v13, v16;
	(erf) = vpow2.f32 v9  }
0x204: {  	v10 =	vsub.f32 v10, v16  }
0x205: {  	v9 =	vmul.f32 $1.442695020e+00, v11;
	(erf) = vpow2.f32 v8  }
0x206: {  	v8 =	vmul.f32 $1.442695020e+00, v10;
	v10 =	vsub.f32 v14, v16  }
0x207: {  	(erf) = vpow2.f32 v9  }
0x208: {  	v9 =	vmul.f32 $1.442695020e+00, v10  }
0x209: {  	v10 =	vsub.f32 v15, v16;
	v11 =	vpop (erf);
	(erf) = vpow2.f32 v8  }
0x20a: {  	v8 =	vpop (erf)  }
0x20b: {  	v10 =	vmul.f32 $1.442695020e+00, v10;
	(erf) = vpow2.f32 v9;
	v8 =	vadd.f32 v8, v11  }
0x20c: {  	v9 =	vpop (erf)  }
0x20d: {  	(erf) = vpow2.f32 v10;
	v8 =	vadd.f32 v8, v9  }
0x20e: {  	v9 =	vpop (erf)  }
0x20f: {  	v8 =	vadd.f32 v8, v9  }
0x210: {  	v9 =	vpop (erf)  }
0x211: {  	v8 =	vadd.f32 v8, v9  }
0x212: {  	v9 =	vpop (erf)  }
0x213: {  	v8 =	vadd.f32 v8, v9  }
0x214: {  	s25 =	simm.s32 $0x100;
	v9 =	vpop (erf)  }
0x215: {  	v11 =	vadd.f32 v8, v9;
	v8 =	vor.u32 s25, v1  }
0x216: {  	s24 =	simm.s32 $0xFA10;
	v10 =	vor.u32 s25, v0;
	v63 =	vpop (erf)  }
0x217: {  	s26 =	simm.s32 $0x180;
	[tilespmem:s24+$0x0] =	vst v16;
	v9 =	vor.u32 s25, v2;
	v11 =	vadd.f32 v11, v63  }
.LBB2_6:
0x218: {  	p1 =	sne.s32 s26, $0x7C80;
	v12 =	vor.u32 s25, v3;
	s23 =	sadd.s32 $0x10, s23  }
0x219: {  	v13 =	vor.u32 s25, v4;
	[tilespmem:s23+$0x0] =	vst v11  }
0x21a: {  	v11 =	vor.u32 s25, v5;
	v8 =	vld.idx.msk [tilespmem:v8+s18+$0x0], $0xffff  }
0x21b: {  	v14 =	vor.u32 s25, v6;
	v10 =	vld.idx.msk [tilespmem:v10+s18+$0x0], $0xffff  }
0x21c: {  	v15 =	vor.u32 s25, v7;
	s25 =	smov.u32 s26;
	v9 =	vld.idx.msk [tilespmem:v9+s18+$0x0], $0xffff  }
0x21d: {  	v12 =	vld.idx.msk [tilespmem:v12+s18+$0x0], $0xffff  }
0x21e: {  	v13 =	vld.idx.msk [tilespmem:v13+s18+$0x0], $0xffff  }
0x21f: {  	v11 =	vld.idx.msk [tilespmem:v11+s18+$0x0], $0xffff  }
0x220: {  	v14 =	vld.idx.msk [tilespmem:v14+s18+$0x0], $0xffff  }
0x221: {  	v16 =	vmax.f32 v10, v8;
	v15 =	vld.idx.msk [tilespmem:v15+s18+$0x0], $0xffff  }
0x222: {  	v16 =	vmax.f32 v16, v9  }
0x223: {  	v16 =	vmax.f32 v16, v12  }
0x224: {  	v16 =	vmax.f32 v16, v13  }
0x225: {  	v16 =	vmax.f32 v16, v11  }
0x226: {  	v16 =	vmax.f32 v16, v14  }
0x227: {  	s24 =	sadd.s32 $0x10, s24;
	v16 =	vmax.f32 v16, v15  }
0x228: {  	v10 =	vsub.f32 v10, v16;
	[tilespmem:s24+$0x0] =	vst v16  }
0x229: {  	v8 =	vsub.f32 v8, v16  }
0x22a: {  	v10 =	vmul.f32 $1.442695020e+00, v10  }
0x22b: {  	v9 =	vsub.f32 v9, v16;
	v8 =	vmul.f32 $1.442695020e+00, v8  }
0x22c: {  	(erf) = vpow2.f32 v10  }
0x22d: {  	v9 =	vmul.f32 $1.442695020e+00, v9;
	v10 =	vsub.f32 v12, v16;
	(erf) = vpow2.f32 v8;
	_ =	sdelay $0x1  }
0x22e: {  	v8 =	vmul.f32 $1.442695020e+00, v10;
	v10 =	vsub.f32 v13, v16;
	(erf) = vpow2.f32 v9;
	_ =	sdelay $0x1  }
0x22f: {  	v9 =	vmul.f32 $1.442695020e+00, v10;
	v10 =	vsub.f32 v11, v16;
	(erf) = vpow2.f32 v8;
	_ =	sdelay $0x1  }
0x230: {  	v12 =	vmul.f32 $1.442695020e+00, v10;
	v10 =	vsub.f32 v14, v16;
	(erf) = vpow2.f32 v9;
	_ =	sdelay $0x1  }
0x231: {  	v13 =	vmul.f32 $1.442695020e+00, v10;
	v10 =	vsub.f32 v15, v16;
	v11 =	vpop (erf);
	(erf) = vpow2.f32 v12  }
0x232: {  	v8 =	vpop (erf)  }
0x233: {  	v10 =	vmul.f32 $1.442695020e+00, v10;
	v8 =	vadd.f32 v8, v11;
	(erf) = vpow2.f32 v13  }
0x234: {  	v9 =	vpop (erf)  }
0x235: {  	v8 =	vadd.f32 v8, v9;
	(erf) = vpow2.f32 v10  }
0x236: {  	v9 =	vpop (erf)  }
0x237: {  	v8 =	vadd.f32 v8, v9  }
0x238: {  	v9 =	vpop (erf)  }
0x239: {  	v8 =	vadd.f32 v8, v9  }
0x23a: {  	v9 =	vpop (erf)  }
.Ltmp4:
0x23b: {  	v9 =	vadd.f32 v8, v9;
	(pc) =	sbr.rel @p1 .LBB2_6-.Ltmp4, $4  }
0x23c: {  	v10 =	vpop (erf)  }
0x23d: {  	v8 =	vor.u32 s26, v1;
	v11 =	vadd.f32 v9, v10  }
0x23e: {  	v10 =	vor.u32 s26, v0;
	v12 =	vpop (erf)  }
0x23f: {  	v9 =	vor.u32 s25, v2;
	s26 =	sadd.s32 $0x80, s26;
	v11 =	vadd.f32 v11, v12  }
0x240: {  	_ =	sdelay $0x1  }
0x241: {  	v12 =	vor.u32 s25, v3;
	s23 =	sadd.s32 $0x10, s23  }
0x242: {  	v13 =	vor.u32 s25, v4;
	[tilespmem:s23+$0x0] =	vst v11  }
0x243: {  	v49 =	vor.u32 s25, v5;
	v8 =	vld.idx.msk [tilespmem:v8+s18+$0x0], $0xffff  }
0x244: {  	v14 =	vor.u32 s25, v6;
	v10 =	vld.idx.msk [tilespmem:v10+s18+$0x0], $0xffff  }
0x245: {  	v15 =	vor.u32 s25, v7;
	v9 =	vld.idx.msk [tilespmem:v9+s18+$0x0], $0xffff  }
0x246: {  	v12 =	vld.idx.msk [tilespmem:v12+s18+$0x0], $0xffff  }
0x247: {  	v13 =	vld.idx.msk [tilespmem:v13+s18+$0x0], $0xffff  }
0x248: {  	v11 =	vld.idx.msk [tilespmem:v49+s18+$0x0], $0xffff  }
0x249: {  	v14 =	vld.idx.msk [tilespmem:v14+s18+$0x0], $0xffff;
	v16 =	vmax.f32 v10, v8  }
0x24a: {  	v15 =	vld.idx.msk [tilespmem:v15+s18+$0x0], $0xffff;
	v16 =	vmax.f32 v16, v9  }
0x24b: {  	v16 =	vmax.f32 v16, v12  }
0x24c: {  	v16 =	vmax.f32 v16, v13  }
0x24d: {  	v16 =	vmax.f32 v16, v11  }
0x24e: {  	v16 =	vmax.f32 v16, v14  }
0x24f: {  	v16 =	vmax.f32 v16, v15  }
0x250: {  	v10 =	vsub.f32 v10, v16  }
0x251: {  	v8 =	vsub.f32 v8, v16  }
0x252: {  	v10 =	vmul.f32 $1.442695020e+00, v10  }
0x253: {  	v9 =	vsub.f32 v9, v16;
	v8 =	vmul.f32 $1.442695020e+00, v8  }
0x254: {  	(erf) = vpow2.f32 v10  }
0x255: {  	v50 =	vsub.f32 v12, v16;
	v9 =	vmul.f32 $1.442695020e+00, v9;
	(erf) = vpow2.f32 v8;
	_ =	sdelay $0x1  }
0x256: {  	v51 =	vsub.f32 v13, v16;
	v8 =	vmul.f32 $1.442695020e+00, v50;
	(erf) = vpow2.f32 v9  }
0x257: {  	v53 =	vsub.f32 v11, v16  }
0x258: {  	v52 =	vmul.f32 $1.442695020e+00, v51;
	(erf) = vpow2.f32 v8  }
0x259: {  	v8 =	vmul.f32 $1.442695020e+00, v53  }
0x25a: {  	v54 =	vsub.f32 v14, v16;
	(erf) = vpow2.f32 v52;
	_ =	sdelay $0x1  }
0x25b: {  	v56 =	vsub.f32 v15, v16;
	v55 =	vmul.f32 $1.442695020e+00, v54;
	v57 =	vpop (erf);
	(erf) = vpow2.f32 v8  }
0x25c: {  	v8 =	vpop (erf)  }
0x25d: {  	v10 =	vmul.f32 $1.442695020e+00, v56;
	(erf) = vpow2.f32 v55;
	v8 =	vadd.f32 v8, v57  }
0x25e: {  	v58 =	vpop (erf)  }
0x25f: {  	(erf) = vpow2.f32 v10;
	v8 =	vadd.f32 v8, v58  }
0x260: {  	v59 =	vpop (erf)  }
0x261: {  	v8 =	vadd.f32 v8, v59  }
0x262: {  	v60 =	vpop (erf)  }
0x263: {  	v8 =	vadd.f32 v8, v60  }
0x264: {  	v61 =	vpop (erf)  }
0x265: {  	v8 =	vadd.f32 v8, v61  }
0x266: {  	v62 =	vpop (erf)  }
0x267: {  	v8 =	vadd.f32 v8, v62  }
0x268: {  	v63 =	vpop (erf)  }
0x269: {  	s24 =	sadd.s32 $0x10, s24;
	v8 =	vadd.f32 v8, v63  }
0x26a: {  	s23 =	sadd.s32 $0x10, s23;
	[tilespmem:s24+$0x0] =	vst v16  }
0x26b: {  	[tilespmem:s23+$0x0] =	vst v8  }
0x26c: {  	[hbm4b:s11+s2] =	stream.linear.scatter [tilespmem:s20], [sflag:$0x2], $0xFA0, $0x38;
	[tilespmem:$0x11A00] =	vst v63  }
0x26d: {  	_ =	swait.ge [sflag:s17], $0xFA0  }
0x26e: {  	[sflag:s17] =	ssyncset.done $0x0  }
.Ltmp5:
0x26f: {  	[sflag:s17] =	ssyncadd.s32 $0xFFFFF060;
	(pc) =	sbr.rel @p0 .LBB2_11-.Ltmp5, $4  }
0x270: {  	[hbm4b:s12+s2] =	stream.linear.scatter [tilespmem:s21], [sflag:$0x2], $0xFA0, $0x38;
	[tilespmem:$0x11A00] =	vst v63  }
0x271: {  	_ =	swait.ge [sflag:s17], $0xFA0  }
0x272: {  	[sflag:s17] =	ssyncset.done $0x0  }
0x273: {  	[sflag:s17] =	ssyncadd.s32 $0xFFFFF060  }
0x274: {  	s23 =	simm.s32 $0x0  }
0x275: {  	[tilespmem:s23], [sflag:$0x2] =	stream.linear.gather [hbm4b:s13+s23], $0x7D00, $0x38;
	[tilespmem:$0x11A00] =	vst v63  }
0x276: {  	_ =	swait.ge [sflag:s17], $0x7D00  }
0x277: {  	[sflag:s17] =	ssyncset.done $0x0  }
0x278: {  	v8 =	vor.u32 s23, v1;
	[sflag:s17] =	ssyncadd.s32 $0xFFFF8300  }
0x279: {  	v9 =	vor.u32 s23, v0;
	[tilespmem:s18], [sflag:$0x1] =	stream.indirect.gather [hbm4b:s3+s18], $0x1, s23, s18, $0xb8;
	[tilespmem:$0x11A00] =	vst v63  }
0x27a: {  	v10 =	vor.u32 s23, v2;
	_ =	swait.ge [sflag:s19], $0x7D00  }
0x27b: {  	v11 =	vor.u32 s23, v3;
	[sflag:s19] =	ssyncset.done $0x0  }
0x27c: {  	v12 =	vor.u32 s23, v4;
	[sflag:s19] =	ssyncadd.s32 $0xFFFF8300  }
0x27d: {  	v13 =	vor.u32 s23, v5;
	v8 =	vld.idx.msk [tilespmem:v8+s18+$0x0], $0xffff  }
0x27e: {  	v14 =	vor.u32 s23, v6;
	v9 =	vld.idx.msk [tilespmem:v9+s18+$0x0], $0xffff  }
0x27f: {  	v15 =	vor.u32 s23, v7;
	v10 =	vld.idx.msk [tilespmem:v10+s18+$0x0], $0xffff  }
0x280: {  	v11 =	vld.idx.msk [tilespmem:v11+s18+$0x0], $0xffff  }
0x281: {  	v12 =	vld.idx.msk [tilespmem:v12+s18+$0x0], $0xffff  }
0x282: {  	v13 =	vld.idx.msk [tilespmem:v13+s18+$0x0], $0xffff  }
0x283: {  	v14 =	vld.idx.msk [tilespmem:v14+s18+$0x0], $0xffff;
	v16 =	vmax.f32 v9, v8  }
0x284: {  	v15 =	vld.idx.msk [tilespmem:v15+s18+$0x0], $0xffff;
	v16 =	vmax.f32 v16, v10  }
0x285: {  	v16 =	vmax.f32 v16, v11  }
0x286: {  	v16 =	vmax.f32 v16, v12  }
0x287: {  	v16 =	vmax.f32 v16, v13  }
0x288: {  	v16 =	vmax.f32 v16, v14  }
0x289: {  	v16 =	vmax.f32 v16, v15  }
0x28a: {  	v9 =	vsub.f32 v9, v16  }
0x28b: {  	v8 =	vsub.f32 v8, v16  }
0x28c: {  	v10 =	vsub.f32 v10, v16;
	v9 =	vmul.f32 $1.442695020e+00, v9  }
0x28d: {  	v8 =	vmul.f32 $1.442695020e+00, v8  }
0x28e: {  	(erf) = vpow2.f32 v9;
	v9 =	vmul.f32 $1.442695020e+00, v10;
	v10 =	vsub.f32 v11, v16  }
0x28f: {  	(erf) = vpow2.f32 v8  }
0x290: {  	v8 =	vmul.f32 $1.442695020e+00, v10;
	v10 =	vsub.f32 v12, v16  }
0x291: {  	(erf) = vpow2.f32 v9  }
0x292: {  	v9 =	vmul.f32 $1.442695020e+00, v10;
	v10 =	vsub.f32 v13, v16  }
0x293: {  	(erf) = vpow2.f32 v8  }
0x294: {  	v8 =	vmul.f32 $1.442695020e+00, v10;
	v10 =	vsub.f32 v14, v16  }
0x295: {  	(erf) = vpow2.f32 v9  }
0x296: {  	v9 =	vmul.f32 $1.442695020e+00, v10  }
0x297: {  	v10 =	vsub.f32 v15, v16;
	v11 =	vpop (erf);
	(erf) = vpow2.f32 v8  }
0x298: {  	v8 =	vpop (erf)  }
0x299: {  	v10 =	vmul.f32 $1.442695020e+00, v10;
	(erf) = vpow2.f32 v9;
	v8 =	vadd.f32 v8, v11  }
0x29a: {  	v9 =	vpop (erf)  }
0x29b: {  	(erf) = vpow2.f32 v10;
	v8 =	vadd.f32 v8, v9  }
0x29c: {  	v9 =	vpop (erf)  }
0x29d: {  	v8 =	vadd.f32 v8, v9  }
0x29e: {  	v9 =	vpop (erf)  }
0x29f: {  	v8 =	vadd.f32 v8, v9  }
0x2a0: {  	v9 =	vpop (erf)  }
0x2a1: {  	v8 =	vadd.f32 v8, v9  }
0x2a2: {  	s24 =	simm.s32 $0x80;
	v9 =	vpop (erf)  }
0x2a3: {  	v10 =	vor.u32 s24, v1;
	v8 =	vadd.f32 v8, v9  }
0x2a4: {  	v9 =	vor.u32 s24, v0;
	v11 =	vpop (erf)  }
0x2a5: {  	s25 =	simm.s32 $0xFA00;
	v58 =	vor.u32 s24, v2;
	v8 =	vadd.f32 v8, v11  }
0x2a6: {  	s23 =	simm.s32 $0x10A00;
	[tilespmem:s25+$0x0] =	vst v16;
	v11 =	vor.u32 s24, v3  }
0x2a7: {  	v59 =	vor.u32 s24, v4;
	[tilespmem:s23+$0x0] =	vst v8  }
0x2a8: {  	v8 =	vld.idx.msk [tilespmem:v10+s18+$0x0], $0xffff;
	v10 =	vor.u32 s24, v5  }
0x2a9: {  	v60 =	vor.u32 s24, v6;
	v9 =	vld.idx.msk [tilespmem:v9+s18+$0x0], $0xffff  }
0x2aa: {  	v61 =	vor.u32 s24, v7;
	v12 =	vld.idx.msk [tilespmem:v58+s18+$0x0], $0xffff  }
0x2ab: {  	v11 =	vld.idx.msk [tilespmem:v11+s18+$0x0], $0xffff  }
0x2ac: {  	v13 =	vld.idx.msk [tilespmem:v59+s18+$0x0], $0xffff  }
0x2ad: {  	v10 =	vld.idx.msk [tilespmem:v10+s18+$0x0], $0xffff  }
0x2ae: {  	v14 =	vld.idx.msk [tilespmem:v60+s18+$0x0], $0xffff;
	v62 =	vmax.f32 v9, v8  }
0x2af: {  	v15 =	vld.idx.msk [tilespmem:v61+s18+$0x0], $0xffff;
	v16 =	vmax.f32 v62, v12  }
0x2b0: {  	v16 =	vmax.f32 v16, v11  }
0x2b1: {  	v16 =	vmax.f32 v16, v13  }
0x2b2: {  	v16 =	vmax.f32 v16, v10  }
0x2b3: {  	v16 =	vmax.f32 v16, v14  }
0x2b4: {  	v16 =	vmax.f32 v16, v15  }
0x2b5: {  	v9 =	vsub.f32 v9, v16  }
0x2b6: {  	v8 =	vsub.f32 v8, v16  }
0x2b7: {  	v9 =	vmul.f32 $1.442695020e+00, v9  }
0x2b8: {  	v12 =	vsub.f32 v12, v16;
	v8 =	vmul.f32 $1.442695020e+00, v8  }
0x2b9: {  	(erf) = vpow2.f32 v9  }
0x2ba: {  	v11 =	vsub.f32 v11, v16;
	v9 =	vmul.f32 $1.442695020e+00, v12;
	(erf) = vpow2.f32 v8;
	_ =	sdelay $0x1  }
0x2bb: {  	v8 =	vmul.f32 $1.442695020e+00, v11;
	v11 =	vsub.f32 v13, v16;
	(erf) = vpow2.f32 v9  }
0x2bc: {  	v10 =	vsub.f32 v10, v16  }
0x2bd: {  	v9 =	vmul.f32 $1.442695020e+00, v11;
	(erf) = vpow2.f32 v8  }
0x2be: {  	v8 =	vmul.f32 $1.442695020e+00, v10;
	v10 =	vsub.f32 v14, v16  }
0x2bf: {  	(erf) = vpow2.f32 v9  }
0x2c0: {  	v9 =	vmul.f32 $1.442695020e+00, v10  }
0x2c1: {  	v10 =	vsub.f32 v15, v16;
	v11 =	vpop (erf);
	(erf) = vpow2.f32 v8  }
0x2c2: {  	v8 =	vpop (erf)  }
0x2c3: {  	v10 =	vmul.f32 $1.442695020e+00, v10;
	(erf) = vpow2.f32 v9;
	v8 =	vadd.f32 v8, v11  }
0x2c4: {  	v9 =	vpop (erf)  }
0x2c5: {  	(erf) = vpow2.f32 v10;
	v8 =	vadd.f32 v8, v9  }
0x2c6: {  	v9 =	vpop (erf)  }
0x2c7: {  	v8 =	vadd.f32 v8, v9  }
0x2c8: {  	v9 =	vpop (erf)  }
0x2c9: {  	v8 =	vadd.f32 v8, v9  }
0x2ca: {  	v9 =	vpop (erf)  }
0x2cb: {  	v8 =	vadd.f32 v8, v9  }
0x2cc: {  	s25 =	simm.s32 $0x100;
	v9 =	vpop (erf)  }
0x2cd: {  	v11 =	vadd.f32 v8, v9;
	v8 =	vor.u32 s25, v1  }
0x2ce: {  	s24 =	simm.s32 $0xFA10;
	v10 =	vor.u32 s25, v0;
	v63 =	vpop (erf)  }
0x2cf: {  	s26 =	simm.s32 $0x180;
	[tilespmem:s24+$0x0] =	vst v16;
	v9 =	vor.u32 s25, v2;
	v11 =	vadd.f32 v11, v63  }
.LBB2_9:
0x2d0: {  	p1 =	sne.s32 s26, $0x7C80;
	v12 =	vor.u32 s25, v3;
	s23 =	sadd.s32 $0x10, s23  }
0x2d1: {  	v13 =	vor.u32 s25, v4;
	[tilespmem:s23+$0x0] =	vst v11  }
0x2d2: {  	v11 =	vor.u32 s25, v5;
	v8 =	vld.idx.msk [tilespmem:v8+s18+$0x0], $0xffff  }
0x2d3: {  	v14 =	vor.u32 s25, v6;
	v10 =	vld.idx.msk [tilespmem:v10+s18+$0x0], $0xffff  }
0x2d4: {  	v15 =	vor.u32 s25, v7;
	s25 =	smov.u32 s26;
	v9 =	vld.idx.msk [tilespmem:v9+s18+$0x0], $0xffff  }
0x2d5: {  	v12 =	vld.idx.msk [tilespmem:v12+s18+$0x0], $0xffff  }
0x2d6: {  	v13 =	vld.idx.msk [tilespmem:v13+s18+$0x0], $0xffff  }
0x2d7: {  	v11 =	vld.idx.msk [tilespmem:v11+s18+$0x0], $0xffff  }
0x2d8: {  	v14 =	vld.idx.msk [tilespmem:v14+s18+$0x0], $0xffff  }
0x2d9: {  	v16 =	vmax.f32 v10, v8;
	v15 =	vld.idx.msk [tilespmem:v15+s18+$0x0], $0xffff  }
0x2da: {  	v16 =	vmax.f32 v16, v9  }
0x2db: {  	v16 =	vmax.f32 v16, v12  }
0x2dc: {  	v16 =	vmax.f32 v16, v13  }
0x2dd: {  	v16 =	vmax.f32 v16, v11  }
0x2de: {  	v16 =	vmax.f32 v16, v14  }
0x2df: {  	s24 =	sadd.s32 $0x10, s24;
	v16 =	vmax.f32 v16, v15  }
0x2e0: {  	v10 =	vsub.f32 v10, v16;
	[tilespmem:s24+$0x0] =	vst v16  }
0x2e1: {  	v8 =	vsub.f32 v8, v16  }
0x2e2: {  	v10 =	vmul.f32 $1.442695020e+00, v10  }
0x2e3: {  	v9 =	vsub.f32 v9, v16;
	v8 =	vmul.f32 $1.442695020e+00, v8  }
0x2e4: {  	(erf) = vpow2.f32 v10  }
0x2e5: {  	v9 =	vmul.f32 $1.442695020e+00, v9;
	v10 =	vsub.f32 v12, v16;
	(erf) = vpow2.f32 v8;
	_ =	sdelay $0x1  }
0x2e6: {  	v8 =	vmul.f32 $1.442695020e+00, v10;
	v10 =	vsub.f32 v13, v16;
	(erf) = vpow2.f32 v9;
	_ =	sdelay $0x1  }
0x2e7: {  	v9 =	vmul.f32 $1.442695020e+00, v10;
	v10 =	vsub.f32 v11, v16;
	(erf) = vpow2.f32 v8;
	_ =	sdelay $0x1  }
0x2e8: {  	v12 =	vmul.f32 $1.442695020e+00, v10;
	v10 =	vsub.f32 v14, v16;
	(erf) = vpow2.f32 v9;
	_ =	sdelay $0x1  }
0x2e9: {  	v13 =	vmul.f32 $1.442695020e+00, v10;
	v10 =	vsub.f32 v15, v16;
	v11 =	vpop (erf);
	(erf) = vpow2.f32 v12  }
0x2ea: {  	v8 =	vpop (erf)  }
0x2eb: {  	v10 =	vmul.f32 $1.442695020e+00, v10;
	v8 =	vadd.f32 v8, v11;
	(erf) = vpow2.f32 v13  }
0x2ec: {  	v9 =	vpop (erf)  }
0x2ed: {  	v8 =	vadd.f32 v8, v9;
	(erf) = vpow2.f32 v10  }
0x2ee: {  	v9 =	vpop (erf)  }
0x2ef: {  	v8 =	vadd.f32 v8, v9  }
0x2f0: {  	v9 =	vpop (erf)  }
0x2f1: {  	v8 =	vadd.f32 v8, v9  }
0x2f2: {  	v9 =	vpop (erf)  }
.Ltmp6:
0x2f3: {  	v9 =	vadd.f32 v8, v9;
	(pc) =	sbr.rel @p1 .LBB2_9-.Ltmp6, $4  }
0x2f4: {  	v10 =	vpop (erf)  }
0x2f5: {  	v8 =	vor.u32 s26, v1;
	v11 =	vadd.f32 v9, v10  }
0x2f6: {  	v10 =	vor.u32 s26, v0;
	v12 =	vpop (erf)  }
0x2f7: {  	v9 =	vor.u32 s25, v2;
	s26 =	sadd.s32 $0x80, s26;
	v11 =	vadd.f32 v11, v12  }
.Ltmp7:
0x2f8: {  	_ = 	snop;
	(pc) =	sbr.rel .LBB2_10-.Ltmp7, $1  }
0x2f9: {  	_ =	sdelay $0x3  }
.LBB2_12:
0x2fa: {  	_ =	sfence.sel $0x180000  }
0x2fb: {  	[bflag:$0x0] =	sbarrier.arrive $0xFFFF  }
0x2fc: {  	p0 =	sne.s32 s0, $0x0;
	_ =	strace $0x9000004A  }
0x2fd: {  	s0 =	sadd.s32 @!p0 $0x100000, s1;
	[bflag:$0x2] =	sbarrier.arrive $0xFFFF  }
0x2fe: {  	[sflag:s0] =	ssyncadd.tile.s32 @!p0 $0x1;
	_ =	shalt  }
.Lfunc_end2:
_tile_overlayer_lowered:
.L_overlay_start_2:
0x2ff: {  	(tag) =	ssettag $0x2  }
0x300: {  	s0 =	rddreg [dreg:$0x0];
	s2 =	stileid.u32  }
0x301: {  	s1 =	rddreg [dreg:$0x1];
	p0 =	sne.s32 s2, $0x0  }
0x302: {  	s3 =	rddreg [dreg:$0x2];
	[bflag:$0x3] =	sbarrier.arrive $0xFFFF;
	s2 =	simm.s32 @!p0 $0x1C02  }
0x303: {  	[timem:s3], [sflag:s2] =	dma.local @!p0 [hbm:s0], s1  }
0x304: {  	s0 =	simm.s32 @!p0 $0x2  }
0x305: {  	_ =	swait.ge @!p0 [sflag:s0], s1  }
0x306: {  	s1 =	ssub.s32 @!p0 $0x0, s1;
	[sflag:s0] =	ssyncset.done @!p0 $0x0  }
0x307: {  	[sflag:s0] =	ssyncadd.s32 @!p0 s1  }
0x308: {  	[bflag:$0x3] =	sbarrier.arrive $0xFFFF  }
0x309: {  	_ =	shalt  }

</sc_bundles>
